<compile_context>
chip_gen: v7x
topology: tpu7x:2x2x1
jax: 0.10.2.dev20260603
libtpu: 0.0.44.dev20260713+nightly
codegen_flags: <defaults>
</compile_context>

<pallas_src>
import functools

import jax
import jax.numpy as jnp
from jax import lax
from jax.experimental import pallas as pl
from jax.experimental.pallas import tpu as pltpu
from jax.experimental.pallas import tpu_sc as plsc

BATCH = 16384
EMB = 32
NC = 2
NS = 16
NW = NC * NS
BPW = BATCH // NW
CHUNK = 16
NCHUNK = BPW // CHUNK


def _mf_body(u1, v1, ue_t, ve_t, bu, bv, out,
             idx_u, idx_v, buf, bias_u, bias_v, obuf, sem, bsem):
    wid = lax.axis_index("s") * NC + lax.axis_index("c")
    base = wid * BPW

    pltpu.sync_copy(u1.at[pl.ds(base, BPW)], idx_u)
    pltpu.sync_copy(v1.at[pl.ds(base, BPW)], idx_v)

    bdescs = []
    for k in range(4):
        sl = pl.ds(k * 128, 128)
        bdescs.append(pltpu.async_copy(bu.at[idx_u.at[sl]], bias_u.at[sl], bsem))
        bdescs.append(pltpu.async_copy(bv.at[idx_v.at[sl]], bias_v.at[sl], bsem))

    lanes = lax.iota(jnp.int32, 16)
    mask127 = jnp.full((16,), 127, jnp.int32)

    def chunk_body(c, carry):
        r0 = pl.multiple_of(c * CHUNK, CHUNK)

        ivec_u = idx_u[pl.ds(r0, 16)]
        ivec_v = idx_v[pl.ds(r0, 16)]
        cvec_u = (ivec_u >> 7) << 7
        cvec_v = (ivec_v >> 7) << 7
        colu = jnp.bitwise_and(ivec_u, mask127)
        colv = jnp.bitwise_and(ivec_v, mask127)

        descs = []
        for r in range(CHUNK):
            cu = pl.multiple_of(cvec_u[r], 128)
            descs.append(pltpu.async_copy(
                ue_t.at[:, pl.ds(cu, 128)], buf.at[r], sem))
        for d in descs:
            d.wait()
        uvals = []
        for e in range(EMB):
            esplat = jnp.full((16,), e, jnp.int32)
            uvals.append(plsc.load_gather(buf, [lanes, esplat, colu]))

        descs = []
        for r in range(CHUNK):
            cv = pl.multiple_of(cvec_v[r], 128)
            descs.append(pltpu.async_copy(
                ve_t.at[:, pl.ds(cv, 128)], buf.at[r], sem))
        for d in descs:
            d.wait()
        acc = jnp.zeros((16,), jnp.float32)
        for e in range(EMB):
            esplat = jnp.full((16,), e, jnp.int32)
            acc = acc + uvals[e] * plsc.load_gather(buf, [lanes, esplat, colv])

        obuf[pl.ds(r0, 16)] = acc
        return carry

    lax.fori_loop(0, NCHUNK, chunk_body, 0)

    for d in bdescs:
        d.wait()

    def addb(g, carry):
        r0 = pl.multiple_of(g * 16, 16)
        obuf[pl.ds(r0, 16)] = (obuf[pl.ds(r0, 16)]
                               + bias_u[pl.ds(r0, 16)] + bias_v[pl.ds(r0, 16)])
        return carry

    lax.fori_loop(0, BPW // 16, addb, 0)
    pltpu.sync_copy(obuf, out.at[pl.ds(base, BPW)])


def kernel(u, v, user_emb, movie_emb, user_bias, movie_bias):
    mesh = plsc.VectorSubcoreMesh(core_axis_name="c", subcore_axis_name="s")
    run = functools.partial(
        pl.kernel,
        mesh=mesh,
        compiler_params=pltpu.CompilerParams(
            needs_layout_passes=False, use_tc_tiling_on_sc=True),
        out_type=jax.ShapeDtypeStruct((BATCH,), jnp.float32),
        scratch_types=[
            pltpu.VMEM((BPW,), jnp.int32),
            pltpu.VMEM((BPW,), jnp.int32),
            pltpu.VMEM((CHUNK, EMB, 128), jnp.float32),
            pltpu.VMEM((BPW,), jnp.float32),
            pltpu.VMEM((BPW,), jnp.float32),
            pltpu.VMEM((BPW,), jnp.float32),
            pltpu.SemaphoreType.DMA,
            pltpu.SemaphoreType.DMA,
        ],
    )(_mf_body)
    return run(u, v, user_emb.T, movie_emb.T,
               user_bias.reshape(-1), movie_bias.reshape(-1))

# --- scband reference (transcript-rebuilt; emitter-appended) ---
"""Pipeline reference for scband-mfbias-72421738545300 (READ-ONLY COPY).

The authoritative reference and input builder live on the scoring server;
editing this copy changes nothing except your own understanding.
"""

import jax, jax.numpy as jnp
import numpy as np

NUM_USER = 1000000
NUM_MOVIE = 1000000
EMB_SIZE = 32
BATCH = 16384


def setup_inputs(seed: int = 0) -> dict:
    key = jax.random.key(seed)
    k_u, k_v, k_ue, k_ve, k_ub, k_vb = jax.random.split(key, 6)
    u = jax.random.randint(k_u, (BATCH,), 0, NUM_USER, dtype=jnp.int64 if jax.config.jax_enable_x64 else jnp.int32).astype(jnp.int32)
    v = jax.random.randint(k_v, (BATCH,), 0, NUM_MOVIE, dtype=jnp.int32)
    # learned parameters, initialized like the torch module
    user_emb = jax.random.uniform(k_ue, (NUM_USER, EMB_SIZE), dtype=jnp.float32, minval=0.0, maxval=0.05)
    movie_emb = jax.random.uniform(k_ve, (NUM_MOVIE, EMB_SIZE), dtype=jnp.float32, minval=0.0, maxval=0.05)
    user_bias = jax.random.uniform(k_ub, (NUM_USER, 1), dtype=jnp.float32, minval=-0.01, maxval=0.01)
    movie_bias = jax.random.uniform(k_vb, (NUM_MOVIE, 1), dtype=jnp.float32, minval=-0.01, maxval=0.01)
    return {"u": u, "v": v, "user_emb": user_emb, "movie_emb": movie_emb, "user_bias": user_bias, "movie_bias": movie_bias}


def reference(u, v, user_emb, movie_emb, user_bias, movie_bias):
    U = jnp.take(user_emb, u, axis=0)          # [B, E]
    V = jnp.take(movie_emb, v, axis=0)         # [B, E]
    b_u = jnp.take(user_bias, u, axis=0).squeeze(-1)   # [B]
    b_v = jnp.take(movie_bias, v, axis=0).squeeze(-1)  # [B]
    return (U * V).sum(axis=1) + b_u + b_v

if __name__ == "__main__":
    import jax
    _d = setup_inputs()
    print(jax.jit(kernel)(*tuple(_d.values())))

</pallas_src>

<mosaic_0001>
#map = affine_map<(d0, d1) -> (0)>
#map1 = affine_map<(d0, d1) -> (0, 0)>
module attributes {stable_mosaic.version = 14 : i64} {
  func.func @_mf_body(%arg0: i32, %arg1: i32, %arg2: memref<16384xi32, #tpu.memory_space<hbm>>, %arg3: memref<16384xi32, #tpu.memory_space<hbm>>, %arg4: memref<32x1000000xf32, #tpu.memory_space<hbm>>, %arg5: memref<32x1000000xf32, #tpu.memory_space<hbm>>, %arg6: memref<1000000xf32, #tpu.memory_space<hbm>>, %arg7: memref<1000000xf32, #tpu.memory_space<hbm>>, %arg8: memref<16384xf32, #tpu.memory_space<hbm>>, %arg9: memref<512xi32, #tpu.memory_space<vmem>>, %arg10: memref<512xi32, #tpu.memory_space<vmem>>, %arg11: memref<16x32x128xf32, #tpu.memory_space<vmem>>, %arg12: memref<512xf32, #tpu.memory_space<vmem>>, %arg13: memref<512xf32, #tpu.memory_space<vmem>>, %arg14: memref<512xf32, #tpu.memory_space<vmem>>, %arg15: memref<!tpu.dma_semaphore, #tpu.memory_space<semaphore_mem>>, %arg16: memref<!tpu.dma_semaphore, #tpu.memory_space<semaphore_mem>>) attributes {dimension_semantics = [#tpu.dimension_semantics<core_parallel>, #tpu.dimension_semantics<subcore_parallel>], iteration_bounds = array<i64: 2, 16>, scalar_prefetch = 0 : i64, scratch_operands = 8 : i64, tpu.core_type = #tpu.core_type<sc_vector_subcore>, window_params = [{transform_indices = #map}, {transform_indices = #map}, {transform_indices = #map1}, {transform_indices = #map1}, {transform_indices = #map}, {transform_indices = #map}, {transform_indices = #map}]} {
    %mul3A = arith.constant 2 : i32
    %mul3A_0 = arith.muli %arg1, %mul3A : i32
    %add3A = arith.addi %mul3A_0, %arg0 : i32
    %mul3A_1 = arith.constant 512 : i32
    %mul3A_2 = arith.muli %add3A, %mul3A_1 : i32
    "tpu.region"() ({
      %run_scoped3A = tpu.sem_alloc : memref<!tpu.dma_semaphore, #tpu.memory_space<semaphore_mem>>
      %dma_start3A_109 = tpu.memref_slice %arg2[%mul3A_2] : memref<16384xi32, #tpu.memory_space<hbm>> -> memref<512xi32, #tpu.memory_space<hbm>>
      %dma_start3A_110 = tpu.memref_slice %arg2[%mul3A_2] : memref<16384xi32, #tpu.memory_space<hbm>> -> memref<512xi32, #tpu.memory_space<hbm>>
      tpu.enqueue_dma source(%dma_start3A_110 : memref<512xi32, #tpu.memory_space<hbm>>) target(%arg9 : memref<512xi32, #tpu.memory_space<vmem>>) target_semaphore(%run_scoped3A : memref<!tpu.dma_semaphore, #tpu.memory_space<semaphore_mem>>)
      %dma_wait3A_111 = tpu.memref_slice %arg2[%mul3A_2] : memref<16384xi32, #tpu.memory_space<hbm>> -> memref<512xi32, #tpu.memory_space<hbm>>
      %dma_wait3A_112 = tpu.memref_slice %arg2[%mul3A_2] : memref<16384xi32, #tpu.memory_space<hbm>> -> memref<512xi32, #tpu.memory_space<hbm>>
      tpu.wait_dma2 semaphore(%run_scoped3A : memref<!tpu.dma_semaphore, #tpu.memory_space<semaphore_mem>>) src(%dma_wait3A_112 : memref<512xi32, #tpu.memory_space<hbm>>) dst(%arg9 : memref<512xi32, #tpu.memory_space<vmem>>)
      tpu.yield
    }) : () -> ()
    "tpu.region"() ({
      %run_scoped3A = tpu.sem_alloc : memref<!tpu.dma_semaphore, #tpu.memory_space<semaphore_mem>>
      %dma_start3A_109 = tpu.memref_slice %arg3[%mul3A_2] : memref<16384xi32, #tpu.memory_space<hbm>> -> memref<512xi32, #tpu.memory_space<hbm>>
      %dma_start3A_110 = tpu.memref_slice %arg3[%mul3A_2] : memref<16384xi32, #tpu.memory_space<hbm>> -> memref<512xi32, #tpu.memory_space<hbm>>
      tpu.enqueue_dma source(%dma_start3A_110 : memref<512xi32, #tpu.memory_space<hbm>>) target(%arg10 : memref<512xi32, #tpu.memory_space<vmem>>) target_semaphore(%run_scoped3A : memref<!tpu.dma_semaphore, #tpu.memory_space<semaphore_mem>>)
      %dma_wait3A_111 = tpu.memref_slice %arg3[%mul3A_2] : memref<16384xi32, #tpu.memory_space<hbm>> -> memref<512xi32, #tpu.memory_space<hbm>>
      %dma_wait3A_112 = tpu.memref_slice %arg3[%mul3A_2] : memref<16384xi32, #tpu.memory_space<hbm>> -> memref<512xi32, #tpu.memory_space<hbm>>
      tpu.wait_dma2 semaphore(%run_scoped3A : memref<!tpu.dma_semaphore, #tpu.memory_space<semaphore_mem>>) src(%dma_wait3A_112 : memref<512xi32, #tpu.memory_space<hbm>>) dst(%arg10 : memref<512xi32, #tpu.memory_space<vmem>>)
      tpu.yield
    }) : () -> ()
    %dma_start3A = arith.constant 0 : i32
    %dma_start3A_3 = tpu.memref_slice %arg12[%dma_start3A] : memref<512xf32, #tpu.memory_space<vmem>> -> memref<128xf32, #tpu.memory_space<vmem>>
    %dma_start3A_4 = arith.constant 0 : i32
    %dma_start3A_5 = tpu.memref_slice %arg9[%dma_start3A_4] : memref<512xi32, #tpu.memory_space<vmem>> -> memref<128xi32, #tpu.memory_space<vmem>>
    %dma_start3A_6 = arith.constant 0 : i32
    %dma_start3A_7 = tpu.memref_slice %arg6[%dma_start3A_6] : memref<1000000xf32, #tpu.memory_space<hbm>> -> memref<1000000xf32, #tpu.memory_space<hbm>>
    tpu.enqueue_indirect_dma source(%dma_start3A_7 : memref<1000000xf32, #tpu.memory_space<hbm>>) target(%dma_start3A_3 : memref<128xf32, #tpu.memory_space<vmem>>) offsets(%dma_start3A_5 : memref<128xi32, #tpu.memory_space<vmem>>) semaphore(%arg16 : memref<!tpu.dma_semaphore, #tpu.memory_space<semaphore_mem>>)
    %dma_start3A_8 = arith.constant 0 : i32
    %dma_start3A_9 = tpu.memref_slice %arg13[%dma_start3A_8] : memref<512xf32, #tpu.memory_space<vmem>> -> memref<128xf32, #tpu.memory_space<vmem>>
    %dma_start3A_10 = arith.constant 0 : i32
    %dma_start3A_11 = tpu.memref_slice %arg10[%dma_start3A_10] : memref<512xi32, #tpu.memory_space<vmem>> -> memref<128xi32, #tpu.memory_space<vmem>>
    %dma_start3A_12 = arith.constant 0 : i32
    %dma_start3A_13 = tpu.memref_slice %arg7[%dma_start3A_12] : memref<1000000xf32, #tpu.memory_space<hbm>> -> memref<1000000xf32, #tpu.memory_space<hbm>>
    tpu.enqueue_indirect_dma source(%dma_start3A_13 : memref<1000000xf32, #tpu.memory_space<hbm>>) target(%dma_start3A_9 : memref<128xf32, #tpu.memory_space<vmem>>) offsets(%dma_start3A_11 : memref<128xi32, #tpu.memory_space<vmem>>) semaphore(%arg16 : memref<!tpu.dma_semaphore, #tpu.memory_space<semaphore_mem>>)
    %dma_start3A_14 = arith.constant 128 : i32
    %dma_start3A_15 = tpu.memref_slice %arg12[%dma_start3A_14] : memref<512xf32, #tpu.memory_space<vmem>> -> memref<128xf32, #tpu.memory_space<vmem>>
    %dma_start3A_16 = arith.constant 128 : i32
    %dma_start3A_17 = tpu.memref_slice %arg9[%dma_start3A_16] : memref<512xi32, #tpu.memory_space<vmem>> -> memref<128xi32, #tpu.memory_space<vmem>>
    %dma_start3A_18 = arith.constant 0 : i32
    %dma_start3A_19 = tpu.memref_slice %arg6[%dma_start3A_18] : memref<1000000xf32, #tpu.memory_space<hbm>> -> memref<1000000xf32, #tpu.memory_space<hbm>>
    tpu.enqueue_indirect_dma source(%dma_start3A_19 : memref<1000000xf32, #tpu.memory_space<hbm>>) target(%dma_start3A_15 : memref<128xf32, #tpu.memory_space<vmem>>) offsets(%dma_start3A_17 : memref<128xi32, #tpu.memory_space<vmem>>) semaphore(%arg16 : memref<!tpu.dma_semaphore, #tpu.memory_space<semaphore_mem>>)
    %dma_start3A_20 = arith.constant 128 : i32
    %dma_start3A_21 = tpu.memref_slice %arg13[%dma_start3A_20] : memref<512xf32, #tpu.memory_space<vmem>> -> memref<128xf32, #tpu.memory_space<vmem>>
    %dma_start3A_22 = arith.constant 128 : i32
    %dma_start3A_23 = tpu.memref_slice %arg10[%dma_start3A_22] : memref<512xi32, #tpu.memory_space<vmem>> -> memref<128xi32, #tpu.memory_space<vmem>>
    %dma_start3A_24 = arith.constant 0 : i32
    %dma_start3A_25 = tpu.memref_slice %arg7[%dma_start3A_24] : memref<1000000xf32, #tpu.memory_space<hbm>> -> memref<1000000xf32, #tpu.memory_space<hbm>>
    tpu.enqueue_indirect_dma source(%dma_start3A_25 : memref<1000000xf32, #tpu.memory_space<hbm>>) target(%dma_start3A_21 : memref<128xf32, #tpu.memory_space<vmem>>) offsets(%dma_start3A_23 : memref<128xi32, #tpu.memory_space<vmem>>) semaphore(%arg16 : memref<!tpu.dma_semaphore, #tpu.memory_space<semaphore_mem>>)
    %dma_start3A_26 = arith.constant 256 : i32
    %dma_start3A_27 = tpu.memref_slice %arg12[%dma_start3A_26] : memref<512xf32, #tpu.memory_space<vmem>> -> memref<128xf32, #tpu.memory_space<vmem>>
    %dma_start3A_28 = arith.constant 256 : i32
    %dma_start3A_29 = tpu.memref_slice %arg9[%dma_start3A_28] : memref<512xi32, #tpu.memory_space<vmem>> -> memref<128xi32, #tpu.memory_space<vmem>>
    %dma_start3A_30 = arith.constant 0 : i32
    %dma_start3A_31 = tpu.memref_slice %arg6[%dma_start3A_30] : memref<1000000xf32, #tpu.memory_space<hbm>> -> memref<1000000xf32, #tpu.memory_space<hbm>>
    tpu.enqueue_indirect_dma source(%dma_start3A_31 : memref<1000000xf32, #tpu.memory_space<hbm>>) target(%dma_start3A_27 : memref<128xf32, #tpu.memory_space<vmem>>) offsets(%dma_start3A_29 : memref<128xi32, #tpu.memory_space<vmem>>) semaphore(%arg16 : memref<!tpu.dma_semaphore, #tpu.memory_space<semaphore_mem>>)
    %dma_start3A_32 = arith.constant 256 : i32
    %dma_start3A_33 = tpu.memref_slice %arg13[%dma_start3A_32] : memref<512xf32, #tpu.memory_space<vmem>> -> memref<128xf32, #tpu.memory_space<vmem>>
    %dma_start3A_34 = arith.constant 256 : i32
    %dma_start3A_35 = tpu.memref_slice %arg10[%dma_start3A_34] : memref<512xi32, #tpu.memory_space<vmem>> -> memref<128xi32, #tpu.memory_space<vmem>>
    %dma_start3A_36 = arith.constant 0 : i32
    %dma_start3A_37 = tpu.memref_slice %arg7[%dma_start3A_36] : memref<1000000xf32, #tpu.memory_space<hbm>> -> memref<1000000xf32, #tpu.memory_space<hbm>>
    tpu.enqueue_indirect_dma source(%dma_start3A_37 : memref<1000000xf32, #tpu.memory_space<hbm>>) target(%dma_start3A_33 : memref<128xf32, #tpu.memory_space<vmem>>) offsets(%dma_start3A_35 : memref<128xi32, #tpu.memory_space<vmem>>) semaphore(%arg16 : memref<!tpu.dma_semaphore, #tpu.memory_space<semaphore_mem>>)
    %dma_start3A_38 = arith.constant 384 : i32
    %dma_start3A_39 = tpu.memref_slice %arg12[%dma_start3A_38] : memref<512xf32, #tpu.memory_space<vmem>> -> memref<128xf32, #tpu.memory_space<vmem>>
    %dma_start3A_40 = arith.constant 384 : i32
    %dma_start3A_41 = tpu.memref_slice %arg9[%dma_start3A_40] : memref<512xi32, #tpu.memory_space<vmem>> -> memref<128xi32, #tpu.memory_space<vmem>>
    %dma_start3A_42 = arith.constant 0 : i32
    %dma_start3A_43 = tpu.memref_slice %arg6[%dma_start3A_42] : memref<1000000xf32, #tpu.memory_space<hbm>> -> memref<1000000xf32, #tpu.memory_space<hbm>>
    tpu.enqueue_indirect_dma source(%dma_start3A_43 : memref<1000000xf32, #tpu.memory_space<hbm>>) target(%dma_start3A_39 : memref<128xf32, #tpu.memory_space<vmem>>) offsets(%dma_start3A_41 : memref<128xi32, #tpu.memory_space<vmem>>) semaphore(%arg16 : memref<!tpu.dma_semaphore, #tpu.memory_space<semaphore_mem>>)
    %dma_start3A_44 = arith.constant 384 : i32
    %dma_start3A_45 = tpu.memref_slice %arg13[%dma_start3A_44] : memref<512xf32, #tpu.memory_space<vmem>> -> memref<128xf32, #tpu.memory_space<vmem>>
    %dma_start3A_46 = arith.constant 384 : i32
    %dma_start3A_47 = tpu.memref_slice %arg10[%dma_start3A_46] : memref<512xi32, #tpu.memory_space<vmem>> -> memref<128xi32, #tpu.memory_space<vmem>>
    %dma_start3A_48 = arith.constant 0 : i32
    %dma_start3A_49 = tpu.memref_slice %arg7[%dma_start3A_48] : memref<1000000xf32, #tpu.memory_space<hbm>> -> memref<1000000xf32, #tpu.memory_space<hbm>>
    tpu.enqueue_indirect_dma source(%dma_start3A_49 : memref<1000000xf32, #tpu.memory_space<hbm>>) target(%dma_start3A_45 : memref<128xf32, #tpu.memory_space<vmem>>) offsets(%dma_start3A_47 : memref<128xi32, #tpu.memory_space<vmem>>) semaphore(%arg16 : memref<!tpu.dma_semaphore, #tpu.memory_space<semaphore_mem>>)
    %iota3A = tpu.iota {dimensions = array<i32: 0>} : vector<16xi32>
    %broadcast_in_dim3A = arith.constant 127 : i32
    %broadcast_in_dim3A_50 = vector.broadcast %broadcast_in_dim3A : i32 to vector<16xi32>
    %scan3A = arith.constant 0 : i32
    %scan3A_51 = arith.constant 0 : i32
    %scan3A_52 = arith.constant 32 : i32
    %scan3A_53 = arith.addi %scan3A_51, %scan3A_52 : i32
    %scan3A_54 = arith.constant 1 : i32
    scf.for %scan3A_109 = %scan3A_51 to %scan3A_53 step %scan3A_54  : i32 {
      %mul3A_110 = arith.constant 16 : i32
      %mul3A_111 = arith.muli %scan3A_109, %mul3A_110 : i32
      %multiple_of3A = tpu.assume_multiple %mul3A_111, 16 : i32
      %get3A = arith.index_cast %multiple_of3A : i32 to index
      %get3A_112 = tpu.vector_load %arg9[%get3A] {strides = array<i32>} : memref<512xi32, #tpu.memory_space<vmem>>, vector<16xi32>,
      %get3A_113 = arith.index_cast %multiple_of3A : i32 to index
      %get3A_114 = tpu.vector_load %arg10[%get3A_113] {strides = array<i32>} : memref<512xi32, #tpu.memory_space<vmem>>, vector<16xi32>,
      %shift_right_arithmetic3A = arith.constant 7 : i32
      %shift_right_arithmetic3A_115 = vector.broadcast %shift_right_arithmetic3A : i32 to vector<16xi32>
      %shift_right_arithmetic3A_116 = arith.shrsi %get3A_112, %shift_right_arithmetic3A_115 : vector<16xi32>
      %shift_left3A = arith.constant 7 : i32
      %shift_left3A_117 = vector.broadcast %shift_left3A : i32 to vector<16xi32>
      %shift_left3A_118 = arith.shli %shift_right_arithmetic3A_116, %shift_left3A_117 : vector<16xi32>
      %shift_right_arithmetic3A_119 = arith.constant 7 : i32
      %shift_right_arithmetic3A_120 = vector.broadcast %shift_right_arithmetic3A_119 : i32 to vector<16xi32>
      %shift_right_arithmetic3A_121 = arith.shrsi %get3A_114, %shift_right_arithmetic3A_120 : vector<16xi32>
      %shift_left3A_122 = arith.constant 7 : i32
      %shift_left3A_123 = vector.broadcast %shift_left3A_122 : i32 to vector<16xi32>
      %shift_left3A_124 = arith.shli %shift_right_arithmetic3A_121, %shift_left3A_123 : vector<16xi32>
      %and3A = arith.andi %get3A_112, %broadcast_in_dim3A_50 : vector<16xi32>
      %and3A_125 = arith.andi %get3A_114, %broadcast_in_dim3A_50 : vector<16xi32>
      %slice3A = vector.extract_strided_slice %shift_left3A_118 {offsets = [0], sizes = [1], strides = [1]} : vector<16xi32> to vector<1xi32>
      %squeeze3A = vector.extract %slice3A[0] : i32 from vector<1xi32>
      %multiple_of3A_126 = tpu.assume_multiple %squeeze3A, 128 : i32
      %dma_start3A_127 = arith.constant 0 : i32
      %dma_start3A_128 = arith.constant 0 : i32
      %dma_start3A_129 = arith.constant 0 : i32
      %dma_start3A_130 = tpu.memref_slice %arg11[%dma_start3A_127, %dma_start3A_128, %dma_start3A_129] : memref<16x32x128xf32, #tpu.memory_space<vmem>> -> memref<1x32x128xf32, #tpu.memory_space<vmem>>
      %dma_start3A_131 = tpu.memref_squeeze %dma_start3A_130 : memref<1x32x128xf32, #tpu.memory_space<vmem>> -> memref<32x128xf32, #tpu.memory_space<vmem>>
      %dma_start3A_132 = arith.constant 0 : i32
      %dma_start3A_133 = tpu.memref_slice %arg4[%dma_start3A_132, %multiple_of3A_126] : memref<32x1000000xf32, #tpu.memory_space<hbm>> -> memref<32x128xf32, #tpu.memory_space<hbm>>
      %dma_start3A_134 = arith.constant 0 : i32
      %dma_start3A_135 = arith.constant 0 : i32
      %dma_start3A_136 = tpu.memref_slice %arg11[%dma_start3A_127, %dma_start3A_134, %dma_start3A_135] : memref<16x32x128xf32, #tpu.memory_space<vmem>> -> memref<1x32x128xf32, #tpu.memory_space<vmem>>
      %dma_start3A_137 = tpu.memref_squeeze %dma_start3A_136 : memref<1x32x128xf32, #tpu.memory_space<vmem>> -> memref<32x128xf32, #tpu.memory_space<vmem>>
      %dma_start3A_138 = arith.constant 0 : i32
      %dma_start3A_139 = tpu.memref_slice %arg4[%dma_start3A_138, %multiple_of3A_126] : memref<32x1000000xf32, #tpu.memory_space<hbm>> -> memref<32x128xf32, #tpu.memory_space<hbm>>
      tpu.enqueue_dma source(%dma_start3A_139 : memref<32x128xf32, #tpu.memory_space<hbm>>) target(%dma_start3A_137 : memref<32x128xf32, #tpu.memory_space<vmem>>) target_semaphore(%arg15 : memref<!tpu.dma_semaphore, #tpu.memory_space<semaphore_mem>>)
      %slice3A_140 = vector.extract_strided_slice %shift_left3A_118 {offsets = [1], sizes = [1], strides = [1]} : vector<16xi32> to vector<1xi32>
      %squeeze3A_141 = vector.extract %slice3A_140[0] : i32 from vector<1xi32>
      %multiple_of3A_142 = tpu.assume_multiple %squeeze3A_141, 128 : i32
      %dma_start3A_143 = arith.constant 1 : i32
      %dma_start3A_144 = arith.constant 0 : i32
      %dma_start3A_145 = arith.constant 0 : i32
      %dma_start3A_146 = tpu.memref_slice %arg11[%dma_start3A_143, %dma_start3A_144, %dma_start3A_145] : memref<16x32x128xf32, #tpu.memory_space<vmem>> -> memref<1x32x128xf32, #tpu.memory_space<vmem>>
      %dma_start3A_147 = tpu.memref_squeeze %dma_start3A_146 : memref<1x32x128xf32, #tpu.memory_space<vmem>> -> memref<32x128xf32, #tpu.memory_space<vmem>>
      %dma_start3A_148 = arith.constant 0 : i32
      %dma_start3A_149 = tpu.memref_slice %arg4[%dma_start3A_148, %multiple_of3A_142] : memref<32x1000000xf32, #tpu.memory_space<hbm>> -> memref<32x128xf32, #tpu.memory_space<hbm>>
      %dma_start3A_150 = arith.constant 0 : i32
      %dma_start3A_151 = arith.constant 0 : i32
      %dma_start3A_152 = tpu.memref_slice %arg11[%dma_start3A_143, %dma_start3A_150, %dma_start3A_151] : memref<16x32x128xf32, #tpu.memory_space<vmem>> -> memref<1x32x128xf32, #tpu.memory_space<vmem>>
      %dma_start3A_153 = tpu.memref_squeeze %dma_start3A_152 : memref<1x32x128xf32, #tpu.memory_space<vmem>> -> memref<32x128xf32, #tpu.memory_space<vmem>>
      %dma_start3A_154 = arith.constant 0 : i32
      %dma_start3A_155 = tpu.memref_slice %arg4[%dma_start3A_154, %multiple_of3A_142] : memref<32x1000000xf32, #tpu.memory_space<hbm>> -> memref<32x128xf32, #tpu.memory_space<hbm>>
      tpu.enqueue_dma source(%dma_start3A_155 : memref<32x128xf32, #tpu.memory_space<hbm>>) target(%dma_start3A_153 : memref<32x128xf32, #tpu.memory_space<vmem>>) target_semaphore(%arg15 : memref<!tpu.dma_semaphore, #tpu.memory_space<semaphore_mem>>)
      %slice3A_156 = vector.extract_strided_slice %shift_left3A_118 {offsets = [2], sizes = [1], strides = [1]} : vector<16xi32> to vector<1xi32>
      %squeeze3A_157 = vector.extract %slice3A_156[0] : i32 from vector<1xi32>
      %multiple_of3A_158 = tpu.assume_multiple %squeeze3A_157, 128 : i32
      %dma_start3A_159 = arith.constant 2 : i32
      %dma_start3A_160 = arith.constant 0 : i32
      %dma_start3A_161 = arith.constant 0 : i32
      %dma_start3A_162 = tpu.memref_slice %arg11[%dma_start3A_159, %dma_start3A_160, %dma_start3A_161] : memref<16x32x128xf32, #tpu.memory_space<vmem>> -> memref<1x32x128xf32, #tpu.memory_space<vmem>>
      %dma_start3A_163 = tpu.memref_squeeze %dma_start3A_162 : memref<1x32x128xf32, #tpu.memory_space<vmem>> -> memref<32x128xf32, #tpu.memory_space<vmem>>
      %dma_start3A_164 = arith.constant 0 : i32
      %dma_start3A_165 = tpu.memref_slice %arg4[%dma_start3A_164, %multiple_of3A_158] : memref<32x1000000xf32, #tpu.memory_space<hbm>> -> memref<32x128xf32, #tpu.memory_space<hbm>>
      %dma_start3A_166 = arith.constant 0 : i32
      %dma_start3A_167 = arith.constant 0 : i32
      %dma_start3A_168 = tpu.memref_slice %arg11[%dma_start3A_159, %dma_start3A_166, %dma_start3A_167] : memref<16x32x128xf32, #tpu.memory_space<vmem>> -> memref<1x32x128xf32, #tpu.memory_space<vmem>>
      %dma_start3A_169 = tpu.memref_squeeze %dma_start3A_168 : memref<1x32x128xf32, #tpu.memory_space<vmem>> -> memref<32x128xf32, #tpu.memory_space<vmem>>
      %dma_start3A_170 = arith.constant 0 : i32
      %dma_start3A_171 = tpu.memref_slice %arg4[%dma_start3A_170, %multiple_of3A_158] : memref<32x1000000xf32, #tpu.memory_space<hbm>> -> memref<32x128xf32, #tpu.memory_space<hbm>>
      tpu.enqueue_dma source(%dma_start3A_171 : memref<32x128xf32, #tpu.memory_space<hbm>>) target(%dma_start3A_169 : memref<32x128xf32, #tpu.memory_space<vmem>>) target_semaphore(%arg15 : memref<!tpu.dma_semaphore, #tpu.memory_space<semaphore_mem>>)
      %slice3A_172 = vector.extract_strided_slice %shift_left3A_118 {offsets = [3], sizes = [1], strides = [1]} : vector<16xi32> to vector<1xi32>
      %squeeze3A_173 = vector.extract %slice3A_172[0] : i32 from vector<1xi32>
      %multiple_of3A_174 = tpu.assume_multiple %squeeze3A_173, 128 : i32
      %dma_start3A_175 = arith.constant 3 : i32
      %dma_start3A_176 = arith.constant 0 : i32
      %dma_start3A_177 = arith.constant 0 : i32
      %dma_start3A_178 = tpu.memref_slice %arg11[%dma_start3A_175, %dma_start3A_176, %dma_start3A_177] : memref<16x32x128xf32, #tpu.memory_space<vmem>> -> memref<1x32x128xf32, #tpu.memory_space<vmem>>
      %dma_start3A_179 = tpu.memref_squeeze %dma_start3A_178 : memref<1x32x128xf32, #tpu.memory_space<vmem>> -> memref<32x128xf32, #tpu.memory_space<vmem>>
      %dma_start3A_180 = arith.constant 0 : i32
      %dma_start3A_181 = tpu.memref_slice %arg4[%dma_start3A_180, %multiple_of3A_174] : memref<32x1000000xf32, #tpu.memory_space<hbm>> -> memref<32x128xf32, #tpu.memory_space<hbm>>
      %dma_start3A_182 = arith.constant 0 : i32
      %dma_start3A_183 = arith.constant 0 : i32
      %dma_start3A_184 = tpu.memref_slice %arg11[%dma_start3A_175, %dma_start3A_182, %dma_start3A_183] : memref<16x32x128xf32, #tpu.memory_space<vmem>> -> memref<1x32x128xf32, #tpu.memory_space<vmem>>
      %dma_start3A_185 = tpu.memref_squeeze %dma_start3A_184 : memref<1x32x128xf32, #tpu.memory_space<vmem>> -> memref<32x128xf32, #tpu.memory_space<vmem>>
      %dma_start3A_186 = arith.constant 0 : i32
      %dma_start3A_187 = tpu.memref_slice %arg4[%dma_start3A_186, %multiple_of3A_174] : memref<32x1000000xf32, #tpu.memory_space<hbm>> -> memref<32x128xf32, #tpu.memory_space<hbm>>
      tpu.enqueue_dma source(%dma_start3A_187 : memref<32x128xf32, #tpu.memory_space<hbm>>) target(%dma_start3A_185 : memref<32x128xf32, #tpu.memory_space<vmem>>) target_semaphore(%arg15 : memref<!tpu.dma_semaphore, #tpu.memory_space<semaphore_mem>>)
      %slice3A_188 = vector.extract_strided_slice %shift_left3A_118 {offsets = [4], sizes = [1], strides = [1]} : vector<16xi32> to vector<1xi32>
      %squeeze3A_189 = vector.extract %slice3A_188[0] : i32 from vector<1xi32>
      %multiple_of3A_190 = tpu.assume_multiple %squeeze3A_189, 128 : i32
      %dma_start3A_191 = arith.constant 4 : i32
      %dma_start3A_192 = arith.constant 0 : i32
      %dma_start3A_193 = arith.constant 0 : i32
      %dma_start3A_194 = tpu.memref_slice %arg11[%dma_start3A_191, %dma_start3A_192, %dma_start3A_193] : memref<16x32x128xf32, #tpu.memory_space<vmem>> -> memref<1x32x128xf32, #tpu.memory_space<vmem>>
      %dma_start3A_195 = tpu.memref_squeeze %dma_start3A_194 : memref<1x32x128xf32, #tpu.memory_space<vmem>> -> memref<32x128xf32, #tpu.memory_space<vmem>>
      %dma_start3A_196 = arith.constant 0 : i32
      %dma_start3A_197 = tpu.memref_slice %arg4[%dma_start3A_196, %multiple_of3A_190] : memref<32x1000000xf32, #tpu.memory_space<hbm>> -> memref<32x128xf32, #tpu.memory_space<hbm>>
      %dma_start3A_198 = arith.constant 0 : i32
      %dma_start3A_199 = arith.constant 0 : i32
      %dma_start3A_200 = tpu.memref_slice %arg11[%dma_start3A_191, %dma_start3A_198, %dma_start3A_199] : memref<16x32x128xf32, #tpu.memory_space<vmem>> -> memref<1x32x128xf32, #tpu.memory_space<vmem>>
      %dma_start3A_201 = tpu.memref_squeeze %dma_start3A_200 : memref<1x32x128xf32, #tpu.memory_space<vmem>> -> memref<32x128xf32, #tpu.memory_space<vmem>>
      %dma_start3A_202 = arith.constant 0 : i32
      %dma_start3A_203 = tpu.memref_slice %arg4[%dma_start3A_202, %multiple_of3A_190] : memref<32x1000000xf32, #tpu.memory_space<hbm>> -> memref<32x128xf32, #tpu.memory_space<hbm>>
      tpu.enqueue_dma source(%dma_start3A_203 : memref<32x128xf32, #tpu.memory_space<hbm>>) target(%dma_start3A_201 : memref<32x128xf32, #tpu.memory_space<vmem>>) target_semaphore(%arg15 : memref<!tpu.dma_semaphore, #tpu.memory_space<semaphore_mem>>)
      %slice3A_204 = vector.extract_strided_slice %shift_left3A_118 {offsets = [5], sizes = [1], strides = [1]} : vector<16xi32> to vector<1xi32>
      %squeeze3A_205 = vector.extract %slice3A_204[0] : i32 from vector<1xi32>
      %multiple_of3A_206 = tpu.assume_multiple %squeeze3A_205, 128 : i32
      %dma_start3A_207 = arith.constant 5 : i32
      %dma_start3A_208 = arith.constant 0 : i32
      %dma_start3A_209 = arith.constant 0 : i32
      %dma_start3A_210 = tpu.memref_slice %arg11[%dma_start3A_207, %dma_start3A_208, %dma_start3A_209] : memref<16x32x128xf32, #tpu.memory_space<vmem>> -> memref<1x32x128xf32, #tpu.memory_space<vmem>>
      %dma_start3A_211 = tpu.memref_squeeze %dma_start3A_210 : memref<1x32x128xf32, #tpu.memory_space<vmem>> -> memref<32x128xf32, #tpu.memory_space<vmem>>
      %dma_start3A_212 = arith.constant 0 : i32
      %dma_start3A_213 = tpu.memref_slice %arg4[%dma_start3A_212, %multiple_of3A_206] : memref<32x1000000xf32, #tpu.memory_space<hbm>> -> memref<32x128xf32, #tpu.memory_space<hbm>>
      %dma_start3A_214 = arith.constant 0 : i32
      %dma_start3A_215 = arith.constant 0 : i32
      %dma_start3A_216 = tpu.memref_slice %arg11[%dma_start3A_207, %dma_start3A_214, %dma_start3A_215] : memref<16x32x128xf32, #tpu.memory_space<vmem>> -> memref<1x32x128xf32, #tpu.memory_space<vmem>>
      %dma_start3A_217 = tpu.memref_squeeze %dma_start3A_216 : memref<1x32x128xf32, #tpu.memory_space<vmem>> -> memref<32x128xf32, #tpu.memory_space<vmem>>
      %dma_start3A_218 = arith.constant 0 : i32
      %dma_start3A_219 = tpu.memref_slice %arg4[%dma_start3A_218, %multiple_of3A_206] : memref<32x1000000xf32, #tpu.memory_space<hbm>> -> memref<32x128xf32, #tpu.memory_space<hbm>>
      tpu.enqueue_dma source(%dma_start3A_219 : memref<32x128xf32, #tpu.memory_space<hbm>>) target(%dma_start3A_217 : memref<32x128xf32, #tpu.memory_space<vmem>>) target_semaphore(%arg15 : memref<!tpu.dma_semaphore, #tpu.memory_space<semaphore_mem>>)
      %slice3A_220 = vector.extract_strided_slice %shift_left3A_118 {offsets = [6], sizes = [1], strides = [1]} : vector<16xi32> to vector<1xi32>
      %squeeze3A_221 = vector.extract %slice3A_220[0] : i32 from vector<1xi32>
      %multiple_of3A_222 = tpu.assume_multiple %squeeze3A_221, 128 : i32
      %dma_start3A_223 = arith.constant 6 : i32
      %dma_start3A_224 = arith.constant 0 : i32
      %dma_start3A_225 = arith.constant 0 : i32
      %dma_start3A_226 = tpu.memref_slice %arg11[%dma_start3A_223, %dma_start3A_224, %dma_start3A_225] : memref<16x32x128xf32, #tpu.memory_space<vmem>> -> memref<1x32x128xf32, #tpu.memory_space<vmem>>
      %dma_start3A_227 = tpu.memref_squeeze %dma_start3A_226 : memref<1x32x128xf32, #tpu.memory_space<vmem>> -> memref<32x128xf32, #tpu.memory_space<vmem>>
      %dma_start3A_228 = arith.constant 0 : i32
      %dma_start3A_229 = tpu.memref_slice %arg4[%dma_start3A_228, %multiple_of3A_222] : memref<32x1000000xf32, #tpu.memory_space<hbm>> -> memref<32x128xf32, #tpu.memory_space<hbm>>
      %dma_start3A_230 = arith.constant 0 : i32
      %dma_start3A_231 = arith.constant 0 : i32
      %dma_start3A_232 = tpu.memref_slice %arg11[%dma_start3A_223, %dma_start3A_230, %dma_start3A_231] : memref<16x32x128xf32, #tpu.memory_space<vmem>> -> memref<1x32x128xf32, #tpu.memory_space<vmem>>
      %dma_start3A_233 = tpu.memref_squeeze %dma_start3A_232 : memref<1x32x128xf32, #tpu.memory_space<vmem>> -> memref<32x128xf32, #tpu.memory_space<vmem>>
      %dma_start3A_234 = arith.constant 0 : i32
      %dma_start3A_235 = tpu.memref_slice %arg4[%dma_start3A_234, %multiple_of3A_222] : memref<32x1000000xf32, #tpu.memory_space<hbm>> -> memref<32x128xf32, #tpu.memory_space<hbm>>
      tpu.enqueue_dma source(%dma_start3A_235 : memref<32x128xf32, #tpu.memory_space<hbm>>) target(%dma_start3A_233 : memref<32x128xf32, #tpu.memory_space<vmem>>) target_semaphore(%arg15 : memref<!tpu.dma_semaphore, #tpu.memory_space<semaphore_mem>>)
      %slice3A_236 = vector.extract_strided_slice %shift_left3A_118 {offsets = [7], sizes = [1], strides = [1]} : vector<16xi32> to vector<1xi32>
      %squeeze3A_237 = vector.extract %slice3A_236[0] : i32 from vector<1xi32>
      %multiple_of3A_238 = tpu.assume_multiple %squeeze3A_237, 128 : i32
      %dma_start3A_239 = arith.constant 7 : i32
      %dma_start3A_240 = arith.constant 0 : i32
      %dma_start3A_241 = arith.constant 0 : i32
      %dma_start3A_242 = tpu.memref_slice %arg11[%dma_start3A_239, %dma_start3A_240, %dma_start3A_241] : memref<16x32x128xf32, #tpu.memory_space<vmem>> -> memref<1x32x128xf32, #tpu.memory_space<vmem>>
      %dma_start3A_243 = tpu.memref_squeeze %dma_start3A_242 : memref<1x32x128xf32, #tpu.memory_space<vmem>> -> memref<32x128xf32, #tpu.memory_space<vmem>>
      %dma_start3A_244 = arith.constant 0 : i32
      %dma_start3A_245 = tpu.memref_slice %arg4[%dma_start3A_244, %multiple_of3A_238] : memref<32x1000000xf32, #tpu.memory_space<hbm>> -> memref<32x128xf32, #tpu.memory_space<hbm>>
      %dma_start3A_246 = arith.constant 0 : i32
      %dma_start3A_247 = arith.constant 0 : i32
      %dma_start3A_248 = tpu.memref_slice %arg11[%dma_start3A_239, %dma_start3A_246, %dma_start3A_247] : memref<16x32x128xf32, #tpu.memory_space<vmem>> -> memref<1x32x128xf32, #tpu.memory_space<vmem>>
      %dma_start3A_249 = tpu.memref_squeeze %dma_start3A_248 : memref<1x32x128xf32, #tpu.memory_space<vmem>> -> memref<32x128xf32, #tpu.memory_space<vmem>>
      %dma_start3A_250 = arith.constant 0 : i32
      %dma_start3A_251 = tpu.memref_slice %arg4[%dma_start3A_250, %multiple_of3A_238] : memref<32x1000000xf32, #tpu.memory_space<hbm>> -> memref<32x128xf32, #tpu.memory_space<hbm>>
      tpu.enqueue_dma source(%dma_start3A_251 : memref<32x128xf32, #tpu.memory_space<hbm>>) target(%dma_start3A_249 : memref<32x128xf32, #tpu.memory_space<vmem>>) target_semaphore(%arg15 : memref<!tpu.dma_semaphore, #tpu.memory_space<semaphore_mem>>)
      %slice3A_252 = vector.extract_strided_slice %shift_left3A_118 {offsets = [8], sizes = [1], strides = [1]} : vector<16xi32> to vector<1xi32>
      %squeeze3A_253 = vector.extract %slice3A_252[0] : i32 from vector<1xi32>
      %multiple_of3A_254 = tpu.assume_multiple %squeeze3A_253, 128 : i32
      %dma_start3A_255 = arith.constant 8 : i32
      %dma_start3A_256 = arith.constant 0 : i32
      %dma_start3A_257 = arith.constant 0 : i32
      %dma_start3A_258 = tpu.memref_slice %arg11[%dma_start3A_255, %dma_start3A_256, %dma_start3A_257] : memref<16x32x128xf32, #tpu.memory_space<vmem>> -> memref<1x32x128xf32, #tpu.memory_space<vmem>>
      %dma_start3A_259 = tpu.memref_squeeze %dma_start3A_258 : memref<1x32x128xf32, #tpu.memory_space<vmem>> -> memref<32x128xf32, #tpu.memory_space<vmem>>
      %dma_start3A_260 = arith.constant 0 : i32
      %dma_start3A_261 = tpu.memref_slice %arg4[%dma_start3A_260, %multiple_of3A_254] : memref<32x1000000xf32, #tpu.memory_space<hbm>> -> memref<32x128xf32, #tpu.memory_space<hbm>>
      %dma_start3A_262 = arith.constant 0 : i32
      %dma_start3A_263 = arith.constant 0 : i32
      %dma_start3A_264 = tpu.memref_slice %arg11[%dma_start3A_255, %dma_start3A_262, %dma_start3A_263] : memref<16x32x128xf32, #tpu.memory_space<vmem>> -> memref<1x32x128xf32, #tpu.memory_space<vmem>>
      %dma_start3A_265 = tpu.memref_squeeze %dma_start3A_264 : memref<1x32x128xf32, #tpu.memory_space<vmem>> -> memref<32x128xf32, #tpu.memory_space<vmem>>
      %dma_start3A_266 = arith.constant 0 : i32
      %dma_start3A_267 = tpu.memref_slice %arg4[%dma_start3A_266, %multiple_of3A_254] : memref<32x1000000xf32, #tpu.memory_space<hbm>> -> memref<32x128xf32, #tpu.memory_space<hbm>>
      tpu.enqueue_dma source(%dma_start3A_267 : memref<32x128xf32, #tpu.memory_space<hbm>>) target(%dma_start3A_265 : memref<32x128xf32, #tpu.memory_space<vmem>>) target_semaphore(%arg15 : memref<!tpu.dma_semaphore, #tpu.memory_space<semaphore_mem>>)
      %slice3A_268 = vector.extract_strided_slice %shift_left3A_118 {offsets = [9], sizes = [1], strides = [1]} : vector<16xi32> to vector<1xi32>
      %squeeze3A_269 = vector.extract %slice3A_268[0] : i32 from vector<1xi32>
      %multiple_of3A_270 = tpu.assume_multiple %squeeze3A_269, 128 : i32
      %dma_start3A_271 = arith.constant 9 : i32
      %dma_start3A_272 = arith.constant 0 : i32
      %dma_start3A_273 = arith.constant 0 : i32
      %dma_start3A_274 = tpu.memref_slice %arg11[%dma_start3A_271, %dma_start3A_272, %dma_start3A_273] : memref<16x32x128xf32, #tpu.memory_space<vmem>> -> memref<1x32x128xf32, #tpu.memory_space<vmem>>
      %dma_start3A_275 = tpu.memref_squeeze %dma_start3A_274 : memref<1x32x128xf32, #tpu.memory_space<vmem>> -> memref<32x128xf32, #tpu.memory_space<vmem>>
      %dma_start3A_276 = arith.constant 0 : i32
      %dma_start3A_277 = tpu.memref_slice %arg4[%dma_start3A_276, %multiple_of3A_270] : memref<32x1000000xf32, #tpu.memory_space<hbm>> -> memref<32x128xf32, #tpu.memory_space<hbm>>
      %dma_start3A_278 = arith.constant 0 : i32
      %dma_start3A_279 = arith.constant 0 : i32
      %dma_start3A_280 = tpu.memref_slice %arg11[%dma_start3A_271, %dma_start3A_278, %dma_start3A_279] : memref<16x32x128xf32, #tpu.memory_space<vmem>> -> memref<1x32x128xf32, #tpu.memory_space<vmem>>
      %dma_start3A_281 = tpu.memref_squeeze %dma_start3A_280 : memref<1x32x128xf32, #tpu.memory_space<vmem>> -> memref<32x128xf32, #tpu.memory_space<vmem>>
      %dma_start3A_282 = arith.constant 0 : i32
      %dma_start3A_283 = tpu.memref_slice %arg4[%dma_start3A_282, %multiple_of3A_270] : memref<32x1000000xf32, #tpu.memory_space<hbm>> -> memref<32x128xf32, #tpu.memory_space<hbm>>
      tpu.enqueue_dma source(%dma_start3A_283 : memref<32x128xf32, #tpu.memory_space<hbm>>) target(%dma_start3A_281 : memref<32x128xf32, #tpu.memory_space<vmem>>) target_semaphore(%arg15 : memref<!tpu.dma_semaphore, #tpu.memory_space<semaphore_mem>>)
      %slice3A_284 = vector.extract_strided_slice %shift_left3A_118 {offsets = [10], sizes = [1], strides = [1]} : vector<16xi32> to vector<1xi32>
      %squeeze3A_285 = vector.extract %slice3A_284[0] : i32 from vector<1xi32>
      %multiple_of3A_286 = tpu.assume_multiple %squeeze3A_285, 128 : i32
      %dma_start3A_287 = arith.constant 10 : i32
      %dma_start3A_288 = arith.constant 0 : i32
      %dma_start3A_289 = arith.constant 0 : i32
      %dma_start3A_290 = tpu.memref_slice %arg11[%dma_start3A_287, %dma_start3A_288, %dma_start3A_289] : memref<16x32x128xf32, #tpu.memory_space<vmem>> -> memref<1x32x128xf32, #tpu.memory_space<vmem>>
      %dma_start3A_291 = tpu.memref_squeeze %dma_start3A_290 : memref<1x32x128xf32, #tpu.memory_space<vmem>> -> memref<32x128xf32, #tpu.memory_space<vmem>>
      %dma_start3A_292 = arith.constant 0 : i32
      %dma_start3A_293 = tpu.memref_slice %arg4[%dma_start3A_292, %multiple_of3A_286] : memref<32x1000000xf32, #tpu.memory_space<hbm>> -> memref<32x128xf32, #tpu.memory_space<hbm>>
      %dma_start3A_294 = arith.constant 0 : i32
      %dma_start3A_295 = arith.constant 0 : i32
      %dma_start3A_296 = tpu.memref_slice %arg11[%dma_start3A_287, %dma_start3A_294, %dma_start3A_295] : memref<16x32x128xf32, #tpu.memory_space<vmem>> -> memref<1x32x128xf32, #tpu.memory_space<vmem>>
      %dma_start3A_297 = tpu.memref_squeeze %dma_start3A_296 : memref<1x32x128xf32, #tpu.memory_space<vmem>> -> memref<32x128xf32, #tpu.memory_space<vmem>>
      %dma_start3A_298 = arith.constant 0 : i32
      %dma_start3A_299 = tpu.memref_slice %arg4[%dma_start3A_298, %multiple_of3A_286] : memref<32x1000000xf32, #tpu.memory_space<hbm>> -> memref<32x128xf32, #tpu.memory_space<hbm>>
      tpu.enqueue_dma source(%dma_start3A_299 : memref<32x128xf32, #tpu.memory_space<hbm>>) target(%dma_start3A_297 : memref<32x128xf32, #tpu.memory_space<vmem>>) target_semaphore(%arg15 : memref<!tpu.dma_semaphore, #tpu.memory_space<semaphore_mem>>)
      %slice3A_300 = vector.extract_strided_slice %shift_left3A_118 {offsets = [11], sizes = [1], strides = [1]} : vector<16xi32> to vector<1xi32>
      %squeeze3A_301 = vector.extract %slice3A_300[0] : i32 from vector<1xi32>
      %multiple_of3A_302 = tpu.assume_multiple %squeeze3A_301, 128 : i32
      %dma_start3A_303 = arith.constant 11 : i32
      %dma_start3A_304 = arith.constant 0 : i32
      %dma_start3A_305 = arith.constant 0 : i32
      %dma_start3A_306 = tpu.memref_slice %arg11[%dma_start3A_303, %dma_start3A_304, %dma_start3A_305] : memref<16x32x128xf32, #tpu.memory_space<vmem>> -> memref<1x32x128xf32, #tpu.memory_space<vmem>>
      %dma_start3A_307 = tpu.memref_squeeze %dma_start3A_306 : memref<1x32x128xf32, #tpu.memory_space<vmem>> -> memref<32x128xf32, #tpu.memory_space<vmem>>
      %dma_start3A_308 = arith.constant 0 : i32
      %dma_start3A_309 = tpu.memref_slice %arg4[%dma_start3A_308, %multiple_of3A_302] : memref<32x1000000xf32, #tpu.memory_space<hbm>> -> memref<32x128xf32, #tpu.memory_space<hbm>>
      %dma_start3A_310 = arith.constant 0 : i32
      %dma_start3A_311 = arith.constant 0 : i32
      %dma_start3A_312 = tpu.memref_slice %arg11[%dma_start3A_303, %dma_start3A_310, %dma_start3A_311] : memref<16x32x128xf32, #tpu.memory_space<vmem>> -> memref<1x32x128xf32, #tpu.memory_space<vmem>>
      %dma_start3A_313 = tpu.memref_squeeze %dma_start3A_312 : memref<1x32x128xf32, #tpu.memory_space<vmem>> -> memref<32x128xf32, #tpu.memory_space<vmem>>
      %dma_start3A_314 = arith.constant 0 : i32
      %dma_start3A_315 = tpu.memref_slice %arg4[%dma_start3A_314, %multiple_of3A_302] : memref<32x1000000xf32, #tpu.memory_space<hbm>> -> memref<32x128xf32, #tpu.memory_space<hbm>>
      tpu.enqueue_dma source(%dma_start3A_315 : memref<32x128xf32, #tpu.memory_space<hbm>>) target(%dma_start3A_313 : memref<32x128xf32, #tpu.memory_space<vmem>>) target_semaphore(%arg15 : memref<!tpu.dma_semaphore, #tpu.memory_space<semaphore_mem>>)
      %slice3A_316 = vector.extract_strided_slice %shift_left3A_118 {offsets = [12], sizes = [1], strides = [1]} : vector<16xi32> to vector<1xi32>
      %squeeze3A_317 = vector.extract %slice3A_316[0] : i32 from vector<1xi32>
      %multiple_of3A_318 = tpu.assume_multiple %squeeze3A_317, 128 : i32
      %dma_start3A_319 = arith.constant 12 : i32
      %dma_start3A_320 = arith.constant 0 : i32
      %dma_start3A_321 = arith.constant 0 : i32
      %dma_start3A_322 = tpu.memref_slice %arg11[%dma_start3A_319, %dma_start3A_320, %dma_start3A_321] : memref<16x32x128xf32, #tpu.memory_space<vmem>> -> memref<1x32x128xf32, #tpu.memory_space<vmem>>
      %dma_start3A_323 = tpu.memref_squeeze %dma_start3A_322 : memref<1x32x128xf32, #tpu.memory_space<vmem>> -> memref<32x128xf32, #tpu.memory_space<vmem>>
      %dma_start3A_324 = arith.constant 0 : i32
      %dma_start3A_325 = tpu.memref_slice %arg4[%dma_start3A_324, %multiple_of3A_318] : memref<32x1000000xf32, #tpu.memory_space<hbm>> -> memref<32x128xf32, #tpu.memory_space<hbm>>
      %dma_start3A_326 = arith.constant 0 : i32
      %dma_start3A_327 = arith.constant 0 : i32
      %dma_start3A_328 = tpu.memref_slice %arg11[%dma_start3A_319, %dma_start3A_326, %dma_start3A_327] : memref<16x32x128xf32, #tpu.memory_space<vmem>> -> memref<1x32x128xf32, #tpu.memory_space<vmem>>
      %dma_start3A_329 = tpu.memref_squeeze %dma_start3A_328 : memref<1x32x128xf32, #tpu.memory_space<vmem>> -> memref<32x128xf32, #tpu.memory_space<vmem>>
      %dma_start3A_330 = arith.constant 0 : i32
      %dma_start3A_331 = tpu.memref_slice %arg4[%dma_start3A_330, %multiple_of3A_318] : memref<32x1000000xf32, #tpu.memory_space<hbm>> -> memref<32x128xf32, #tpu.memory_space<hbm>>
      tpu.enqueue_dma source(%dma_start3A_331 : memref<32x128xf32, #tpu.memory_space<hbm>>) target(%dma_start3A_329 : memref<32x128xf32, #tpu.memory_space<vmem>>) target_semaphore(%arg15 : memref<!tpu.dma_semaphore, #tpu.memory_space<semaphore_mem>>)
      %slice3A_332 = vector.extract_strided_slice %shift_left3A_118 {offsets = [13], sizes = [1], strides = [1]} : vector<16xi32> to vector<1xi32>
      %squeeze3A_333 = vector.extract %slice3A_332[0] : i32 from vector<1xi32>
      %multiple_of3A_334 = tpu.assume_multiple %squeeze3A_333, 128 : i32
      %dma_start3A_335 = arith.constant 13 : i32
      %dma_start3A_336 = arith.constant 0 : i32
      %dma_start3A_337 = arith.constant 0 : i32
      %dma_start3A_338 = tpu.memref_slice %arg11[%dma_start3A_335, %dma_start3A_336, %dma_start3A_337] : memref<16x32x128xf32, #tpu.memory_space<vmem>> -> memref<1x32x128xf32, #tpu.memory_space<vmem>>
      %dma_start3A_339 = tpu.memref_squeeze %dma_start3A_338 : memref<1x32x128xf32, #tpu.memory_space<vmem>> -> memref<32x128xf32, #tpu.memory_space<vmem>>
      %dma_start3A_340 = arith.constant 0 : i32
      %dma_start3A_341 = tpu.memref_slice %arg4[%dma_start3A_340, %multiple_of3A_334] : memref<32x1000000xf32, #tpu.memory_space<hbm>> -> memref<32x128xf32, #tpu.memory_space<hbm>>
      %dma_start3A_342 = arith.constant 0 : i32
      %dma_start3A_343 = arith.constant 0 : i32
      %dma_start3A_344 = tpu.memref_slice %arg11[%dma_start3A_335, %dma_start3A_342, %dma_start3A_343] : memref<16x32x128xf32, #tpu.memory_space<vmem>> -> memref<1x32x128xf32, #tpu.memory_space<vmem>>
      %dma_start3A_345 = tpu.memref_squeeze %dma_start3A_344 : memref<1x32x128xf32, #tpu.memory_space<vmem>> -> memref<32x128xf32, #tpu.memory_space<vmem>>
      %dma_start3A_346 = arith.constant 0 : i32
      %dma_start3A_347 = tpu.memref_slice %arg4[%dma_start3A_346, %multiple_of3A_334] : memref<32x1000000xf32, #tpu.memory_space<hbm>> -> memref<32x128xf32, #tpu.memory_space<hbm>>
      tpu.enqueue_dma source(%dma_start3A_347 : memref<32x128xf32, #tpu.memory_space<hbm>>) target(%dma_start3A_345 : memref<32x128xf32, #tpu.memory_space<vmem>>) target_semaphore(%arg15 : memref<!tpu.dma_semaphore, #tpu.memory_space<semaphore_mem>>)
      %slice3A_348 = vector.extract_strided_slice %shift_left3A_118 {offsets = [14], sizes = [1], strides = [1]} : vector<16xi32> to vector<1xi32>
      %squeeze3A_349 = vector.extract %slice3A_348[0] : i32 from vector<1xi32>
      %multiple_of3A_350 = tpu.assume_multiple %squeeze3A_349, 128 : i32
      %dma_start3A_351 = arith.constant 14 : i32
      %dma_start3A_352 = arith.constant 0 : i32
      %dma_start3A_353 = arith.constant 0 : i32
      %dma_start3A_354 = tpu.memref_slice %arg11[%dma_start3A_351, %dma_start3A_352, %dma_start3A_353] : memref<16x32x128xf32, #tpu.memory_space<vmem>> -> memref<1x32x128xf32, #tpu.memory_space<vmem>>
      %dma_start3A_355 = tpu.memref_squeeze %dma_start3A_354 : memref<1x32x128xf32, #tpu.memory_space<vmem>> -> memref<32x128xf32, #tpu.memory_space<vmem>>
      %dma_start3A_356 = arith.constant 0 : i32
      %dma_start3A_357 = tpu.memref_slice %arg4[%dma_start3A_356, %multiple_of3A_350] : memref<32x1000000xf32, #tpu.memory_space<hbm>> -> memref<32x128xf32, #tpu.memory_space<hbm>>
      %dma_start3A_358 = arith.constant 0 : i32
      %dma_start3A_359 = arith.constant 0 : i32
      %dma_start3A_360 = tpu.memref_slice %arg11[%dma_start3A_351, %dma_start3A_358, %dma_start3A_359] : memref<16x32x128xf32, #tpu.memory_space<vmem>> -> memref<1x32x128xf32, #tpu.memory_space<vmem>>
      %dma_start3A_361 = tpu.memref_squeeze %dma_start3A_360 : memref<1x32x128xf32, #tpu.memory_space<vmem>> -> memref<32x128xf32, #tpu.memory_space<vmem>>
      %dma_start3A_362 = arith.constant 0 : i32
      %dma_start3A_363 = tpu.memref_slice %arg4[%dma_start3A_362, %multiple_of3A_350] : memref<32x1000000xf32, #tpu.memory_space<hbm>> -> memref<32x128xf32, #tpu.memory_space<hbm>>
      tpu.enqueue_dma source(%dma_start3A_363 : memref<32x128xf32, #tpu.memory_space<hbm>>) target(%dma_start3A_361 : memref<32x128xf32, #tpu.memory_space<vmem>>) target_semaphore(%arg15 : memref<!tpu.dma_semaphore, #tpu.memory_space<semaphore_mem>>)
      %slice3A_364 = vector.extract_strided_slice %shift_left3A_118 {offsets = [15], sizes = [1], strides = [1]} : vector<16xi32> to vector<1xi32>
      %squeeze3A_365 = vector.extract %slice3A_364[0] : i32 from vector<1xi32>
      %multiple_of3A_366 = tpu.assume_multiple %squeeze3A_365, 128 : i32
      %dma_start3A_367 = arith.constant 15 : i32
      %dma_start3A_368 = arith.constant 0 : i32
      %dma_start3A_369 = arith.constant 0 : i32
      %dma_start3A_370 = tpu.memref_slice %arg11[%dma_start3A_367, %dma_start3A_368, %dma_start3A_369] : memref<16x32x128xf32, #tpu.memory_space<vmem>> -> memref<1x32x128xf32, #tpu.memory_space<vmem>>
      %dma_start3A_371 = tpu.memref_squeeze %dma_start3A_370 : memref<1x32x128xf32, #tpu.memory_space<vmem>> -> memref<32x128xf32, #tpu.memory_space<vmem>>
      %dma_start3A_372 = arith.constant 0 : i32
      %dma_start3A_373 = tpu.memref_slice %arg4[%dma_start3A_372, %multiple_of3A_366] : memref<32x1000000xf32, #tpu.memory_space<hbm>> -> memref<32x128xf32, #tpu.memory_space<hbm>>
      %dma_start3A_374 = arith.constant 0 : i32
      %dma_start3A_375 = arith.constant 0 : i32
      %dma_start3A_376 = tpu.memref_slice %arg11[%dma_start3A_367, %dma_start3A_374, %dma_start3A_375] : memref<16x32x128xf32, #tpu.memory_space<vmem>> -> memref<1x32x128xf32, #tpu.memory_space<vmem>>
      %dma_start3A_377 = tpu.memref_squeeze %dma_start3A_376 : memref<1x32x128xf32, #tpu.memory_space<vmem>> -> memref<32x128xf32, #tpu.memory_space<vmem>>
      %dma_start3A_378 = arith.constant 0 : i32
      %dma_start3A_379 = tpu.memref_slice %arg4[%dma_start3A_378, %multiple_of3A_366] : memref<32x1000000xf32, #tpu.memory_space<hbm>> -> memref<32x128xf32, #tpu.memory_space<hbm>>
      tpu.enqueue_dma source(%dma_start3A_379 : memref<32x128xf32, #tpu.memory_space<hbm>>) target(%dma_start3A_377 : memref<32x128xf32, #tpu.memory_space<vmem>>) target_semaphore(%arg15 : memref<!tpu.dma_semaphore, #tpu.memory_space<semaphore_mem>>)
      %dma_wait3A_380 = arith.constant 0 : i32
      %dma_wait3A_381 = arith.constant 0 : i32
      %dma_wait3A_382 = arith.constant 0 : i32
      %dma_wait3A_383 = tpu.memref_slice %arg11[%dma_wait3A_380, %dma_wait3A_381, %dma_wait3A_382] : memref<16x32x128xf32, #tpu.memory_space<vmem>> -> memref<1x32x128xf32, #tpu.memory_space<vmem>>
      %dma_wait3A_384 = tpu.memref_squeeze %dma_wait3A_383 : memref<1x32x128xf32, #tpu.memory_space<vmem>> -> memref<32x128xf32, #tpu.memory_space<vmem>>
      %dma_wait3A_385 = arith.constant 0 : i32
      %dma_wait3A_386 = tpu.memref_slice %arg4[%dma_wait3A_385, %multiple_of3A_126] : memref<32x1000000xf32, #tpu.memory_space<hbm>> -> memref<32x128xf32, #tpu.memory_space<hbm>>
      %dma_wait3A_387 = arith.constant 0 : i32
      %dma_wait3A_388 = arith.constant 0 : i32
      %dma_wait3A_389 = tpu.memref_slice %arg11[%dma_wait3A_380, %dma_wait3A_387, %dma_wait3A_388] : memref<16x32x128xf32, #tpu.memory_space<vmem>> -> memref<1x32x128xf32, #tpu.memory_space<vmem>>
      %dma_wait3A_390 = tpu.memref_squeeze %dma_wait3A_389 : memref<1x32x128xf32, #tpu.memory_space<vmem>> -> memref<32x128xf32, #tpu.memory_space<vmem>>
      %dma_wait3A_391 = arith.constant 0 : i32
      %dma_wait3A_392 = tpu.memref_slice %arg4[%dma_wait3A_391, %multiple_of3A_126] : memref<32x1000000xf32, #tpu.memory_space<hbm>> -> memref<32x128xf32, #tpu.memory_space<hbm>>
      tpu.wait_dma2 semaphore(%arg15 : memref<!tpu.dma_semaphore, #tpu.memory_space<semaphore_mem>>) src(%dma_wait3A_392 : memref<32x128xf32, #tpu.memory_space<hbm>>) dst(%dma_wait3A_390 : memref<32x128xf32, #tpu.memory_space<vmem>>)
      %dma_wait3A_393 = arith.constant 1 : i32
      %dma_wait3A_394 = arith.constant 0 : i32
      %dma_wait3A_395 = arith.constant 0 : i32
      %dma_wait3A_396 = tpu.memref_slice %arg11[%dma_wait3A_393, %dma_wait3A_394, %dma_wait3A_395] : memref<16x32x128xf32, #tpu.memory_space<vmem>> -> memref<1x32x128xf32, #tpu.memory_space<vmem>>
      %dma_wait3A_397 = tpu.memref_squeeze %dma_wait3A_396 : memref<1x32x128xf32, #tpu.memory_space<vmem>> -> memref<32x128xf32, #tpu.memory_space<vmem>>
      %dma_wait3A_398 = arith.constant 0 : i32
      %dma_wait3A_399 = tpu.memref_slice %arg4[%dma_wait3A_398, %multiple_of3A_142] : memref<32x1000000xf32, #tpu.memory_space<hbm>> -> memref<32x128xf32, #tpu.memory_space<hbm>>
      %dma_wait3A_400 = arith.constant 0 : i32
      %dma_wait3A_401 = arith.constant 0 : i32
      %dma_wait3A_402 = tpu.memref_slice %arg11[%dma_wait3A_393, %dma_wait3A_400, %dma_wait3A_401] : memref<16x32x128xf32, #tpu.memory_space<vmem>> -> memref<1x32x128xf32, #tpu.memory_space<vmem>>
      %dma_wait3A_403 = tpu.memref_squeeze %dma_wait3A_402 : memref<1x32x128xf32, #tpu.memory_space<vmem>> -> memref<32x128xf32, #tpu.memory_space<vmem>>
      %dma_wait3A_404 = arith.constant 0 : i32
      %dma_wait3A_405 = tpu.memref_slice %arg4[%dma_wait3A_404, %multiple_of3A_142] : memref<32x1000000xf32, #tpu.memory_space<hbm>> -> memref<32x128xf32, #tpu.memory_space<hbm>>
      tpu.wait_dma2 semaphore(%arg15 : memref<!tpu.dma_semaphore, #tpu.memory_space<semaphore_mem>>) src(%dma_wait3A_405 : memref<32x128xf32, #tpu.memory_space<hbm>>) dst(%dma_wait3A_403 : memref<32x128xf32, #tpu.memory_space<vmem>>)
      %dma_wait3A_406 = arith.constant 2 : i32
      %dma_wait3A_407 = arith.constant 0 : i32
      %dma_wait3A_408 = arith.constant 0 : i32
      %dma_wait3A_409 = tpu.memref_slice %arg11[%dma_wait3A_406, %dma_wait3A_407, %dma_wait3A_408] : memref<16x32x128xf32, #tpu.memory_space<vmem>> -> memref<1x32x128xf32, #tpu.memory_space<vmem>>
      %dma_wait3A_410 = tpu.memref_squeeze %dma_wait3A_409 : memref<1x32x128xf32, #tpu.memory_space<vmem>> -> memref<32x128xf32, #tpu.memory_space<vmem>>
      %dma_wait3A_411 = arith.constant 0 : i32
      %dma_wait3A_412 = tpu.memref_slice %arg4[%dma_wait3A_411, %multiple_of3A_158] : memref<32x1000000xf32, #tpu.memory_space<hbm>> -> memref<32x128xf32, #tpu.memory_space<hbm>>
      %dma_wait3A_413 = arith.constant 0 : i32
      %dma_wait3A_414 = arith.constant 0 : i32
      %dma_wait3A_415 = tpu.memref_slice %arg11[%dma_wait3A_406, %dma_wait3A_413, %dma_wait3A_414] : memref<16x32x128xf32, #tpu.memory_space<vmem>> -> memref<1x32x128xf32, #tpu.memory_space<vmem>>
      %dma_wait3A_416 = tpu.memref_squeeze %dma_wait3A_415 : memref<1x32x128xf32, #tpu.memory_space<vmem>> -> memref<32x128xf32, #tpu.memory_space<vmem>>
      %dma_wait3A_417 = arith.constant 0 : i32
      %dma_wait3A_418 = tpu.memref_slice %arg4[%dma_wait3A_417, %multiple_of3A_158] : memref<32x1000000xf32, #tpu.memory_space<hbm>> -> memref<32x128xf32, #tpu.memory_space<hbm>>
      tpu.wait_dma2 semaphore(%arg15 : memref<!tpu.dma_semaphore, #tpu.memory_space<semaphore_mem>>) src(%dma_wait3A_418 : memref<32x128xf32, #tpu.memory_space<hbm>>) dst(%dma_wait3A_416 : memref<32x128xf32, #tpu.memory_space<vmem>>)
      %dma_wait3A_419 = arith.constant 3 : i32
      %dma_wait3A_420 = arith.constant 0 : i32
      %dma_wait3A_421 = arith.constant 0 : i32
      %dma_wait3A_422 = tpu.memref_slice %arg11[%dma_wait3A_419, %dma_wait3A_420, %dma_wait3A_421] : memref<16x32x128xf32, #tpu.memory_space<vmem>> -> memref<1x32x128xf32, #tpu.memory_space<vmem>>
      %dma_wait3A_423 = tpu.memref_squeeze %dma_wait3A_422 : memref<1x32x128xf32, #tpu.memory_space<vmem>> -> memref<32x128xf32, #tpu.memory_space<vmem>>
      %dma_wait3A_424 = arith.constant 0 : i32
      %dma_wait3A_425 = tpu.memref_slice %arg4[%dma_wait3A_424, %multiple_of3A_174] : memref<32x1000000xf32, #tpu.memory_space<hbm>> -> memref<32x128xf32, #tpu.memory_space<hbm>>
      %dma_wait3A_426 = arith.constant 0 : i32
      %dma_wait3A_427 = arith.constant 0 : i32
      %dma_wait3A_428 = tpu.memref_slice %arg11[%dma_wait3A_419, %dma_wait3A_426, %dma_wait3A_427] : memref<16x32x128xf32, #tpu.memory_space<vmem>> -> memref<1x32x128xf32, #tpu.memory_space<vmem>>
      %dma_wait3A_429 = tpu.memref_squeeze %dma_wait3A_428 : memref<1x32x128xf32, #tpu.memory_space<vmem>> -> memref<32x128xf32, #tpu.memory_space<vmem>>
      %dma_wait3A_430 = arith.constant 0 : i32
      %dma_wait3A_431 = tpu.memref_slice %arg4[%dma_wait3A_430, %multiple_of3A_174] : memref<32x1000000xf32, #tpu.memory_space<hbm>> -> memref<32x128xf32, #tpu.memory_space<hbm>>
      tpu.wait_dma2 semaphore(%arg15 : memref<!tpu.dma_semaphore, #tpu.memory_space<semaphore_mem>>) src(%dma_wait3A_431 : memref<32x128xf32, #tpu.memory_space<hbm>>) dst(%dma_wait3A_429 : memref<32x128xf32, #tpu.memory_space<vmem>>)
      %dma_wait3A_432 = arith.constant 4 : i32
      %dma_wait3A_433 = arith.constant 0 : i32
      %dma_wait3A_434 = arith.constant 0 : i32
      %dma_wait3A_435 = tpu.memref_slice %arg11[%dma_wait3A_432, %dma_wait3A_433, %dma_wait3A_434] : memref<16x32x128xf32, #tpu.memory_space<vmem>> -> memref<1x32x128xf32, #tpu.memory_space<vmem>>
      %dma_wait3A_436 = tpu.memref_squeeze %dma_wait3A_435 : memref<1x32x128xf32, #tpu.memory_space<vmem>> -> memref<32x128xf32, #tpu.memory_space<vmem>>
      %dma_wait3A_437 = arith.constant 0 : i32
      %dma_wait3A_438 = tpu.memref_slice %arg4[%dma_wait3A_437, %multiple_of3A_190] : memref<32x1000000xf32, #tpu.memory_space<hbm>> -> memref<32x128xf32, #tpu.memory_space<hbm>>
      %dma_wait3A_439 = arith.constant 0 : i32
      %dma_wait3A_440 = arith.constant 0 : i32
      %dma_wait3A_441 = tpu.memref_slice %arg11[%dma_wait3A_432, %dma_wait3A_439, %dma_wait3A_440] : memref<16x32x128xf32, #tpu.memory_space<vmem>> -> memref<1x32x128xf32, #tpu.memory_space<vmem>>
      %dma_wait3A_442 = tpu.memref_squeeze %dma_wait3A_441 : memref<1x32x128xf32, #tpu.memory_space<vmem>> -> memref<32x128xf32, #tpu.memory_space<vmem>>
      %dma_wait3A_443 = arith.constant 0 : i32
      %dma_wait3A_444 = tpu.memref_slice %arg4[%dma_wait3A_443, %multiple_of3A_190] : memref<32x1000000xf32, #tpu.memory_space<hbm>> -> memref<32x128xf32, #tpu.memory_space<hbm>>
      tpu.wait_dma2 semaphore(%arg15 : memref<!tpu.dma_semaphore, #tpu.memory_space<semaphore_mem>>) src(%dma_wait3A_444 : memref<32x128xf32, #tpu.memory_space<hbm>>) dst(%dma_wait3A_442 : memref<32x128xf32, #tpu.memory_space<vmem>>)
      %dma_wait3A_445 = arith.constant 5 : i32
      %dma_wait3A_446 = arith.constant 0 : i32
      %dma_wait3A_447 = arith.constant 0 : i32
      %dma_wait3A_448 = tpu.memref_slice %arg11[%dma_wait3A_445, %dma_wait3A_446, %dma_wait3A_447] : memref<16x32x128xf32, #tpu.memory_space<vmem>> -> memref<1x32x128xf32, #tpu.memory_space<vmem>>
      %dma_wait3A_449 = tpu.memref_squeeze %dma_wait3A_448 : memref<1x32x128xf32, #tpu.memory_space<vmem>> -> memref<32x128xf32, #tpu.memory_space<vmem>>
      %dma_wait3A_450 = arith.constant 0 : i32
      %dma_wait3A_451 = tpu.memref_slice %arg4[%dma_wait3A_450, %multiple_of3A_206] : memref<32x1000000xf32, #tpu.memory_space<hbm>> -> memref<32x128xf32, #tpu.memory_space<hbm>>
      %dma_wait3A_452 = arith.constant 0 : i32
      %dma_wait3A_453 = arith.constant 0 : i32
      %dma_wait3A_454 = tpu.memref_slice %arg11[%dma_wait3A_445, %dma_wait3A_452, %dma_wait3A_453] : memref<16x32x128xf32, #tpu.memory_space<vmem>> -> memref<1x32x128xf32, #tpu.memory_space<vmem>>
      %dma_wait3A_455 = tpu.memref_squeeze %dma_wait3A_454 : memref<1x32x128xf32, #tpu.memory_space<vmem>> -> memref<32x128xf32, #tpu.memory_space<vmem>>
      %dma_wait3A_456 = arith.constant 0 : i32
      %dma_wait3A_457 = tpu.memref_slice %arg4[%dma_wait3A_456, %multiple_of3A_206] : memref<32x1000000xf32, #tpu.memory_space<hbm>> -> memref<32x128xf32, #tpu.memory_space<hbm>>
      tpu.wait_dma2 semaphore(%arg15 : memref<!tpu.dma_semaphore, #tpu.memory_space<semaphore_mem>>) src(%dma_wait3A_457 : memref<32x128xf32, #tpu.memory_space<hbm>>) dst(%dma_wait3A_455 : memref<32x128xf32, #tpu.memory_space<vmem>>)
      %dma_wait3A_458 = arith.constant 6 : i32
      %dma_wait3A_459 = arith.constant 0 : i32
      %dma_wait3A_460 = arith.constant 0 : i32
      %dma_wait3A_461 = tpu.memref_slice %arg11[%dma_wait3A_458, %dma_wait3A_459, %dma_wait3A_460] : memref<16x32x128xf32, #tpu.memory_space<vmem>> -> memref<1x32x128xf32, #tpu.memory_space<vmem>>
      %dma_wait3A_462 = tpu.memref_squeeze %dma_wait3A_461 : memref<1x32x128xf32, #tpu.memory_space<vmem>> -> memref<32x128xf32, #tpu.memory_space<vmem>>
      %dma_wait3A_463 = arith.constant 0 : i32
      %dma_wait3A_464 = tpu.memref_slice %arg4[%dma_wait3A_463, %multiple_of3A_222] : memref<32x1000000xf32, #tpu.memory_space<hbm>> -> memref<32x128xf32, #tpu.memory_space<hbm>>
      %dma_wait3A_465 = arith.constant 0 : i32
      %dma_wait3A_466 = arith.constant 0 : i32
      %dma_wait3A_467 = tpu.memref_slice %arg11[%dma_wait3A_458, %dma_wait3A_465, %dma_wait3A_466] : memref<16x32x128xf32, #tpu.memory_space<vmem>> -> memref<1x32x128xf32, #tpu.memory_space<vmem>>
      %dma_wait3A_468 = tpu.memref_squeeze %dma_wait3A_467 : memref<1x32x128xf32, #tpu.memory_space<vmem>> -> memref<32x128xf32, #tpu.memory_space<vmem>>
      %dma_wait3A_469 = arith.constant 0 : i32
      %dma_wait3A_470 = tpu.memref_slice %arg4[%dma_wait3A_469, %multiple_of3A_222] : memref<32x1000000xf32, #tpu.memory_space<hbm>> -> memref<32x128xf32, #tpu.memory_space<hbm>>
      tpu.wait_dma2 semaphore(%arg15 : memref<!tpu.dma_semaphore, #tpu.memory_space<semaphore_mem>>) src(%dma_wait3A_470 : memref<32x128xf32, #tpu.memory_space<hbm>>) dst(%dma_wait3A_468 : memref<32x128xf32, #tpu.memory_space<vmem>>)
      %dma_wait3A_471 = arith.constant 7 : i32
      %dma_wait3A_472 = arith.constant 0 : i32
      %dma_wait3A_473 = arith.constant 0 : i32
      %dma_wait3A_474 = tpu.memref_slice %arg11[%dma_wait3A_471, %dma_wait3A_472, %dma_wait3A_473] : memref<16x32x128xf32, #tpu.memory_space<vmem>> -> memref<1x32x128xf32, #tpu.memory_space<vmem>>
      %dma_wait3A_475 = tpu.memref_squeeze %dma_wait3A_474 : memref<1x32x128xf32, #tpu.memory_space<vmem>> -> memref<32x128xf32, #tpu.memory_space<vmem>>
      %dma_wait3A_476 = arith.constant 0 : i32
      %dma_wait3A_477 = tpu.memref_slice %arg4[%dma_wait3A_476, %multiple_of3A_238] : memref<32x1000000xf32, #tpu.memory_space<hbm>> -> memref<32x128xf32, #tpu.memory_space<hbm>>
      %dma_wait3A_478 = arith.constant 0 : i32
      %dma_wait3A_479 = arith.constant 0 : i32
      %dma_wait3A_480 = tpu.memref_slice %arg11[%dma_wait3A_471, %dma_wait3A_478, %dma_wait3A_479] : memref<16x32x128xf32, #tpu.memory_space<vmem>> -> memref<1x32x128xf32, #tpu.memory_space<vmem>>
      %dma_wait3A_481 = tpu.memref_squeeze %dma_wait3A_480 : memref<1x32x128xf32, #tpu.memory_space<vmem>> -> memref<32x128xf32, #tpu.memory_space<vmem>>
      %dma_wait3A_482 = arith.constant 0 : i32
      %dma_wait3A_483 = tpu.memref_slice %arg4[%dma_wait3A_482, %multiple_of3A_238] : memref<32x1000000xf32, #tpu.memory_space<hbm>> -> memref<32x128xf32, #tpu.memory_space<hbm>>
      tpu.wait_dma2 semaphore(%arg15 : memref<!tpu.dma_semaphore, #tpu.memory_space<semaphore_mem>>) src(%dma_wait3A_483 : memref<32x128xf32, #tpu.memory_space<hbm>>) dst(%dma_wait3A_481 : memref<32x128xf32, #tpu.memory_space<vmem>>)
      %dma_wait3A_484 = arith.constant 8 : i32
      %dma_wait3A_485 = arith.constant 0 : i32
      %dma_wait3A_486 = arith.constant 0 : i32
      %dma_wait3A_487 = tpu.memref_slice %arg11[%dma_wait3A_484, %dma_wait3A_485, %dma_wait3A_486] : memref<16x32x128xf32, #tpu.memory_space<vmem>> -> memref<1x32x128xf32, #tpu.memory_space<vmem>>
      %dma_wait3A_488 = tpu.memref_squeeze %dma_wait3A_487 : memref<1x32x128xf32, #tpu.memory_space<vmem>> -> memref<32x128xf32, #tpu.memory_space<vmem>>
      %dma_wait3A_489 = arith.constant 0 : i32
      %dma_wait3A_490 = tpu.memref_slice %arg4[%dma_wait3A_489, %multiple_of3A_254] : memref<32x1000000xf32, #tpu.memory_space<hbm>> -> memref<32x128xf32, #tpu.memory_space<hbm>>
      %dma_wait3A_491 = arith.constant 0 : i32
      %dma_wait3A_492 = arith.constant 0 : i32
      %dma_wait3A_493 = tpu.memref_slice %arg11[%dma_wait3A_484, %dma_wait3A_491, %dma_wait3A_492] : memref<16x32x128xf32, #tpu.memory_space<vmem>> -> memref<1x32x128xf32, #tpu.memory_space<vmem>>
      %dma_wait3A_494 = tpu.memref_squeeze %dma_wait3A_493 : memref<1x32x128xf32, #tpu.memory_space<vmem>> -> memref<32x128xf32, #tpu.memory_space<vmem>>
      %dma_wait3A_495 = arith.constant 0 : i32
      %dma_wait3A_496 = tpu.memref_slice %arg4[%dma_wait3A_495, %multiple_of3A_254] : memref<32x1000000xf32, #tpu.memory_space<hbm>> -> memref<32x128xf32, #tpu.memory_space<hbm>>
      tpu.wait_dma2 semaphore(%arg15 : memref<!tpu.dma_semaphore, #tpu.memory_space<semaphore_mem>>) src(%dma_wait3A_496 : memref<32x128xf32, #tpu.memory_space<hbm>>) dst(%dma_wait3A_494 : memref<32x128xf32, #tpu.memory_space<vmem>>)
      %dma_wait3A_497 = arith.constant 9 : i32
      %dma_wait3A_498 = arith.constant 0 : i32
      %dma_wait3A_499 = arith.constant 0 : i32
      %dma_wait3A_500 = tpu.memref_slice %arg11[%dma_wait3A_497, %dma_wait3A_498, %dma_wait3A_499] : memref<16x32x128xf32, #tpu.memory_space<vmem>> -> memref<1x32x128xf32, #tpu.memory_space<vmem>>
      %dma_wait3A_501 = tpu.memref_squeeze %dma_wait3A_500 : memref<1x32x128xf32, #tpu.memory_space<vmem>> -> memref<32x128xf32, #tpu.memory_space<vmem>>
      %dma_wait3A_502 = arith.constant 0 : i32
      %dma_wait3A_503 = tpu.memref_slice %arg4[%dma_wait3A_502, %multiple_of3A_270] : memref<32x1000000xf32, #tpu.memory_space<hbm>> -> memref<32x128xf32, #tpu.memory_space<hbm>>
      %dma_wait3A_504 = arith.constant 0 : i32
      %dma_wait3A_505 = arith.constant 0 : i32
      %dma_wait3A_506 = tpu.memref_slice %arg11[%dma_wait3A_497, %dma_wait3A_504, %dma_wait3A_505] : memref<16x32x128xf32, #tpu.memory_space<vmem>> -> memref<1x32x128xf32, #tpu.memory_space<vmem>>
      %dma_wait3A_507 = tpu.memref_squeeze %dma_wait3A_506 : memref<1x32x128xf32, #tpu.memory_space<vmem>> -> memref<32x128xf32, #tpu.memory_space<vmem>>
      %dma_wait3A_508 = arith.constant 0 : i32
      %dma_wait3A_509 = tpu.memref_slice %arg4[%dma_wait3A_508, %multiple_of3A_270] : memref<32x1000000xf32, #tpu.memory_space<hbm>> -> memref<32x128xf32, #tpu.memory_space<hbm>>
      tpu.wait_dma2 semaphore(%arg15 : memref<!tpu.dma_semaphore, #tpu.memory_space<semaphore_mem>>) src(%dma_wait3A_509 : memref<32x128xf32, #tpu.memory_space<hbm>>) dst(%dma_wait3A_507 : memref<32x128xf32, #tpu.memory_space<vmem>>)
      %dma_wait3A_510 = arith.constant 10 : i32
      %dma_wait3A_511 = arith.constant 0 : i32
      %dma_wait3A_512 = arith.constant 0 : i32
      %dma_wait3A_513 = tpu.memref_slice %arg11[%dma_wait3A_510, %dma_wait3A_511, %dma_wait3A_512] : memref<16x32x128xf32, #tpu.memory_space<vmem>> -> memref<1x32x128xf32, #tpu.memory_space<vmem>>
      %dma_wait3A_514 = tpu.memref_squeeze %dma_wait3A_513 : memref<1x32x128xf32, #tpu.memory_space<vmem>> -> memref<32x128xf32, #tpu.memory_space<vmem>>
      %dma_wait3A_515 = arith.constant 0 : i32
      %dma_wait3A_516 = tpu.memref_slice %arg4[%dma_wait3A_515, %multiple_of3A_286] : memref<32x1000000xf32, #tpu.memory_space<hbm>> -> memref<32x128xf32, #tpu.memory_space<hbm>>
      %dma_wait3A_517 = arith.constant 0 : i32
      %dma_wait3A_518 = arith.constant 0 : i32
      %dma_wait3A_519 = tpu.memref_slice %arg11[%dma_wait3A_510, %dma_wait3A_517, %dma_wait3A_518] : memref<16x32x128xf32, #tpu.memory_space<vmem>> -> memref<1x32x128xf32, #tpu.memory_space<vmem>>
      %dma_wait3A_520 = tpu.memref_squeeze %dma_wait3A_519 : memref<1x32x128xf32, #tpu.memory_space<vmem>> -> memref<32x128xf32, #tpu.memory_space<vmem>>
      %dma_wait3A_521 = arith.constant 0 : i32
      %dma_wait3A_522 = tpu.memref_slice %arg4[%dma_wait3A_521, %multiple_of3A_286] : memref<32x1000000xf32, #tpu.memory_space<hbm>> -> memref<32x128xf32, #tpu.memory_space<hbm>>
      tpu.wait_dma2 semaphore(%arg15 : memref<!tpu.dma_semaphore, #tpu.memory_space<semaphore_mem>>) src(%dma_wait3A_522 : memref<32x128xf32, #tpu.memory_space<hbm>>) dst(%dma_wait3A_520 : memref<32x128xf32, #tpu.memory_space<vmem>>)
      %dma_wait3A_523 = arith.constant 11 : i32
      %dma_wait3A_524 = arith.constant 0 : i32
      %dma_wait3A_525 = arith.constant 0 : i32
      %dma_wait3A_526 = tpu.memref_slice %arg11[%dma_wait3A_523, %dma_wait3A_524, %dma_wait3A_525] : memref<16x32x128xf32, #tpu.memory_space<vmem>> -> memref<1x32x128xf32, #tpu.memory_space<vmem>>
      %dma_wait3A_527 = tpu.memref_squeeze %dma_wait3A_526 : memref<1x32x128xf32, #tpu.memory_space<vmem>> -> memref<32x128xf32, #tpu.memory_space<vmem>>
      %dma_wait3A_528 = arith.constant 0 : i32
      %dma_wait3A_529 = tpu.memref_slice %arg4[%dma_wait3A_528, %multiple_of3A_302] : memref<32x1000000xf32, #tpu.memory_space<hbm>> -> memref<32x128xf32, #tpu.memory_space<hbm>>
      %dma_wait3A_530 = arith.constant 0 : i32
      %dma_wait3A_531 = arith.constant 0 : i32
      %dma_wait3A_532 = tpu.memref_slice %arg11[%dma_wait3A_523, %dma_wait3A_530, %dma_wait3A_531] : memref<16x32x128xf32, #tpu.memory_space<vmem>> -> memref<1x32x128xf32, #tpu.memory_space<vmem>>
      %dma_wait3A_533 = tpu.memref_squeeze %dma_wait3A_532 : memref<1x32x128xf32, #tpu.memory_space<vmem>> -> memref<32x128xf32, #tpu.memory_space<vmem>>
      %dma_wait3A_534 = arith.constant 0 : i32
      %dma_wait3A_535 = tpu.memref_slice %arg4[%dma_wait3A_534, %multiple_of3A_302] : memref<32x1000000xf32, #tpu.memory_space<hbm>> -> memref<32x128xf32, #tpu.memory_space<hbm>>
      tpu.wait_dma2 semaphore(%arg15 : memref<!tpu.dma_semaphore, #tpu.memory_space<semaphore_mem>>) src(%dma_wait3A_535 : memref<32x128xf32, #tpu.memory_space<hbm>>) dst(%dma_wait3A_533 : memref<32x128xf32, #tpu.memory_space<vmem>>)
      %dma_wait3A_536 = arith.constant 12 : i32
      %dma_wait3A_537 = arith.constant 0 : i32
      %dma_wait3A_538 = arith.constant 0 : i32
      %dma_wait3A_539 = tpu.memref_slice %arg11[%dma_wait3A_536, %dma_wait3A_537, %dma_wait3A_538] : memref<16x32x128xf32, #tpu.memory_space<vmem>> -> memref<1x32x128xf32, #tpu.memory_space<vmem>>
      %dma_wait3A_540 = tpu.memref_squeeze %dma_wait3A_539 : memref<1x32x128xf32, #tpu.memory_space<vmem>> -> memref<32x128xf32, #tpu.memory_space<vmem>>
      %dma_wait3A_541 = arith.constant 0 : i32
      %dma_wait3A_542 = tpu.memref_slice %arg4[%dma_wait3A_541, %multiple_of3A_318] : memref<32x1000000xf32, #tpu.memory_space<hbm>> -> memref<32x128xf32, #tpu.memory_space<hbm>>
      %dma_wait3A_543 = arith.constant 0 : i32
      %dma_wait3A_544 = arith.constant 0 : i32
      %dma_wait3A_545 = tpu.memref_slice %arg11[%dma_wait3A_536, %dma_wait3A_543, %dma_wait3A_544] : memref<16x32x128xf32, #tpu.memory_space<vmem>> -> memref<1x32x128xf32, #tpu.memory_space<vmem>>
      %dma_wait3A_546 = tpu.memref_squeeze %dma_wait3A_545 : memref<1x32x128xf32, #tpu.memory_space<vmem>> -> memref<32x128xf32, #tpu.memory_space<vmem>>
      %dma_wait3A_547 = arith.constant 0 : i32
      %dma_wait3A_548 = tpu.memref_slice %arg4[%dma_wait3A_547, %multiple_of3A_318] : memref<32x1000000xf32, #tpu.memory_space<hbm>> -> memref<32x128xf32, #tpu.memory_space<hbm>>
      tpu.wait_dma2 semaphore(%arg15 : memref<!tpu.dma_semaphore, #tpu.memory_space<semaphore_mem>>) src(%dma_wait3A_548 : memref<32x128xf32, #tpu.memory_space<hbm>>) dst(%dma_wait3A_546 : memref<32x128xf32, #tpu.memory_space<vmem>>)
      %dma_wait3A_549 = arith.constant 13 : i32
      %dma_wait3A_550 = arith.constant 0 : i32
      %dma_wait3A_551 = arith.constant 0 : i32
      %dma_wait3A_552 = tpu.memref_slice %arg11[%dma_wait3A_549, %dma_wait3A_550, %dma_wait3A_551] : memref<16x32x128xf32, #tpu.memory_space<vmem>> -> memref<1x32x128xf32, #tpu.memory_space<vmem>>
      %dma_wait3A_553 = tpu.memref_squeeze %dma_wait3A_552 : memref<1x32x128xf32, #tpu.memory_space<vmem>> -> memref<32x128xf32, #tpu.memory_space<vmem>>
      %dma_wait3A_554 = arith.constant 0 : i32
      %dma_wait3A_555 = tpu.memref_slice %arg4[%dma_wait3A_554, %multiple_of3A_334] : memref<32x1000000xf32, #tpu.memory_space<hbm>> -> memref<32x128xf32, #tpu.memory_space<hbm>>
      %dma_wait3A_556 = arith.constant 0 : i32
      %dma_wait3A_557 = arith.constant 0 : i32
      %dma_wait3A_558 = tpu.memref_slice %arg11[%dma_wait3A_549, %dma_wait3A_556, %dma_wait3A_557] : memref<16x32x128xf32, #tpu.memory_space<vmem>> -> memref<1x32x128xf32, #tpu.memory_space<vmem>>
      %dma_wait3A_559 = tpu.memref_squeeze %dma_wait3A_558 : memref<1x32x128xf32, #tpu.memory_space<vmem>> -> memref<32x128xf32, #tpu.memory_space<vmem>>
      %dma_wait3A_560 = arith.constant 0 : i32
      %dma_wait3A_561 = tpu.memref_slice %arg4[%dma_wait3A_560, %multiple_of3A_334] : memref<32x1000000xf32, #tpu.memory_space<hbm>> -> memref<32x128xf32, #tpu.memory_space<hbm>>
      tpu.wait_dma2 semaphore(%arg15 : memref<!tpu.dma_semaphore, #tpu.memory_space<semaphore_mem>>) src(%dma_wait3A_561 : memref<32x128xf32, #tpu.memory_space<hbm>>) dst(%dma_wait3A_559 : memref<32x128xf32, #tpu.memory_space<vmem>>)
      %dma_wait3A_562 = arith.constant 14 : i32
      %dma_wait3A_563 = arith.constant 0 : i32
      %dma_wait3A_564 = arith.constant 0 : i32
      %dma_wait3A_565 = tpu.memref_slice %arg11[%dma_wait3A_562, %dma_wait3A_563, %dma_wait3A_564] : memref<16x32x128xf32, #tpu.memory_space<vmem>> -> memref<1x32x128xf32, #tpu.memory_space<vmem>>
      %dma_wait3A_566 = tpu.memref_squeeze %dma_wait3A_565 : memref<1x32x128xf32, #tpu.memory_space<vmem>> -> memref<32x128xf32, #tpu.memory_space<vmem>>
      %dma_wait3A_567 = arith.constant 0 : i32
      %dma_wait3A_568 = tpu.memref_slice %arg4[%dma_wait3A_567, %multiple_of3A_350] : memref<32x1000000xf32, #tpu.memory_space<hbm>> -> memref<32x128xf32, #tpu.memory_space<hbm>>
      %dma_wait3A_569 = arith.constant 0 : i32
      %dma_wait3A_570 = arith.constant 0 : i32
      %dma_wait3A_571 = tpu.memref_slice %arg11[%dma_wait3A_562, %dma_wait3A_569, %dma_wait3A_570] : memref<16x32x128xf32, #tpu.memory_space<vmem>> -> memref<1x32x128xf32, #tpu.memory_space<vmem>>
      %dma_wait3A_572 = tpu.memref_squeeze %dma_wait3A_571 : memref<1x32x128xf32, #tpu.memory_space<vmem>> -> memref<32x128xf32, #tpu.memory_space<vmem>>
      %dma_wait3A_573 = arith.constant 0 : i32
      %dma_wait3A_574 = tpu.memref_slice %arg4[%dma_wait3A_573, %multiple_of3A_350] : memref<32x1000000xf32, #tpu.memory_space<hbm>> -> memref<32x128xf32, #tpu.memory_space<hbm>>
      tpu.wait_dma2 semaphore(%arg15 : memref<!tpu.dma_semaphore, #tpu.memory_space<semaphore_mem>>) src(%dma_wait3A_574 : memref<32x128xf32, #tpu.memory_space<hbm>>) dst(%dma_wait3A_572 : memref<32x128xf32, #tpu.memory_space<vmem>>)
      %dma_wait3A_575 = arith.constant 15 : i32
      %dma_wait3A_576 = arith.constant 0 : i32
      %dma_wait3A_577 = arith.constant 0 : i32
      %dma_wait3A_578 = tpu.memref_slice %arg11[%dma_wait3A_575, %dma_wait3A_576, %dma_wait3A_577] : memref<16x32x128xf32, #tpu.memory_space<vmem>> -> memref<1x32x128xf32, #tpu.memory_space<vmem>>
      %dma_wait3A_579 = tpu.memref_squeeze %dma_wait3A_578 : memref<1x32x128xf32, #tpu.memory_space<vmem>> -> memref<32x128xf32, #tpu.memory_space<vmem>>
      %dma_wait3A_580 = arith.constant 0 : i32
      %dma_wait3A_581 = tpu.memref_slice %arg4[%dma_wait3A_580, %multiple_of3A_366] : memref<32x1000000xf32, #tpu.memory_space<hbm>> -> memref<32x128xf32, #tpu.memory_space<hbm>>
      %dma_wait3A_582 = arith.constant 0 : i32
      %dma_wait3A_583 = arith.constant 0 : i32
      %dma_wait3A_584 = tpu.memref_slice %arg11[%dma_wait3A_575, %dma_wait3A_582, %dma_wait3A_583] : memref<16x32x128xf32, #tpu.memory_space<vmem>> -> memref<1x32x128xf32, #tpu.memory_space<vmem>>
      %dma_wait3A_585 = tpu.memref_squeeze %dma_wait3A_584 : memref<1x32x128xf32, #tpu.memory_space<vmem>> -> memref<32x128xf32, #tpu.memory_space<vmem>>
      %dma_wait3A_586 = arith.constant 0 : i32
      %dma_wait3A_587 = tpu.memref_slice %arg4[%dma_wait3A_586, %multiple_of3A_366] : memref<32x1000000xf32, #tpu.memory_space<hbm>> -> memref<32x128xf32, #tpu.memory_space<hbm>>
      tpu.wait_dma2 semaphore(%arg15 : memref<!tpu.dma_semaphore, #tpu.memory_space<semaphore_mem>>) src(%dma_wait3A_587 : memref<32x128xf32, #tpu.memory_space<hbm>>) dst(%dma_wait3A_585 : memref<32x128xf32, #tpu.memory_space<vmem>>)
      %broadcast_in_dim3A_588 = arith.constant 0 : i32
      %broadcast_in_dim3A_589 = vector.broadcast %broadcast_in_dim3A_588 : i32 to vector<16xi32>
      %gather3A = tpu.vector_load_idx %arg11[%iota3A, %broadcast_in_dim3A_589, %and3A] : memref<16x32x128xf32, #tpu.memory_space<vmem>>[vector<16xi32>, vector<16xi32>, vector<16xi32>], vector<16xf32>,
      %broadcast_in_dim3A_590 = arith.constant 1 : i32
      %broadcast_in_dim3A_591 = vector.broadcast %broadcast_in_dim3A_590 : i32 to vector<16xi32>
      %gather3A_592 = tpu.vector_load_idx %arg11[%iota3A, %broadcast_in_dim3A_591, %and3A] : memref<16x32x128xf32, #tpu.memory_space<vmem>>[vector<16xi32>, vector<16xi32>, vector<16xi32>], vector<16xf32>,
      %broadcast_in_dim3A_593 = arith.constant 2 : i32
      %broadcast_in_dim3A_594 = vector.broadcast %broadcast_in_dim3A_593 : i32 to vector<16xi32>
      %gather3A_595 = tpu.vector_load_idx %arg11[%iota3A, %broadcast_in_dim3A_594, %and3A] : memref<16x32x128xf32, #tpu.memory_space<vmem>>[vector<16xi32>, vector<16xi32>, vector<16xi32>], vector<16xf32>,
      %broadcast_in_dim3A_596 = arith.constant 3 : i32
      %broadcast_in_dim3A_597 = vector.broadcast %broadcast_in_dim3A_596 : i32 to vector<16xi32>
      %gather3A_598 = tpu.vector_load_idx %arg11[%iota3A, %broadcast_in_dim3A_597, %and3A] : memref<16x32x128xf32, #tpu.memory_space<vmem>>[vector<16xi32>, vector<16xi32>, vector<16xi32>], vector<16xf32>,
      %broadcast_in_dim3A_599 = arith.constant 4 : i32
      %broadcast_in_dim3A_600 = vector.broadcast %broadcast_in_dim3A_599 : i32 to vector<16xi32>
      %gather3A_601 = tpu.vector_load_idx %arg11[%iota3A, %broadcast_in_dim3A_600, %and3A] : memref<16x32x128xf32, #tpu.memory_space<vmem>>[vector<16xi32>, vector<16xi32>, vector<16xi32>], vector<16xf32>,
      %broadcast_in_dim3A_602 = arith.constant 5 : i32
      %broadcast_in_dim3A_603 = vector.broadcast %broadcast_in_dim3A_602 : i32 to vector<16xi32>
      %gather3A_604 = tpu.vector_load_idx %arg11[%iota3A, %broadcast_in_dim3A_603, %and3A] : memref<16x32x128xf32, #tpu.memory_space<vmem>>[vector<16xi32>, vector<16xi32>, vector<16xi32>], vector<16xf32>,
      %broadcast_in_dim3A_605 = arith.constant 6 : i32
      %broadcast_in_dim3A_606 = vector.broadcast %broadcast_in_dim3A_605 : i32 to vector<16xi32>
      %gather3A_607 = tpu.vector_load_idx %arg11[%iota3A, %broadcast_in_dim3A_606, %and3A] : memref<16x32x128xf32, #tpu.memory_space<vmem>>[vector<16xi32>, vector<16xi32>, vector<16xi32>], vector<16xf32>,
      %broadcast_in_dim3A_608 = arith.constant 7 : i32
      %broadcast_in_dim3A_609 = vector.broadcast %broadcast_in_dim3A_608 : i32 to vector<16xi32>
      %gather3A_610 = tpu.vector_load_idx %arg11[%iota3A, %broadcast_in_dim3A_609, %and3A] : memref<16x32x128xf32, #tpu.memory_space<vmem>>[vector<16xi32>, vector<16xi32>, vector<16xi32>], vector<16xf32>,
      %broadcast_in_dim3A_611 = arith.constant 8 : i32
      %broadcast_in_dim3A_612 = vector.broadcast %broadcast_in_dim3A_611 : i32 to vector<16xi32>
      %gather3A_613 = tpu.vector_load_idx %arg11[%iota3A, %broadcast_in_dim3A_612, %and3A] : memref<16x32x128xf32, #tpu.memory_space<vmem>>[vector<16xi32>, vector<16xi32>, vector<16xi32>], vector<16xf32>,
      %broadcast_in_dim3A_614 = arith.constant 9 : i32
      %broadcast_in_dim3A_615 = vector.broadcast %broadcast_in_dim3A_614 : i32 to vector<16xi32>
      %gather3A_616 = tpu.vector_load_idx %arg11[%iota3A, %broadcast_in_dim3A_615, %and3A] : memref<16x32x128xf32, #tpu.memory_space<vmem>>[vector<16xi32>, vector<16xi32>, vector<16xi32>], vector<16xf32>,
      %broadcast_in_dim3A_617 = arith.constant 10 : i32
      %broadcast_in_dim3A_618 = vector.broadcast %broadcast_in_dim3A_617 : i32 to vector<16xi32>
      %gather3A_619 = tpu.vector_load_idx %arg11[%iota3A, %broadcast_in_dim3A_618, %and3A] : memref<16x32x128xf32, #tpu.memory_space<vmem>>[vector<16xi32>, vector<16xi32>, vector<16xi32>], vector<16xf32>,
      %broadcast_in_dim3A_620 = arith.constant 11 : i32
      %broadcast_in_dim3A_621 = vector.broadcast %broadcast_in_dim3A_620 : i32 to vector<16xi32>
      %gather3A_622 = tpu.vector_load_idx %arg11[%iota3A, %broadcast_in_dim3A_621, %and3A] : memref<16x32x128xf32, #tpu.memory_space<vmem>>[vector<16xi32>, vector<16xi32>, vector<16xi32>], vector<16xf32>,
      %broadcast_in_dim3A_623 = arith.constant 12 : i32
      %broadcast_in_dim3A_624 = vector.broadcast %broadcast_in_dim3A_623 : i32 to vector<16xi32>
      %gather3A_625 = tpu.vector_load_idx %arg11[%iota3A, %broadcast_in_dim3A_624, %and3A] : memref<16x32x128xf32, #tpu.memory_space<vmem>>[vector<16xi32>, vector<16xi32>, vector<16xi32>], vector<16xf32>,
      %broadcast_in_dim3A_626 = arith.constant 13 : i32
      %broadcast_in_dim3A_627 = vector.broadcast %broadcast_in_dim3A_626 : i32 to vector<16xi32>
      %gather3A_628 = tpu.vector_load_idx %arg11[%iota3A, %broadcast_in_dim3A_627, %and3A] : memref<16x32x128xf32, #tpu.memory_space<vmem>>[vector<16xi32>, vector<16xi32>, vector<16xi32>], vector<16xf32>,
      %broadcast_in_dim3A_629 = arith.constant 14 : i32
      %broadcast_in_dim3A_630 = vector.broadcast %broadcast_in_dim3A_629 : i32 to vector<16xi32>
      %gather3A_631 = tpu.vector_load_idx %arg11[%iota3A, %broadcast_in_dim3A_630, %and3A] : memref<16x32x128xf32, #tpu.memory_space<vmem>>[vector<16xi32>, vector<16xi32>, vector<16xi32>], vector<16xf32>,
      %broadcast_in_dim3A_632 = arith.constant 15 : i32
      %broadcast_in_dim3A_633 = vector.broadcast %broadcast_in_dim3A_632 : i32 to vector<16xi32>
      %gather3A_634 = tpu.vector_load_idx %arg11[%iota3A, %broadcast_in_dim3A_633, %and3A] : memref<16x32x128xf32, #tpu.memory_space<vmem>>[vector<16xi32>, vector<16xi32>, vector<16xi32>], vector<16xf32>,
      %broadcast_in_dim3A_635 = arith.constant 16 : i32
      %broadcast_in_dim3A_636 = vector.broadcast %broadcast_in_dim3A_635 : i32 to vector<16xi32>
      %gather3A_637 = tpu.vector_load_idx %arg11[%iota3A, %broadcast_in_dim3A_636, %and3A] : memref<16x32x128xf32, #tpu.memory_space<vmem>>[vector<16xi32>, vector<16xi32>, vector<16xi32>], vector<16xf32>,
      %broadcast_in_dim3A_638 = arith.constant 17 : i32
      %broadcast_in_dim3A_639 = vector.broadcast %broadcast_in_dim3A_638 : i32 to vector<16xi32>
      %gather3A_640 = tpu.vector_load_idx %arg11[%iota3A, %broadcast_in_dim3A_639, %and3A] : memref<16x32x128xf32, #tpu.memory_space<vmem>>[vector<16xi32>, vector<16xi32>, vector<16xi32>], vector<16xf32>,
      %broadcast_in_dim3A_641 = arith.constant 18 : i32
      %broadcast_in_dim3A_642 = vector.broadcast %broadcast_in_dim3A_641 : i32 to vector<16xi32>
      %gather3A_643 = tpu.vector_load_idx %arg11[%iota3A, %broadcast_in_dim3A_642, %and3A] : memref<16x32x128xf32, #tpu.memory_space<vmem>>[vector<16xi32>, vector<16xi32>, vector<16xi32>], vector<16xf32>,
      %broadcast_in_dim3A_644 = arith.constant 19 : i32
      %broadcast_in_dim3A_645 = vector.broadcast %broadcast_in_dim3A_644 : i32 to vector<16xi32>
      %gather3A_646 = tpu.vector_load_idx %arg11[%iota3A, %broadcast_in_dim3A_645, %and3A] : memref<16x32x128xf32, #tpu.memory_space<vmem>>[vector<16xi32>, vector<16xi32>, vector<16xi32>], vector<16xf32>,
      %broadcast_in_dim3A_647 = arith.constant 20 : i32
      %broadcast_in_dim3A_648 = vector.broadcast %broadcast_in_dim3A_647 : i32 to vector<16xi32>
      %gather3A_649 = tpu.vector_load_idx %arg11[%iota3A, %broadcast_in_dim3A_648, %and3A] : memref<16x32x128xf32, #tpu.memory_space<vmem>>[vector<16xi32>, vector<16xi32>, vector<16xi32>], vector<16xf32>,
      %broadcast_in_dim3A_650 = arith.constant 21 : i32
      %broadcast_in_dim3A_651 = vector.broadcast %broadcast_in_dim3A_650 : i32 to vector<16xi32>
      %gather3A_652 = tpu.vector_load_idx %arg11[%iota3A, %broadcast_in_dim3A_651, %and3A] : memref<16x32x128xf32, #tpu.memory_space<vmem>>[vector<16xi32>, vector<16xi32>, vector<16xi32>], vector<16xf32>,
      %broadcast_in_dim3A_653 = arith.constant 22 : i32
      %broadcast_in_dim3A_654 = vector.broadcast %broadcast_in_dim3A_653 : i32 to vector<16xi32>
      %gather3A_655 = tpu.vector_load_idx %arg11[%iota3A, %broadcast_in_dim3A_654, %and3A] : memref<16x32x128xf32, #tpu.memory_space<vmem>>[vector<16xi32>, vector<16xi32>, vector<16xi32>], vector<16xf32>,
      %broadcast_in_dim3A_656 = arith.constant 23 : i32
      %broadcast_in_dim3A_657 = vector.broadcast %broadcast_in_dim3A_656 : i32 to vector<16xi32>
      %gather3A_658 = tpu.vector_load_idx %arg11[%iota3A, %broadcast_in_dim3A_657, %and3A] : memref<16x32x128xf32, #tpu.memory_space<vmem>>[vector<16xi32>, vector<16xi32>, vector<16xi32>], vector<16xf32>,
      %broadcast_in_dim3A_659 = arith.constant 24 : i32
      %broadcast_in_dim3A_660 = vector.broadcast %broadcast_in_dim3A_659 : i32 to vector<16xi32>
      %gather3A_661 = tpu.vector_load_idx %arg11[%iota3A, %broadcast_in_dim3A_660, %and3A] : memref<16x32x128xf32, #tpu.memory_space<vmem>>[vector<16xi32>, vector<16xi32>, vector<16xi32>], vector<16xf32>,
      %broadcast_in_dim3A_662 = arith.constant 25 : i32
      %broadcast_in_dim3A_663 = vector.broadcast %broadcast_in_dim3A_662 : i32 to vector<16xi32>
      %gather3A_664 = tpu.vector_load_idx %arg11[%iota3A, %broadcast_in_dim3A_663, %and3A] : memref<16x32x128xf32, #tpu.memory_space<vmem>>[vector<16xi32>, vector<16xi32>, vector<16xi32>], vector<16xf32>,
      %broadcast_in_dim3A_665 = arith.constant 26 : i32
      %broadcast_in_dim3A_666 = vector.broadcast %broadcast_in_dim3A_665 : i32 to vector<16xi32>
      %gather3A_667 = tpu.vector_load_idx %arg11[%iota3A, %broadcast_in_dim3A_666, %and3A] : memref<16x32x128xf32, #tpu.memory_space<vmem>>[vector<16xi32>, vector<16xi32>, vector<16xi32>], vector<16xf32>,
      %broadcast_in_dim3A_668 = arith.constant 27 : i32
      %broadcast_in_dim3A_669 = vector.broadcast %broadcast_in_dim3A_668 : i32 to vector<16xi32>
      %gather3A_670 = tpu.vector_load_idx %arg11[%iota3A, %broadcast_in_dim3A_669, %and3A] : memref<16x32x128xf32, #tpu.memory_space<vmem>>[vector<16xi32>, vector<16xi32>, vector<16xi32>], vector<16xf32>,
      %broadcast_in_dim3A_671 = arith.constant 28 : i32
      %broadcast_in_dim3A_672 = vector.broadcast %broadcast_in_dim3A_671 : i32 to vector<16xi32>
      %gather3A_673 = tpu.vector_load_idx %arg11[%iota3A, %broadcast_in_dim3A_672, %and3A] : memref<16x32x128xf32, #tpu.memory_space<vmem>>[vector<16xi32>, vector<16xi32>, vector<16xi32>], vector<16xf32>,
      %broadcast_in_dim3A_674 = arith.constant 29 : i32
      %broadcast_in_dim3A_675 = vector.broadcast %broadcast_in_dim3A_674 : i32 to vector<16xi32>
      %gather3A_676 = tpu.vector_load_idx %arg11[%iota3A, %broadcast_in_dim3A_675, %and3A] : memref<16x32x128xf32, #tpu.memory_space<vmem>>[vector<16xi32>, vector<16xi32>, vector<16xi32>], vector<16xf32>,
      %broadcast_in_dim3A_677 = arith.constant 30 : i32
      %broadcast_in_dim3A_678 = vector.broadcast %broadcast_in_dim3A_677 : i32 to vector<16xi32>
      %gather3A_679 = tpu.vector_load_idx %arg11[%iota3A, %broadcast_in_dim3A_678, %and3A] : memref<16x32x128xf32, #tpu.memory_space<vmem>>[vector<16xi32>, vector<16xi32>, vector<16xi32>], vector<16xf32>,
      %broadcast_in_dim3A_680 = arith.constant 31 : i32
      %broadcast_in_dim3A_681 = vector.broadcast %broadcast_in_dim3A_680 : i32 to vector<16xi32>
      %gather3A_682 = tpu.vector_load_idx %arg11[%iota3A, %broadcast_in_dim3A_681, %and3A] : memref<16x32x128xf32, #tpu.memory_space<vmem>>[vector<16xi32>, vector<16xi32>, vector<16xi32>], vector<16xf32>,
      %slice3A_683 = vector.extract_strided_slice %shift_left3A_124 {offsets = [0], sizes = [1], strides = [1]} : vector<16xi32> to vector<1xi32>
      %squeeze3A_684 = vector.extract %slice3A_683[0] : i32 from vector<1xi32>
      %multiple_of3A_685 = tpu.assume_multiple %squeeze3A_684, 128 : i32
      %dma_start3A_686 = arith.constant 0 : i32
      %dma_start3A_687 = arith.constant 0 : i32
      %dma_start3A_688 = arith.constant 0 : i32
      %dma_start3A_689 = tpu.memref_slice %arg11[%dma_start3A_686, %dma_start3A_687, %dma_start3A_688] : memref<16x32x128xf32, #tpu.memory_space<vmem>> -> memref<1x32x128xf32, #tpu.memory_space<vmem>>
      %dma_start3A_690 = tpu.memref_squeeze %dma_start3A_689 : memref<1x32x128xf32, #tpu.memory_space<vmem>> -> memref<32x128xf32, #tpu.memory_space<vmem>>
      %dma_start3A_691 = arith.constant 0 : i32
      %dma_start3A_692 = tpu.memref_slice %arg5[%dma_start3A_691, %multiple_of3A_685] : memref<32x1000000xf32, #tpu.memory_space<hbm>> -> memref<32x128xf32, #tpu.memory_space<hbm>>
      %dma_start3A_693 = arith.constant 0 : i32
      %dma_start3A_694 = arith.constant 0 : i32
      %dma_start3A_695 = tpu.memref_slice %arg11[%dma_start3A_686, %dma_start3A_693, %dma_start3A_694] : memref<16x32x128xf32, #tpu.memory_space<vmem>> -> memref<1x32x128xf32, #tpu.memory_space<vmem>>
      %dma_start3A_696 = tpu.memref_squeeze %dma_start3A_695 : memref<1x32x128xf32, #tpu.memory_space<vmem>> -> memref<32x128xf32, #tpu.memory_space<vmem>>
      %dma_start3A_697 = arith.constant 0 : i32
      %dma_start3A_698 = tpu.memref_slice %arg5[%dma_start3A_697, %multiple_of3A_685] : memref<32x1000000xf32, #tpu.memory_space<hbm>> -> memref<32x128xf32, #tpu.memory_space<hbm>>
      tpu.enqueue_dma source(%dma_start3A_698 : memref<32x128xf32, #tpu.memory_space<hbm>>) target(%dma_start3A_696 : memref<32x128xf32, #tpu.memory_space<vmem>>) target_semaphore(%arg15 : memref<!tpu.dma_semaphore, #tpu.memory_space<semaphore_mem>>)
      %slice3A_699 = vector.extract_strided_slice %shift_left3A_124 {offsets = [1], sizes = [1], strides = [1]} : vector<16xi32> to vector<1xi32>
      %squeeze3A_700 = vector.extract %slice3A_699[0] : i32 from vector<1xi32>
      %multiple_of3A_701 = tpu.assume_multiple %squeeze3A_700, 128 : i32
      %dma_start3A_702 = arith.constant 1 : i32
      %dma_start3A_703 = arith.constant 0 : i32
      %dma_start3A_704 = arith.constant 0 : i32
      %dma_start3A_705 = tpu.memref_slice %arg11[%dma_start3A_702, %dma_start3A_703, %dma_start3A_704] : memref<16x32x128xf32, #tpu.memory_space<vmem>> -> memref<1x32x128xf32, #tpu.memory_space<vmem>>
      %dma_start3A_706 = tpu.memref_squeeze %dma_start3A_705 : memref<1x32x128xf32, #tpu.memory_space<vmem>> -> memref<32x128xf32, #tpu.memory_space<vmem>>
      %dma_start3A_707 = arith.constant 0 : i32
      %dma_start3A_708 = tpu.memref_slice %arg5[%dma_start3A_707, %multiple_of3A_701] : memref<32x1000000xf32, #tpu.memory_space<hbm>> -> memref<32x128xf32, #tpu.memory_space<hbm>>
      %dma_start3A_709 = arith.constant 0 : i32
      %dma_start3A_710 = arith.constant 0 : i32
      %dma_start3A_711 = tpu.memref_slice %arg11[%dma_start3A_702, %dma_start3A_709, %dma_start3A_710] : memref<16x32x128xf32, #tpu.memory_space<vmem>> -> memref<1x32x128xf32, #tpu.memory_space<vmem>>
      %dma_start3A_712 = tpu.memref_squeeze %dma_start3A_711 : memref<1x32x128xf32, #tpu.memory_space<vmem>> -> memref<32x128xf32, #tpu.memory_space<vmem>>
      %dma_start3A_713 = arith.constant 0 : i32
      %dma_start3A_714 = tpu.memref_slice %arg5[%dma_start3A_713, %multiple_of3A_701] : memref<32x1000000xf32, #tpu.memory_space<hbm>> -> memref<32x128xf32, #tpu.memory_space<hbm>>
      tpu.enqueue_dma source(%dma_start3A_714 : memref<32x128xf32, #tpu.memory_space<hbm>>) target(%dma_start3A_712 : memref<32x128xf32, #tpu.memory_space<vmem>>) target_semaphore(%arg15 : memref<!tpu.dma_semaphore, #tpu.memory_space<semaphore_mem>>)
      %slice3A_715 = vector.extract_strided_slice %shift_left3A_124 {offsets = [2], sizes = [1], strides = [1]} : vector<16xi32> to vector<1xi32>
      %squeeze3A_716 = vector.extract %slice3A_715[0] : i32 from vector<1xi32>
      %multiple_of3A_717 = tpu.assume_multiple %squeeze3A_716, 128 : i32
      %dma_start3A_718 = arith.constant 2 : i32
      %dma_start3A_719 = arith.constant 0 : i32
      %dma_start3A_720 = arith.constant 0 : i32
      %dma_start3A_721 = tpu.memref_slice %arg11[%dma_start3A_718, %dma_start3A_719, %dma_start3A_720] : memref<16x32x128xf32, #tpu.memory_space<vmem>> -> memref<1x32x128xf32, #tpu.memory_space<vmem>>
      %dma_start3A_722 = tpu.memref_squeeze %dma_start3A_721 : memref<1x32x128xf32, #tpu.memory_space<vmem>> -> memref<32x128xf32, #tpu.memory_space<vmem>>
      %dma_start3A_723 = arith.constant 0 : i32
      %dma_start3A_724 = tpu.memref_slice %arg5[%dma_start3A_723, %multiple_of3A_717] : memref<32x1000000xf32, #tpu.memory_space<hbm>> -> memref<32x128xf32, #tpu.memory_space<hbm>>
      %dma_start3A_725 = arith.constant 0 : i32
      %dma_start3A_726 = arith.constant 0 : i32
      %dma_start3A_727 = tpu.memref_slice %arg11[%dma_start3A_718, %dma_start3A_725, %dma_start3A_726] : memref<16x32x128xf32, #tpu.memory_space<vmem>> -> memref<1x32x128xf32, #tpu.memory_space<vmem>>
      %dma_start3A_728 = tpu.memref_squeeze %dma_start3A_727 : memref<1x32x128xf32, #tpu.memory_space<vmem>> -> memref<32x128xf32, #tpu.memory_space<vmem>>
      %dma_start3A_729 = arith.constant 0 : i32
      %dma_start3A_730 = tpu.memref_slice %arg5[%dma_start3A_729, %multiple_of3A_717] : memref<32x1000000xf32, #tpu.memory_space<hbm>> -> memref<32x128xf32, #tpu.memory_space<hbm>>
      tpu.enqueue_dma source(%dma_start3A_730 : memref<32x128xf32, #tpu.memory_space<hbm>>) target(%dma_start3A_728 : memref<32x128xf32, #tpu.memory_space<vmem>>) target_semaphore(%arg15 : memref<!tpu.dma_semaphore, #tpu.memory_space<semaphore_mem>>)
      %slice3A_731 = vector.extract_strided_slice %shift_left3A_124 {offsets = [3], sizes = [1], strides = [1]} : vector<16xi32> to vector<1xi32>
      %squeeze3A_732 = vector.extract %slice3A_731[0] : i32 from vector<1xi32>
      %multiple_of3A_733 = tpu.assume_multiple %squeeze3A_732, 128 : i32
      %dma_start3A_734 = arith.constant 3 : i32
      %dma_start3A_735 = arith.constant 0 : i32
      %dma_start3A_736 = arith.constant 0 : i32
      %dma_start3A_737 = tpu.memref_slice %arg11[%dma_start3A_734, %dma_start3A_735, %dma_start3A_736] : memref<16x32x128xf32, #tpu.memory_space<vmem>> -> memref<1x32x128xf32, #tpu.memory_space<vmem>>
      %dma_start3A_738 = tpu.memref_squeeze %dma_start3A_737 : memref<1x32x128xf32, #tpu.memory_space<vmem>> -> memref<32x128xf32, #tpu.memory_space<vmem>>
      %dma_start3A_739 = arith.constant 0 : i32
      %dma_start3A_740 = tpu.memref_slice %arg5[%dma_start3A_739, %multiple_of3A_733] : memref<32x1000000xf32, #tpu.memory_space<hbm>> -> memref<32x128xf32, #tpu.memory_space<hbm>>
      %dma_start3A_741 = arith.constant 0 : i32
      %dma_start3A_742 = arith.constant 0 : i32
      %dma_start3A_743 = tpu.memref_slice %arg11[%dma_start3A_734, %dma_start3A_741, %dma_start3A_742] : memref<16x32x128xf32, #tpu.memory_space<vmem>> -> memref<1x32x128xf32, #tpu.memory_space<vmem>>
      %dma_start3A_744 = tpu.memref_squeeze %dma_start3A_743 : memref<1x32x128xf32, #tpu.memory_space<vmem>> -> memref<32x128xf32, #tpu.memory_space<vmem>>
      %dma_start3A_745 = arith.constant 0 : i32
      %dma_start3A_746 = tpu.memref_slice %arg5[%dma_start3A_745, %multiple_of3A_733] : memref<32x1000000xf32, #tpu.memory_space<hbm>> -> memref<32x128xf32, #tpu.memory_space<hbm>>
      tpu.enqueue_dma source(%dma_start3A_746 : memref<32x128xf32, #tpu.memory_space<hbm>>) target(%dma_start3A_744 : memref<32x128xf32, #tpu.memory_space<vmem>>) target_semaphore(%arg15 : memref<!tpu.dma_semaphore, #tpu.memory_space<semaphore_mem>>)
      %slice3A_747 = vector.extract_strided_slice %shift_left3A_124 {offsets = [4], sizes = [1], strides = [1]} : vector<16xi32> to vector<1xi32>
      %squeeze3A_748 = vector.extract %slice3A_747[0] : i32 from vector<1xi32>
      %multiple_of3A_749 = tpu.assume_multiple %squeeze3A_748, 128 : i32
      %dma_start3A_750 = arith.constant 4 : i32
      %dma_start3A_751 = arith.constant 0 : i32
      %dma_start3A_752 = arith.constant 0 : i32
      %dma_start3A_753 = tpu.memref_slice %arg11[%dma_start3A_750, %dma_start3A_751, %dma_start3A_752] : memref<16x32x128xf32, #tpu.memory_space<vmem>> -> memref<1x32x128xf32, #tpu.memory_space<vmem>>
      %dma_start3A_754 = tpu.memref_squeeze %dma_start3A_753 : memref<1x32x128xf32, #tpu.memory_space<vmem>> -> memref<32x128xf32, #tpu.memory_space<vmem>>
      %dma_start3A_755 = arith.constant 0 : i32
      %dma_start3A_756 = tpu.memref_slice %arg5[%dma_start3A_755, %multiple_of3A_749] : memref<32x1000000xf32, #tpu.memory_space<hbm>> -> memref<32x128xf32, #tpu.memory_space<hbm>>
      %dma_start3A_757 = arith.constant 0 : i32
      %dma_start3A_758 = arith.constant 0 : i32
      %dma_start3A_759 = tpu.memref_slice %arg11[%dma_start3A_750, %dma_start3A_757, %dma_start3A_758] : memref<16x32x128xf32, #tpu.memory_space<vmem>> -> memref<1x32x128xf32, #tpu.memory_space<vmem>>
      %dma_start3A_760 = tpu.memref_squeeze %dma_start3A_759 : memref<1x32x128xf32, #tpu.memory_space<vmem>> -> memref<32x128xf32, #tpu.memory_space<vmem>>
      %dma_start3A_761 = arith.constant 0 : i32
      %dma_start3A_762 = tpu.memref_slice %arg5[%dma_start3A_761, %multiple_of3A_749] : memref<32x1000000xf32, #tpu.memory_space<hbm>> -> memref<32x128xf32, #tpu.memory_space<hbm>>
      tpu.enqueue_dma source(%dma_start3A_762 : memref<32x128xf32, #tpu.memory_space<hbm>>) target(%dma_start3A_760 : memref<32x128xf32, #tpu.memory_space<vmem>>) target_semaphore(%arg15 : memref<!tpu.dma_semaphore, #tpu.memory_space<semaphore_mem>>)
      %slice3A_763 = vector.extract_strided_slice %shift_left3A_124 {offsets = [5], sizes = [1], strides = [1]} : vector<16xi32> to vector<1xi32>
      %squeeze3A_764 = vector.extract %slice3A_763[0] : i32 from vector<1xi32>
      %multiple_of3A_765 = tpu.assume_multiple %squeeze3A_764, 128 : i32
      %dma_start3A_766 = arith.constant 5 : i32
      %dma_start3A_767 = arith.constant 0 : i32
      %dma_start3A_768 = arith.constant 0 : i32
      %dma_start3A_769 = tpu.memref_slice %arg11[%dma_start3A_766, %dma_start3A_767, %dma_start3A_768] : memref<16x32x128xf32, #tpu.memory_space<vmem>> -> memref<1x32x128xf32, #tpu.memory_space<vmem>>
      %dma_start3A_770 = tpu.memref_squeeze %dma_start3A_769 : memref<1x32x128xf32, #tpu.memory_space<vmem>> -> memref<32x128xf32, #tpu.memory_space<vmem>>
      %dma_start3A_771 = arith.constant 0 : i32
      %dma_start3A_772 = tpu.memref_slice %arg5[%dma_start3A_771, %multiple_of3A_765] : memref<32x1000000xf32, #tpu.memory_space<hbm>> -> memref<32x128xf32, #tpu.memory_space<hbm>>
      %dma_start3A_773 = arith.constant 0 : i32
      %dma_start3A_774 = arith.constant 0 : i32
      %dma_start3A_775 = tpu.memref_slice %arg11[%dma_start3A_766, %dma_start3A_773, %dma_start3A_774] : memref<16x32x128xf32, #tpu.memory_space<vmem>> -> memref<1x32x128xf32, #tpu.memory_space<vmem>>
      %dma_start3A_776 = tpu.memref_squeeze %dma_start3A_775 : memref<1x32x128xf32, #tpu.memory_space<vmem>> -> memref<32x128xf32, #tpu.memory_space<vmem>>
      %dma_start3A_777 = arith.constant 0 : i32
      %dma_start3A_778 = tpu.memref_slice %arg5[%dma_start3A_777, %multiple_of3A_765] : memref<32x1000000xf32, #tpu.memory_space<hbm>> -> memref<32x128xf32, #tpu.memory_space<hbm>>
      tpu.enqueue_dma source(%dma_start3A_778 : memref<32x128xf32, #tpu.memory_space<hbm>>) target(%dma_start3A_776 : memref<32x128xf32, #tpu.memory_space<vmem>>) target_semaphore(%arg15 : memref<!tpu.dma_semaphore, #tpu.memory_space<semaphore_mem>>)
      %slice3A_779 = vector.extract_strided_slice %shift_left3A_124 {offsets = [6], sizes = [1], strides = [1]} : vector<16xi32> to vector<1xi32>
      %squeeze3A_780 = vector.extract %slice3A_779[0] : i32 from vector<1xi32>
      %multiple_of3A_781 = tpu.assume_multiple %squeeze3A_780, 128 : i32
      %dma_start3A_782 = arith.constant 6 : i32
      %dma_start3A_783 = arith.constant 0 : i32
      %dma_start3A_784 = arith.constant 0 : i32
      %dma_start3A_785 = tpu.memref_slice %arg11[%dma_start3A_782, %dma_start3A_783, %dma_start3A_784] : memref<16x32x128xf32, #tpu.memory_space<vmem>> -> memref<1x32x128xf32, #tpu.memory_space<vmem>>
      %dma_start3A_786 = tpu.memref_squeeze %dma_start3A_785 : memref<1x32x128xf32, #tpu.memory_space<vmem>> -> memref<32x128xf32, #tpu.memory_space<vmem>>
      %dma_start3A_787 = arith.constant 0 : i32
      %dma_start3A_788 = tpu.memref_slice %arg5[%dma_start3A_787, %multiple_of3A_781] : memref<32x1000000xf32, #tpu.memory_space<hbm>> -> memref<32x128xf32, #tpu.memory_space<hbm>>
      %dma_start3A_789 = arith.constant 0 : i32
      %dma_start3A_790 = arith.constant 0 : i32
      %dma_start3A_791 = tpu.memref_slice %arg11[%dma_start3A_782, %dma_start3A_789, %dma_start3A_790] : memref<16x32x128xf32, #tpu.memory_space<vmem>> -> memref<1x32x128xf32, #tpu.memory_space<vmem>>
      %dma_start3A_792 = tpu.memref_squeeze %dma_start3A_791 : memref<1x32x128xf32, #tpu.memory_space<vmem>> -> memref<32x128xf32, #tpu.memory_space<vmem>>
      %dma_start3A_793 = arith.constant 0 : i32
      %dma_start3A_794 = tpu.memref_slice %arg5[%dma_start3A_793, %multiple_of3A_781] : memref<32x1000000xf32, #tpu.memory_space<hbm>> -> memref<32x128xf32, #tpu.memory_space<hbm>>
      tpu.enqueue_dma source(%dma_start3A_794 : memref<32x128xf32, #tpu.memory_space<hbm>>) target(%dma_start3A_792 : memref<32x128xf32, #tpu.memory_space<vmem>>) target_semaphore(%arg15 : memref<!tpu.dma_semaphore, #tpu.memory_space<semaphore_mem>>)
      %slice3A_795 = vector.extract_strided_slice %shift_left3A_124 {offsets = [7], sizes = [1], strides = [1]} : vector<16xi32> to vector<1xi32>
      %squeeze3A_796 = vector.extract %slice3A_795[0] : i32 from vector<1xi32>
      %multiple_of3A_797 = tpu.assume_multiple %squeeze3A_796, 128 : i32
      %dma_start3A_798 = arith.constant 7 : i32
      %dma_start3A_799 = arith.constant 0 : i32
      %dma_start3A_800 = arith.constant 0 : i32
      %dma_start3A_801 = tpu.memref_slice %arg11[%dma_start3A_798, %dma_start3A_799, %dma_start3A_800] : memref<16x32x128xf32, #tpu.memory_space<vmem>> -> memref<1x32x128xf32, #tpu.memory_space<vmem>>
      %dma_start3A_802 = tpu.memref_squeeze %dma_start3A_801 : memref<1x32x128xf32, #tpu.memory_space<vmem>> -> memref<32x128xf32, #tpu.memory_space<vmem>>
      %dma_start3A_803 = arith.constant 0 : i32
      %dma_start3A_804 = tpu.memref_slice %arg5[%dma_start3A_803, %multiple_of3A_797] : memref<32x1000000xf32, #tpu.memory_space<hbm>> -> memref<32x128xf32, #tpu.memory_space<hbm>>
      %dma_start3A_805 = arith.constant 0 : i32
      %dma_start3A_806 = arith.constant 0 : i32
      %dma_start3A_807 = tpu.memref_slice %arg11[%dma_start3A_798, %dma_start3A_805, %dma_start3A_806] : memref<16x32x128xf32, #tpu.memory_space<vmem>> -> memref<1x32x128xf32, #tpu.memory_space<vmem>>
      %dma_start3A_808 = tpu.memref_squeeze %dma_start3A_807 : memref<1x32x128xf32, #tpu.memory_space<vmem>> -> memref<32x128xf32, #tpu.memory_space<vmem>>
      %dma_start3A_809 = arith.constant 0 : i32
      %dma_start3A_810 = tpu.memref_slice %arg5[%dma_start3A_809, %multiple_of3A_797] : memref<32x1000000xf32, #tpu.memory_space<hbm>> -> memref<32x128xf32, #tpu.memory_space<hbm>>
      tpu.enqueue_dma source(%dma_start3A_810 : memref<32x128xf32, #tpu.memory_space<hbm>>) target(%dma_start3A_808 : memref<32x128xf32, #tpu.memory_space<vmem>>) target_semaphore(%arg15 : memref<!tpu.dma_semaphore, #tpu.memory_space<semaphore_mem>>)
      %slice3A_811 = vector.extract_strided_slice %shift_left3A_124 {offsets = [8], sizes = [1], strides = [1]} : vector<16xi32> to vector<1xi32>
      %squeeze3A_812 = vector.extract %slice3A_811[0] : i32 from vector<1xi32>
      %multiple_of3A_813 = tpu.assume_multiple %squeeze3A_812, 128 : i32
      %dma_start3A_814 = arith.constant 8 : i32
      %dma_start3A_815 = arith.constant 0 : i32
      %dma_start3A_816 = arith.constant 0 : i32
      %dma_start3A_817 = tpu.memref_slice %arg11[%dma_start3A_814, %dma_start3A_815, %dma_start3A_816] : memref<16x32x128xf32, #tpu.memory_space<vmem>> -> memref<1x32x128xf32, #tpu.memory_space<vmem>>
      %dma_start3A_818 = tpu.memref_squeeze %dma_start3A_817 : memref<1x32x128xf32, #tpu.memory_space<vmem>> -> memref<32x128xf32, #tpu.memory_space<vmem>>
      %dma_start3A_819 = arith.constant 0 : i32
      %dma_start3A_820 = tpu.memref_slice %arg5[%dma_start3A_819, %multiple_of3A_813] : memref<32x1000000xf32, #tpu.memory_space<hbm>> -> memref<32x128xf32, #tpu.memory_space<hbm>>
      %dma_start3A_821 = arith.constant 0 : i32
      %dma_start3A_822 = arith.constant 0 : i32
      %dma_start3A_823 = tpu.memref_slice %arg11[%dma_start3A_814, %dma_start3A_821, %dma_start3A_822] : memref<16x32x128xf32, #tpu.memory_space<vmem>> -> memref<1x32x128xf32, #tpu.memory_space<vmem>>
      %dma_start3A_824 = tpu.memref_squeeze %dma_start3A_823 : memref<1x32x128xf32, #tpu.memory_space<vmem>> -> memref<32x128xf32, #tpu.memory_space<vmem>>
      %dma_start3A_825 = arith.constant 0 : i32
      %dma_start3A_826 = tpu.memref_slice %arg5[%dma_start3A_825, %multiple_of3A_813] : memref<32x1000000xf32, #tpu.memory_space<hbm>> -> memref<32x128xf32, #tpu.memory_space<hbm>>
      tpu.enqueue_dma source(%dma_start3A_826 : memref<32x128xf32, #tpu.memory_space<hbm>>) target(%dma_start3A_824 : memref<32x128xf32, #tpu.memory_space<vmem>>) target_semaphore(%arg15 : memref<!tpu.dma_semaphore, #tpu.memory_space<semaphore_mem>>)
      %slice3A_827 = vector.extract_strided_slice %shift_left3A_124 {offsets = [9], sizes = [1], strides = [1]} : vector<16xi32> to vector<1xi32>
      %squeeze3A_828 = vector.extract %slice3A_827[0] : i32 from vector<1xi32>
      %multiple_of3A_829 = tpu.assume_multiple %squeeze3A_828, 128 : i32
      %dma_start3A_830 = arith.constant 9 : i32
      %dma_start3A_831 = arith.constant 0 : i32
      %dma_start3A_832 = arith.constant 0 : i32
      %dma_start3A_833 = tpu.memref_slice %arg11[%dma_start3A_830, %dma_start3A_831, %dma_start3A_832] : memref<16x32x128xf32, #tpu.memory_space<vmem>> -> memref<1x32x128xf32, #tpu.memory_space<vmem>>
      %dma_start3A_834 = tpu.memref_squeeze %dma_start3A_833 : memref<1x32x128xf32, #tpu.memory_space<vmem>> -> memref<32x128xf32, #tpu.memory_space<vmem>>
      %dma_start3A_835 = arith.constant 0 : i32
      %dma_start3A_836 = tpu.memref_slice %arg5[%dma_start3A_835, %multiple_of3A_829] : memref<32x1000000xf32, #tpu.memory_space<hbm>> -> memref<32x128xf32, #tpu.memory_space<hbm>>
      %dma_start3A_837 = arith.constant 0 : i32
      %dma_start3A_838 = arith.constant 0 : i32
      %dma_start3A_839 = tpu.memref_slice %arg11[%dma_start3A_830, %dma_start3A_837, %dma_start3A_838] : memref<16x32x128xf32, #tpu.memory_space<vmem>> -> memref<1x32x128xf32, #tpu.memory_space<vmem>>
      %dma_start3A_840 = tpu.memref_squeeze %dma_start3A_839 : memref<1x32x128xf32, #tpu.memory_space<vmem>> -> memref<32x128xf32, #tpu.memory_space<vmem>>
      %dma_start3A_841 = arith.constant 0 : i32
      %dma_start3A_842 = tpu.memref_slice %arg5[%dma_start3A_841, %multiple_of3A_829] : memref<32x1000000xf32, #tpu.memory_space<hbm>> -> memref<32x128xf32, #tpu.memory_space<hbm>>
      tpu.enqueue_dma source(%dma_start3A_842 : memref<32x128xf32, #tpu.memory_space<hbm>>) target(%dma_start3A_840 : memref<32x128xf32, #tpu.memory_space<vmem>>) target_semaphore(%arg15 : memref<!tpu.dma_semaphore, #tpu.memory_space<semaphore_mem>>)
      %slice3A_843 = vector.extract_strided_slice %shift_left3A_124 {offsets = [10], sizes = [1], strides = [1]} : vector<16xi32> to vector<1xi32>
      %squeeze3A_844 = vector.extract %slice3A_843[0] : i32 from vector<1xi32>
      %multiple_of3A_845 = tpu.assume_multiple %squeeze3A_844, 128 : i32
      %dma_start3A_846 = arith.constant 10 : i32
      %dma_start3A_847 = arith.constant 0 : i32
      %dma_start3A_848 = arith.constant 0 : i32
      %dma_start3A_849 = tpu.memref_slice %arg11[%dma_start3A_846, %dma_start3A_847, %dma_start3A_848] : memref<16x32x128xf32, #tpu.memory_space<vmem>> -> memref<1x32x128xf32, #tpu.memory_space<vmem>>
      %dma_start3A_850 = tpu.memref_squeeze %dma_start3A_849 : memref<1x32x128xf32, #tpu.memory_space<vmem>> -> memref<32x128xf32, #tpu.memory_space<vmem>>
      %dma_start3A_851 = arith.constant 0 : i32
      %dma_start3A_852 = tpu.memref_slice %arg5[%dma_start3A_851, %multiple_of3A_845] : memref<32x1000000xf32, #tpu.memory_space<hbm>> -> memref<32x128xf32, #tpu.memory_space<hbm>>
      %dma_start3A_853 = arith.constant 0 : i32
      %dma_start3A_854 = arith.constant 0 : i32
      %dma_start3A_855 = tpu.memref_slice %arg11[%dma_start3A_846, %dma_start3A_853, %dma_start3A_854] : memref<16x32x128xf32, #tpu.memory_space<vmem>> -> memref<1x32x128xf32, #tpu.memory_space<vmem>>
      %dma_start3A_856 = tpu.memref_squeeze %dma_start3A_855 : memref<1x32x128xf32, #tpu.memory_space<vmem>> -> memref<32x128xf32, #tpu.memory_space<vmem>>
      %dma_start3A_857 = arith.constant 0 : i32
      %dma_start3A_858 = tpu.memref_slice %arg5[%dma_start3A_857, %multiple_of3A_845] : memref<32x1000000xf32, #tpu.memory_space<hbm>> -> memref<32x128xf32, #tpu.memory_space<hbm>>
      tpu.enqueue_dma source(%dma_start3A_858 : memref<32x128xf32, #tpu.memory_space<hbm>>) target(%dma_start3A_856 : memref<32x128xf32, #tpu.memory_space<vmem>>) target_semaphore(%arg15 : memref<!tpu.dma_semaphore, #tpu.memory_space<semaphore_mem>>)
      %slice3A_859 = vector.extract_strided_slice %shift_left3A_124 {offsets = [11], sizes = [1], strides = [1]} : vector<16xi32> to vector<1xi32>
      %squeeze3A_860 = vector.extract %slice3A_859[0] : i32 from vector<1xi32>
      %multiple_of3A_861 = tpu.assume_multiple %squeeze3A_860, 128 : i32
      %dma_start3A_862 = arith.constant 11 : i32
      %dma_start3A_863 = arith.constant 0 : i32
      %dma_start3A_864 = arith.constant 0 : i32
      %dma_start3A_865 = tpu.memref_slice %arg11[%dma_start3A_862, %dma_start3A_863, %dma_start3A_864] : memref<16x32x128xf32, #tpu.memory_space<vmem>> -> memref<1x32x128xf32, #tpu.memory_space<vmem>>
      %dma_start3A_866 = tpu.memref_squeeze %dma_start3A_865 : memref<1x32x128xf32, #tpu.memory_space<vmem>> -> memref<32x128xf32, #tpu.memory_space<vmem>>
      %dma_start3A_867 = arith.constant 0 : i32
      %dma_start3A_868 = tpu.memref_slice %arg5[%dma_start3A_867, %multiple_of3A_861] : memref<32x1000000xf32, #tpu.memory_space<hbm>> -> memref<32x128xf32, #tpu.memory_space<hbm>>
      %dma_start3A_869 = arith.constant 0 : i32
      %dma_start3A_870 = arith.constant 0 : i32
      %dma_start3A_871 = tpu.memref_slice %arg11[%dma_start3A_862, %dma_start3A_869, %dma_start3A_870] : memref<16x32x128xf32, #tpu.memory_space<vmem>> -> memref<1x32x128xf32, #tpu.memory_space<vmem>>
      %dma_start3A_872 = tpu.memref_squeeze %dma_start3A_871 : memref<1x32x128xf32, #tpu.memory_space<vmem>> -> memref<32x128xf32, #tpu.memory_space<vmem>>
      %dma_start3A_873 = arith.constant 0 : i32
      %dma_start3A_874 = tpu.memref_slice %arg5[%dma_start3A_873, %multiple_of3A_861] : memref<32x1000000xf32, #tpu.memory_space<hbm>> -> memref<32x128xf32, #tpu.memory_space<hbm>>
      tpu.enqueue_dma source(%dma_start3A_874 : memref<32x128xf32, #tpu.memory_space<hbm>>) target(%dma_start3A_872 : memref<32x128xf32, #tpu.memory_space<vmem>>) target_semaphore(%arg15 : memref<!tpu.dma_semaphore, #tpu.memory_space<semaphore_mem>>)
      %slice3A_875 = vector.extract_strided_slice %shift_left3A_124 {offsets = [12], sizes = [1], strides = [1]} : vector<16xi32> to vector<1xi32>
      %squeeze3A_876 = vector.extract %slice3A_875[0] : i32 from vector<1xi32>
      %multiple_of3A_877 = tpu.assume_multiple %squeeze3A_876, 128 : i32
      %dma_start3A_878 = arith.constant 12 : i32
      %dma_start3A_879 = arith.constant 0 : i32
      %dma_start3A_880 = arith.constant 0 : i32
      %dma_start3A_881 = tpu.memref_slice %arg11[%dma_start3A_878, %dma_start3A_879, %dma_start3A_880] : memref<16x32x128xf32, #tpu.memory_space<vmem>> -> memref<1x32x128xf32, #tpu.memory_space<vmem>>
      %dma_start3A_882 = tpu.memref_squeeze %dma_start3A_881 : memref<1x32x128xf32, #tpu.memory_space<vmem>> -> memref<32x128xf32, #tpu.memory_space<vmem>>
      %dma_start3A_883 = arith.constant 0 : i32
      %dma_start3A_884 = tpu.memref_slice %arg5[%dma_start3A_883, %multiple_of3A_877] : memref<32x1000000xf32, #tpu.memory_space<hbm>> -> memref<32x128xf32, #tpu.memory_space<hbm>>
      %dma_start3A_885 = arith.constant 0 : i32
      %dma_start3A_886 = arith.constant 0 : i32
      %dma_start3A_887 = tpu.memref_slice %arg11[%dma_start3A_878, %dma_start3A_885, %dma_start3A_886] : memref<16x32x128xf32, #tpu.memory_space<vmem>> -> memref<1x32x128xf32, #tpu.memory_space<vmem>>
      %dma_start3A_888 = tpu.memref_squeeze %dma_start3A_887 : memref<1x32x128xf32, #tpu.memory_space<vmem>> -> memref<32x128xf32, #tpu.memory_space<vmem>>
      %dma_start3A_889 = arith.constant 0 : i32
      %dma_start3A_890 = tpu.memref_slice %arg5[%dma_start3A_889, %multiple_of3A_877] : memref<32x1000000xf32, #tpu.memory_space<hbm>> -> memref<32x128xf32, #tpu.memory_space<hbm>>
      tpu.enqueue_dma source(%dma_start3A_890 : memref<32x128xf32, #tpu.memory_space<hbm>>) target(%dma_start3A_888 : memref<32x128xf32, #tpu.memory_space<vmem>>) target_semaphore(%arg15 : memref<!tpu.dma_semaphore, #tpu.memory_space<semaphore_mem>>)
      %slice3A_891 = vector.extract_strided_slice %shift_left3A_124 {offsets = [13], sizes = [1], strides = [1]} : vector<16xi32> to vector<1xi32>
      %squeeze3A_892 = vector.extract %slice3A_891[0] : i32 from vector<1xi32>
      %multiple_of3A_893 = tpu.assume_multiple %squeeze3A_892, 128 : i32
      %dma_start3A_894 = arith.constant 13 : i32
      %dma_start3A_895 = arith.constant 0 : i32
      %dma_start3A_896 = arith.constant 0 : i32
      %dma_start3A_897 = tpu.memref_slice %arg11[%dma_start3A_894, %dma_start3A_895, %dma_start3A_896] : memref<16x32x128xf32, #tpu.memory_space<vmem>> -> memref<1x32x128xf32, #tpu.memory_space<vmem>>
      %dma_start3A_898 = tpu.memref_squeeze %dma_start3A_897 : memref<1x32x128xf32, #tpu.memory_space<vmem>> -> memref<32x128xf32, #tpu.memory_space<vmem>>
      %dma_start3A_899 = arith.constant 0 : i32
      %dma_start3A_900 = tpu.memref_slice %arg5[%dma_start3A_899, %multiple_of3A_893] : memref<32x1000000xf32, #tpu.memory_space<hbm>> -> memref<32x128xf32, #tpu.memory_space<hbm>>
      %dma_start3A_901 = arith.constant 0 : i32
      %dma_start3A_902 = arith.constant 0 : i32
      %dma_start3A_903 = tpu.memref_slice %arg11[%dma_start3A_894, %dma_start3A_901, %dma_start3A_902] : memref<16x32x128xf32, #tpu.memory_space<vmem>> -> memref<1x32x128xf32, #tpu.memory_space<vmem>>
      %dma_start3A_904 = tpu.memref_squeeze %dma_start3A_903 : memref<1x32x128xf32, #tpu.memory_space<vmem>> -> memref<32x128xf32, #tpu.memory_space<vmem>>
      %dma_start3A_905 = arith.constant 0 : i32
      %dma_start3A_906 = tpu.memref_slice %arg5[%dma_start3A_905, %multiple_of3A_893] : memref<32x1000000xf32, #tpu.memory_space<hbm>> -> memref<32x128xf32, #tpu.memory_space<hbm>>
      tpu.enqueue_dma source(%dma_start3A_906 : memref<32x128xf32, #tpu.memory_space<hbm>>) target(%dma_start3A_904 : memref<32x128xf32, #tpu.memory_space<vmem>>) target_semaphore(%arg15 : memref<!tpu.dma_semaphore, #tpu.memory_space<semaphore_mem>>)
      %slice3A_907 = vector.extract_strided_slice %shift_left3A_124 {offsets = [14], sizes = [1], strides = [1]} : vector<16xi32> to vector<1xi32>
      %squeeze3A_908 = vector.extract %slice3A_907[0] : i32 from vector<1xi32>
      %multiple_of3A_909 = tpu.assume_multiple %squeeze3A_908, 128 : i32
      %dma_start3A_910 = arith.constant 14 : i32
      %dma_start3A_911 = arith.constant 0 : i32
      %dma_start3A_912 = arith.constant 0 : i32
      %dma_start3A_913 = tpu.memref_slice %arg11[%dma_start3A_910, %dma_start3A_911, %dma_start3A_912] : memref<16x32x128xf32, #tpu.memory_space<vmem>> -> memref<1x32x128xf32, #tpu.memory_space<vmem>>
      %dma_start3A_914 = tpu.memref_squeeze %dma_start3A_913 : memref<1x32x128xf32, #tpu.memory_space<vmem>> -> memref<32x128xf32, #tpu.memory_space<vmem>>
      %dma_start3A_915 = arith.constant 0 : i32
      %dma_start3A_916 = tpu.memref_slice %arg5[%dma_start3A_915, %multiple_of3A_909] : memref<32x1000000xf32, #tpu.memory_space<hbm>> -> memref<32x128xf32, #tpu.memory_space<hbm>>
      %dma_start3A_917 = arith.constant 0 : i32
      %dma_start3A_918 = arith.constant 0 : i32
      %dma_start3A_919 = tpu.memref_slice %arg11[%dma_start3A_910, %dma_start3A_917, %dma_start3A_918] : memref<16x32x128xf32, #tpu.memory_space<vmem>> -> memref<1x32x128xf32, #tpu.memory_space<vmem>>
      %dma_start3A_920 = tpu.memref_squeeze %dma_start3A_919 : memref<1x32x128xf32, #tpu.memory_space<vmem>> -> memref<32x128xf32, #tpu.memory_space<vmem>>
      %dma_start3A_921 = arith.constant 0 : i32
      %dma_start3A_922 = tpu.memref_slice %arg5[%dma_start3A_921, %multiple_of3A_909] : memref<32x1000000xf32, #tpu.memory_space<hbm>> -> memref<32x128xf32, #tpu.memory_space<hbm>>
      tpu.enqueue_dma source(%dma_start3A_922 : memref<32x128xf32, #tpu.memory_space<hbm>>) target(%dma_start3A_920 : memref<32x128xf32, #tpu.memory_space<vmem>>) target_semaphore(%arg15 : memref<!tpu.dma_semaphore, #tpu.memory_space<semaphore_mem>>)
      %slice3A_923 = vector.extract_strided_slice %shift_left3A_124 {offsets = [15], sizes = [1], strides = [1]} : vector<16xi32> to vector<1xi32>
      %squeeze3A_924 = vector.extract %slice3A_923[0] : i32 from vector<1xi32>
      %multiple_of3A_925 = tpu.assume_multiple %squeeze3A_924, 128 : i32
      %dma_start3A_926 = arith.constant 15 : i32
      %dma_start3A_927 = arith.constant 0 : i32
      %dma_start3A_928 = arith.constant 0 : i32
      %dma_start3A_929 = tpu.memref_slice %arg11[%dma_start3A_926, %dma_start3A_927, %dma_start3A_928] : memref<16x32x128xf32, #tpu.memory_space<vmem>> -> memref<1x32x128xf32, #tpu.memory_space<vmem>>
      %dma_start3A_930 = tpu.memref_squeeze %dma_start3A_929 : memref<1x32x128xf32, #tpu.memory_space<vmem>> -> memref<32x128xf32, #tpu.memory_space<vmem>>
      %dma_start3A_931 = arith.constant 0 : i32
      %dma_start3A_932 = tpu.memref_slice %arg5[%dma_start3A_931, %multiple_of3A_925] : memref<32x1000000xf32, #tpu.memory_space<hbm>> -> memref<32x128xf32, #tpu.memory_space<hbm>>
      %dma_start3A_933 = arith.constant 0 : i32
      %dma_start3A_934 = arith.constant 0 : i32
      %dma_start3A_935 = tpu.memref_slice %arg11[%dma_start3A_926, %dma_start3A_933, %dma_start3A_934] : memref<16x32x128xf32, #tpu.memory_space<vmem>> -> memref<1x32x128xf32, #tpu.memory_space<vmem>>
      %dma_start3A_936 = tpu.memref_squeeze %dma_start3A_935 : memref<1x32x128xf32, #tpu.memory_space<vmem>> -> memref<32x128xf32, #tpu.memory_space<vmem>>
      %dma_start3A_937 = arith.constant 0 : i32
      %dma_start3A_938 = tpu.memref_slice %arg5[%dma_start3A_937, %multiple_of3A_925] : memref<32x1000000xf32, #tpu.memory_space<hbm>> -> memref<32x128xf32, #tpu.memory_space<hbm>>
      tpu.enqueue_dma source(%dma_start3A_938 : memref<32x128xf32, #tpu.memory_space<hbm>>) target(%dma_start3A_936 : memref<32x128xf32, #tpu.memory_space<vmem>>) target_semaphore(%arg15 : memref<!tpu.dma_semaphore, #tpu.memory_space<semaphore_mem>>)
      %dma_wait3A_939 = arith.constant 0 : i32
      %dma_wait3A_940 = arith.constant 0 : i32
      %dma_wait3A_941 = arith.constant 0 : i32
      %dma_wait3A_942 = tpu.memref_slice %arg11[%dma_wait3A_939, %dma_wait3A_940, %dma_wait3A_941] : memref<16x32x128xf32, #tpu.memory_space<vmem>> -> memref<1x32x128xf32, #tpu.memory_space<vmem>>
      %dma_wait3A_943 = tpu.memref_squeeze %dma_wait3A_942 : memref<1x32x128xf32, #tpu.memory_space<vmem>> -> memref<32x128xf32, #tpu.memory_space<vmem>>
      %dma_wait3A_944 = arith.constant 0 : i32
      %dma_wait3A_945 = tpu.memref_slice %arg5[%dma_wait3A_944, %multiple_of3A_685] : memref<32x1000000xf32, #tpu.memory_space<hbm>> -> memref<32x128xf32, #tpu.memory_space<hbm>>
      %dma_wait3A_946 = arith.constant 0 : i32
      %dma_wait3A_947 = arith.constant 0 : i32
      %dma_wait3A_948 = tpu.memref_slice %arg11[%dma_wait3A_939, %dma_wait3A_946, %dma_wait3A_947] : memref<16x32x128xf32, #tpu.memory_space<vmem>> -> memref<1x32x128xf32, #tpu.memory_space<vmem>>
      %dma_wait3A_949 = tpu.memref_squeeze %dma_wait3A_948 : memref<1x32x128xf32, #tpu.memory_space<vmem>> -> memref<32x128xf32, #tpu.memory_space<vmem>>
      %dma_wait3A_950 = arith.constant 0 : i32
      %dma_wait3A_951 = tpu.memref_slice %arg5[%dma_wait3A_950, %multiple_of3A_685] : memref<32x1000000xf32, #tpu.memory_space<hbm>> -> memref<32x128xf32, #tpu.memory_space<hbm>>
      tpu.wait_dma2 semaphore(%arg15 : memref<!tpu.dma_semaphore, #tpu.memory_space<semaphore_mem>>) src(%dma_wait3A_951 : memref<32x128xf32, #tpu.memory_space<hbm>>) dst(%dma_wait3A_949 : memref<32x128xf32, #tpu.memory_space<vmem>>)
      %dma_wait3A_952 = arith.constant 1 : i32
      %dma_wait3A_953 = arith.constant 0 : i32
      %dma_wait3A_954 = arith.constant 0 : i32
      %dma_wait3A_955 = tpu.memref_slice %arg11[%dma_wait3A_952, %dma_wait3A_953, %dma_wait3A_954] : memref<16x32x128xf32, #tpu.memory_space<vmem>> -> memref<1x32x128xf32, #tpu.memory_space<vmem>>
      %dma_wait3A_956 = tpu.memref_squeeze %dma_wait3A_955 : memref<1x32x128xf32, #tpu.memory_space<vmem>> -> memref<32x128xf32, #tpu.memory_space<vmem>>
      %dma_wait3A_957 = arith.constant 0 : i32
      %dma_wait3A_958 = tpu.memref_slice %arg5[%dma_wait3A_957, %multiple_of3A_701] : memref<32x1000000xf32, #tpu.memory_space<hbm>> -> memref<32x128xf32, #tpu.memory_space<hbm>>
      %dma_wait3A_959 = arith.constant 0 : i32
      %dma_wait3A_960 = arith.constant 0 : i32
      %dma_wait3A_961 = tpu.memref_slice %arg11[%dma_wait3A_952, %dma_wait3A_959, %dma_wait3A_960] : memref<16x32x128xf32, #tpu.memory_space<vmem>> -> memref<1x32x128xf32, #tpu.memory_space<vmem>>
      %dma_wait3A_962 = tpu.memref_squeeze %dma_wait3A_961 : memref<1x32x128xf32, #tpu.memory_space<vmem>> -> memref<32x128xf32, #tpu.memory_space<vmem>>
      %dma_wait3A_963 = arith.constant 0 : i32
      %dma_wait3A_964 = tpu.memref_slice %arg5[%dma_wait3A_963, %multiple_of3A_701] : memref<32x1000000xf32, #tpu.memory_space<hbm>> -> memref<32x128xf32, #tpu.memory_space<hbm>>
      tpu.wait_dma2 semaphore(%arg15 : memref<!tpu.dma_semaphore, #tpu.memory_space<semaphore_mem>>) src(%dma_wait3A_964 : memref<32x128xf32, #tpu.memory_space<hbm>>) dst(%dma_wait3A_962 : memref<32x128xf32, #tpu.memory_space<vmem>>)
      %dma_wait3A_965 = arith.constant 2 : i32
      %dma_wait3A_966 = arith.constant 0 : i32
      %dma_wait3A_967 = arith.constant 0 : i32
      %dma_wait3A_968 = tpu.memref_slice %arg11[%dma_wait3A_965, %dma_wait3A_966, %dma_wait3A_967] : memref<16x32x128xf32, #tpu.memory_space<vmem>> -> memref<1x32x128xf32, #tpu.memory_space<vmem>>
      %dma_wait3A_969 = tpu.memref_squeeze %dma_wait3A_968 : memref<1x32x128xf32, #tpu.memory_space<vmem>> -> memref<32x128xf32, #tpu.memory_space<vmem>>
      %dma_wait3A_970 = arith.constant 0 : i32
      %dma_wait3A_971 = tpu.memref_slice %arg5[%dma_wait3A_970, %multiple_of3A_717] : memref<32x1000000xf32, #tpu.memory_space<hbm>> -> memref<32x128xf32, #tpu.memory_space<hbm>>
      %dma_wait3A_972 = arith.constant 0 : i32
      %dma_wait3A_973 = arith.constant 0 : i32
      %dma_wait3A_974 = tpu.memref_slice %arg11[%dma_wait3A_965, %dma_wait3A_972, %dma_wait3A_973] : memref<16x32x128xf32, #tpu.memory_space<vmem>> -> memref<1x32x128xf32, #tpu.memory_space<vmem>>
      %dma_wait3A_975 = tpu.memref_squeeze %dma_wait3A_974 : memref<1x32x128xf32, #tpu.memory_space<vmem>> -> memref<32x128xf32, #tpu.memory_space<vmem>>
      %dma_wait3A_976 = arith.constant 0 : i32
      %dma_wait3A_977 = tpu.memref_slice %arg5[%dma_wait3A_976, %multiple_of3A_717] : memref<32x1000000xf32, #tpu.memory_space<hbm>> -> memref<32x128xf32, #tpu.memory_space<hbm>>
      tpu.wait_dma2 semaphore(%arg15 : memref<!tpu.dma_semaphore, #tpu.memory_space<semaphore_mem>>) src(%dma_wait3A_977 : memref<32x128xf32, #tpu.memory_space<hbm>>) dst(%dma_wait3A_975 : memref<32x128xf32, #tpu.memory_space<vmem>>)
      %dma_wait3A_978 = arith.constant 3 : i32
      %dma_wait3A_979 = arith.constant 0 : i32
      %dma_wait3A_980 = arith.constant 0 : i32
      %dma_wait3A_981 = tpu.memref_slice %arg11[%dma_wait3A_978, %dma_wait3A_979, %dma_wait3A_980] : memref<16x32x128xf32, #tpu.memory_space<vmem>> -> memref<1x32x128xf32, #tpu.memory_space<vmem>>
      %dma_wait3A_982 = tpu.memref_squeeze %dma_wait3A_981 : memref<1x32x128xf32, #tpu.memory_space<vmem>> -> memref<32x128xf32, #tpu.memory_space<vmem>>
      %dma_wait3A_983 = arith.constant 0 : i32
      %dma_wait3A_984 = tpu.memref_slice %arg5[%dma_wait3A_983, %multiple_of3A_733] : memref<32x1000000xf32, #tpu.memory_space<hbm>> -> memref<32x128xf32, #tpu.memory_space<hbm>>
      %dma_wait3A_985 = arith.constant 0 : i32
      %dma_wait3A_986 = arith.constant 0 : i32
      %dma_wait3A_987 = tpu.memref_slice %arg11[%dma_wait3A_978, %dma_wait3A_985, %dma_wait3A_986] : memref<16x32x128xf32, #tpu.memory_space<vmem>> -> memref<1x32x128xf32, #tpu.memory_space<vmem>>
      %dma_wait3A_988 = tpu.memref_squeeze %dma_wait3A_987 : memref<1x32x128xf32, #tpu.memory_space<vmem>> -> memref<32x128xf32, #tpu.memory_space<vmem>>
      %dma_wait3A_989 = arith.constant 0 : i32
      %dma_wait3A_990 = tpu.memref_slice %arg5[%dma_wait3A_989, %multiple_of3A_733] : memref<32x1000000xf32, #tpu.memory_space<hbm>> -> memref<32x128xf32, #tpu.memory_space<hbm>>
      tpu.wait_dma2 semaphore(%arg15 : memref<!tpu.dma_semaphore, #tpu.memory_space<semaphore_mem>>) src(%dma_wait3A_990 : memref<32x128xf32, #tpu.memory_space<hbm>>) dst(%dma_wait3A_988 : memref<32x128xf32, #tpu.memory_space<vmem>>)
      %dma_wait3A_991 = arith.constant 4 : i32
      %dma_wait3A_992 = arith.constant 0 : i32
      %dma_wait3A_993 = arith.constant 0 : i32
      %dma_wait3A_994 = tpu.memref_slice %arg11[%dma_wait3A_991, %dma_wait3A_992, %dma_wait3A_993] : memref<16x32x128xf32, #tpu.memory_space<vmem>> -> memref<1x32x128xf32, #tpu.memory_space<vmem>>
      %dma_wait3A_995 = tpu.memref_squeeze %dma_wait3A_994 : memref<1x32x128xf32, #tpu.memory_space<vmem>> -> memref<32x128xf32, #tpu.memory_space<vmem>>
      %dma_wait3A_996 = arith.constant 0 : i32
      %dma_wait3A_997 = tpu.memref_slice %arg5[%dma_wait3A_996, %multiple_of3A_749] : memref<32x1000000xf32, #tpu.memory_space<hbm>> -> memref<32x128xf32, #tpu.memory_space<hbm>>
      %dma_wait3A_998 = arith.constant 0 : i32
      %dma_wait3A_999 = arith.constant 0 : i32
      %dma_wait3A_1000 = tpu.memref_slice %arg11[%dma_wait3A_991, %dma_wait3A_998, %dma_wait3A_999] : memref<16x32x128xf32, #tpu.memory_space<vmem>> -> memref<1x32x128xf32, #tpu.memory_space<vmem>>
      %dma_wait3A_1001 = tpu.memref_squeeze %dma_wait3A_1000 : memref<1x32x128xf32, #tpu.memory_space<vmem>> -> memref<32x128xf32, #tpu.memory_space<vmem>>
      %dma_wait3A_1002 = arith.constant 0 : i32
      %dma_wait3A_1003 = tpu.memref_slice %arg5[%dma_wait3A_1002, %multiple_of3A_749] : memref<32x1000000xf32, #tpu.memory_space<hbm>> -> memref<32x128xf32, #tpu.memory_space<hbm>>
      tpu.wait_dma2 semaphore(%arg15 : memref<!tpu.dma_semaphore, #tpu.memory_space<semaphore_mem>>) src(%dma_wait3A_1003 : memref<32x128xf32, #tpu.memory_space<hbm>>) dst(%dma_wait3A_1001 : memref<32x128xf32, #tpu.memory_space<vmem>>)
      %dma_wait3A_1004 = arith.constant 5 : i32
      %dma_wait3A_1005 = arith.constant 0 : i32
      %dma_wait3A_1006 = arith.constant 0 : i32
      %dma_wait3A_1007 = tpu.memref_slice %arg11[%dma_wait3A_1004, %dma_wait3A_1005, %dma_wait3A_1006] : memref<16x32x128xf32, #tpu.memory_space<vmem>> -> memref<1x32x128xf32, #tpu.memory_space<vmem>>
      %dma_wait3A_1008 = tpu.memref_squeeze %dma_wait3A_1007 : memref<1x32x128xf32, #tpu.memory_space<vmem>> -> memref<32x128xf32, #tpu.memory_space<vmem>>
      %dma_wait3A_1009 = arith.constant 0 : i32
      %dma_wait3A_1010 = tpu.memref_slice %arg5[%dma_wait3A_1009, %multiple_of3A_765] : memref<32x1000000xf32, #tpu.memory_space<hbm>> -> memref<32x128xf32, #tpu.memory_space<hbm>>
      %dma_wait3A_1011 = arith.constant 0 : i32
      %dma_wait3A_1012 = arith.constant 0 : i32
      %dma_wait3A_1013 = tpu.memref_slice %arg11[%dma_wait3A_1004, %dma_wait3A_1011, %dma_wait3A_1012] : memref<16x32x128xf32, #tpu.memory_space<vmem>> -> memref<1x32x128xf32, #tpu.memory_space<vmem>>
      %dma_wait3A_1014 = tpu.memref_squeeze %dma_wait3A_1013 : memref<1x32x128xf32, #tpu.memory_space<vmem>> -> memref<32x128xf32, #tpu.memory_space<vmem>>
      %dma_wait3A_1015 = arith.constant 0 : i32
      %dma_wait3A_1016 = tpu.memref_slice %arg5[%dma_wait3A_1015, %multiple_of3A_765] : memref<32x1000000xf32, #tpu.memory_space<hbm>> -> memref<32x128xf32, #tpu.memory_space<hbm>>
      tpu.wait_dma2 semaphore(%arg15 : memref<!tpu.dma_semaphore, #tpu.memory_space<semaphore_mem>>) src(%dma_wait3A_1016 : memref<32x128xf32, #tpu.memory_space<hbm>>) dst(%dma_wait3A_1014 : memref<32x128xf32, #tpu.memory_space<vmem>>)
      %dma_wait3A_1017 = arith.constant 6 : i32
      %dma_wait3A_1018 = arith.constant 0 : i32
      %dma_wait3A_1019 = arith.constant 0 : i32
      %dma_wait3A_1020 = tpu.memref_slice %arg11[%dma_wait3A_1017, %dma_wait3A_1018, %dma_wait3A_1019] : memref<16x32x128xf32, #tpu.memory_space<vmem>> -> memref<1x32x128xf32, #tpu.memory_space<vmem>>
      %dma_wait3A_1021 = tpu.memref_squeeze %dma_wait3A_1020 : memref<1x32x128xf32, #tpu.memory_space<vmem>> -> memref<32x128xf32, #tpu.memory_space<vmem>>
      %dma_wait3A_1022 = arith.constant 0 : i32
      %dma_wait3A_1023 = tpu.memref_slice %arg5[%dma_wait3A_1022, %multiple_of3A_781] : memref<32x1000000xf32, #tpu.memory_space<hbm>> -> memref<32x128xf32, #tpu.memory_space<hbm>>
      %dma_wait3A_1024 = arith.constant 0 : i32
      %dma_wait3A_1025 = arith.constant 0 : i32
      %dma_wait3A_1026 = tpu.memref_slice %arg11[%dma_wait3A_1017, %dma_wait3A_1024, %dma_wait3A_1025] : memref<16x32x128xf32, #tpu.memory_space<vmem>> -> memref<1x32x128xf32, #tpu.memory_space<vmem>>
      %dma_wait3A_1027 = tpu.memref_squeeze %dma_wait3A_1026 : memref<1x32x128xf32, #tpu.memory_space<vmem>> -> memref<32x128xf32, #tpu.memory_space<vmem>>
      %dma_wait3A_1028 = arith.constant 0 : i32
      %dma_wait3A_1029 = tpu.memref_slice %arg5[%dma_wait3A_1028, %multiple_of3A_781] : memref<32x1000000xf32, #tpu.memory_space<hbm>> -> memref<32x128xf32, #tpu.memory_space<hbm>>
      tpu.wait_dma2 semaphore(%arg15 : memref<!tpu.dma_semaphore, #tpu.memory_space<semaphore_mem>>) src(%dma_wait3A_1029 : memref<32x128xf32, #tpu.memory_space<hbm>>) dst(%dma_wait3A_1027 : memref<32x128xf32, #tpu.memory_space<vmem>>)
      %dma_wait3A_1030 = arith.constant 7 : i32
      %dma_wait3A_1031 = arith.constant 0 : i32
      %dma_wait3A_1032 = arith.constant 0 : i32
      %dma_wait3A_1033 = tpu.memref_slice %arg11[%dma_wait3A_1030, %dma_wait3A_1031, %dma_wait3A_1032] : memref<16x32x128xf32, #tpu.memory_space<vmem>> -> memref<1x32x128xf32, #tpu.memory_space<vmem>>
      %dma_wait3A_1034 = tpu.memref_squeeze %dma_wait3A_1033 : memref<1x32x128xf32, #tpu.memory_space<vmem>> -> memref<32x128xf32, #tpu.memory_space<vmem>>
      %dma_wait3A_1035 = arith.constant 0 : i32
      %dma_wait3A_1036 = tpu.memref_slice %arg5[%dma_wait3A_1035, %multiple_of3A_797] : memref<32x1000000xf32, #tpu.memory_space<hbm>> -> memref<32x128xf32, #tpu.memory_space<hbm>>
      %dma_wait3A_1037 = arith.constant 0 : i32
      %dma_wait3A_1038 = arith.constant 0 : i32
      %dma_wait3A_1039 = tpu.memref_slice %arg11[%dma_wait3A_1030, %dma_wait3A_1037, %dma_wait3A_1038] : memref<16x32x128xf32, #tpu.memory_space<vmem>> -> memref<1x32x128xf32, #tpu.memory_space<vmem>>
      %dma_wait3A_1040 = tpu.memref_squeeze %dma_wait3A_1039 : memref<1x32x128xf32, #tpu.memory_space<vmem>> -> memref<32x128xf32, #tpu.memory_space<vmem>>
      %dma_wait3A_1041 = arith.constant 0 : i32
      %dma_wait3A_1042 = tpu.memref_slice %arg5[%dma_wait3A_1041, %multiple_of3A_797] : memref<32x1000000xf32, #tpu.memory_space<hbm>> -> memref<32x128xf32, #tpu.memory_space<hbm>>
      tpu.wait_dma2 semaphore(%arg15 : memref<!tpu.dma_semaphore, #tpu.memory_space<semaphore_mem>>) src(%dma_wait3A_1042 : memref<32x128xf32, #tpu.memory_space<hbm>>) dst(%dma_wait3A_1040 : memref<32x128xf32, #tpu.memory_space<vmem>>)
      %dma_wait3A_1043 = arith.constant 8 : i32
      %dma_wait3A_1044 = arith.constant 0 : i32
      %dma_wait3A_1045 = arith.constant 0 : i32
      %dma_wait3A_1046 = tpu.memref_slice %arg11[%dma_wait3A_1043, %dma_wait3A_1044, %dma_wait3A_1045] : memref<16x32x128xf32, #tpu.memory_space<vmem>> -> memref<1x32x128xf32, #tpu.memory_space<vmem>>
      %dma_wait3A_1047 = tpu.memref_squeeze %dma_wait3A_1046 : memref<1x32x128xf32, #tpu.memory_space<vmem>> -> memref<32x128xf32, #tpu.memory_space<vmem>>
      %dma_wait3A_1048 = arith.constant 0 : i32
      %dma_wait3A_1049 = tpu.memref_slice %arg5[%dma_wait3A_1048, %multiple_of3A_813] : memref<32x1000000xf32, #tpu.memory_space<hbm>> -> memref<32x128xf32, #tpu.memory_space<hbm>>
      %dma_wait3A_1050 = arith.constant 0 : i32
      %dma_wait3A_1051 = arith.constant 0 : i32
      %dma_wait3A_1052 = tpu.memref_slice %arg11[%dma_wait3A_1043, %dma_wait3A_1050, %dma_wait3A_1051] : memref<16x32x128xf32, #tpu.memory_space<vmem>> -> memref<1x32x128xf32, #tpu.memory_space<vmem>>
      %dma_wait3A_1053 = tpu.memref_squeeze %dma_wait3A_1052 : memref<1x32x128xf32, #tpu.memory_space<vmem>> -> memref<32x128xf32, #tpu.memory_space<vmem>>
      %dma_wait3A_1054 = arith.constant 0 : i32
      %dma_wait3A_1055 = tpu.memref_slice %arg5[%dma_wait3A_1054, %multiple_of3A_813] : memref<32x1000000xf32, #tpu.memory_space<hbm>> -> memref<32x128xf32, #tpu.memory_space<hbm>>
      tpu.wait_dma2 semaphore(%arg15 : memref<!tpu.dma_semaphore, #tpu.memory_space<semaphore_mem>>) src(%dma_wait3A_1055 : memref<32x128xf32, #tpu.memory_space<hbm>>) dst(%dma_wait3A_1053 : memref<32x128xf32, #tpu.memory_space<vmem>>)
      %dma_wait3A_1056 = arith.constant 9 : i32
      %dma_wait3A_1057 = arith.constant 0 : i32
      %dma_wait3A_1058 = arith.constant 0 : i32
      %dma_wait3A_1059 = tpu.memref_slice %arg11[%dma_wait3A_1056, %dma_wait3A_1057, %dma_wait3A_1058] : memref<16x32x128xf32, #tpu.memory_space<vmem>> -> memref<1x32x128xf32, #tpu.memory_space<vmem>>
      %dma_wait3A_1060 = tpu.memref_squeeze %dma_wait3A_1059 : memref<1x32x128xf32, #tpu.memory_space<vmem>> -> memref<32x128xf32, #tpu.memory_space<vmem>>
      %dma_wait3A_1061 = arith.constant 0 : i32
      %dma_wait3A_1062 = tpu.memref_slice %arg5[%dma_wait3A_1061, %multiple_of3A_829] : memref<32x1000000xf32, #tpu.memory_space<hbm>> -> memref<32x128xf32, #tpu.memory_space<hbm>>
      %dma_wait3A_1063 = arith.constant 0 : i32
      %dma_wait3A_1064 = arith.constant 0 : i32
      %dma_wait3A_1065 = tpu.memref_slice %arg11[%dma_wait3A_1056, %dma_wait3A_1063, %dma_wait3A_1064] : memref<16x32x128xf32, #tpu.memory_space<vmem>> -> memref<1x32x128xf32, #tpu.memory_space<vmem>>
      %dma_wait3A_1066 = tpu.memref_squeeze %dma_wait3A_1065 : memref<1x32x128xf32, #tpu.memory_space<vmem>> -> memref<32x128xf32, #tpu.memory_space<vmem>>
      %dma_wait3A_1067 = arith.constant 0 : i32
      %dma_wait3A_1068 = tpu.memref_slice %arg5[%dma_wait3A_1067, %multiple_of3A_829] : memref<32x1000000xf32, #tpu.memory_space<hbm>> -> memref<32x128xf32, #tpu.memory_space<hbm>>
      tpu.wait_dma2 semaphore(%arg15 : memref<!tpu.dma_semaphore, #tpu.memory_space<semaphore_mem>>) src(%dma_wait3A_1068 : memref<32x128xf32, #tpu.memory_space<hbm>>) dst(%dma_wait3A_1066 : memref<32x128xf32, #tpu.memory_space<vmem>>)
      %dma_wait3A_1069 = arith.constant 10 : i32
      %dma_wait3A_1070 = arith.constant 0 : i32
      %dma_wait3A_1071 = arith.constant 0 : i32
      %dma_wait3A_1072 = tpu.memref_slice %arg11[%dma_wait3A_1069, %dma_wait3A_1070, %dma_wait3A_1071] : memref<16x32x128xf32, #tpu.memory_space<vmem>> -> memref<1x32x128xf32, #tpu.memory_space<vmem>>
      %dma_wait3A_1073 = tpu.memref_squeeze %dma_wait3A_1072 : memref<1x32x128xf32, #tpu.memory_space<vmem>> -> memref<32x128xf32, #tpu.memory_space<vmem>>
      %dma_wait3A_1074 = arith.constant 0 : i32
      %dma_wait3A_1075 = tpu.memref_slice %arg5[%dma_wait3A_1074, %multiple_of3A_845] : memref<32x1000000xf32, #tpu.memory_space<hbm>> -> memref<32x128xf32, #tpu.memory_space<hbm>>
      %dma_wait3A_1076 = arith.constant 0 : i32
      %dma_wait3A_1077 = arith.constant 0 : i32
      %dma_wait3A_1078 = tpu.memref_slice %arg11[%dma_wait3A_1069, %dma_wait3A_1076, %dma_wait3A_1077] : memref<16x32x128xf32, #tpu.memory_space<vmem>> -> memref<1x32x128xf32, #tpu.memory_space<vmem>>
      %dma_wait3A_1079 = tpu.memref_squeeze %dma_wait3A_1078 : memref<1x32x128xf32, #tpu.memory_space<vmem>> -> memref<32x128xf32, #tpu.memory_space<vmem>>
      %dma_wait3A_1080 = arith.constant 0 : i32
      %dma_wait3A_1081 = tpu.memref_slice %arg5[%dma_wait3A_1080, %multiple_of3A_845] : memref<32x1000000xf32, #tpu.memory_space<hbm>> -> memref<32x128xf32, #tpu.memory_space<hbm>>
      tpu.wait_dma2 semaphore(%arg15 : memref<!tpu.dma_semaphore, #tpu.memory_space<semaphore_mem>>) src(%dma_wait3A_1081 : memref<32x128xf32, #tpu.memory_space<hbm>>) dst(%dma_wait3A_1079 : memref<32x128xf32, #tpu.memory_space<vmem>>)
      %dma_wait3A_1082 = arith.constant 11 : i32
      %dma_wait3A_1083 = arith.constant 0 : i32
      %dma_wait3A_1084 = arith.constant 0 : i32
      %dma_wait3A_1085 = tpu.memref_slice %arg11[%dma_wait3A_1082, %dma_wait3A_1083, %dma_wait3A_1084] : memref<16x32x128xf32, #tpu.memory_space<vmem>> -> memref<1x32x128xf32, #tpu.memory_space<vmem>>
      %dma_wait3A_1086 = tpu.memref_squeeze %dma_wait3A_1085 : memref<1x32x128xf32, #tpu.memory_space<vmem>> -> memref<32x128xf32, #tpu.memory_space<vmem>>
      %dma_wait3A_1087 = arith.constant 0 : i32
      %dma_wait3A_1088 = tpu.memref_slice %arg5[%dma_wait3A_1087, %multiple_of3A_861] : memref<32x1000000xf32, #tpu.memory_space<hbm>> -> memref<32x128xf32, #tpu.memory_space<hbm>>
      %dma_wait3A_1089 = arith.constant 0 : i32
      %dma_wait3A_1090 = arith.constant 0 : i32
      %dma_wait3A_1091 = tpu.memref_slice %arg11[%dma_wait3A_1082, %dma_wait3A_1089, %dma_wait3A_1090] : memref<16x32x128xf32, #tpu.memory_space<vmem>> -> memref<1x32x128xf32, #tpu.memory_space<vmem>>
      %dma_wait3A_1092 = tpu.memref_squeeze %dma_wait3A_1091 : memref<1x32x128xf32, #tpu.memory_space<vmem>> -> memref<32x128xf32, #tpu.memory_space<vmem>>
      %dma_wait3A_1093 = arith.constant 0 : i32
      %dma_wait3A_1094 = tpu.memref_slice %arg5[%dma_wait3A_1093, %multiple_of3A_861] : memref<32x1000000xf32, #tpu.memory_space<hbm>> -> memref<32x128xf32, #tpu.memory_space<hbm>>
      tpu.wait_dma2 semaphore(%arg15 : memref<!tpu.dma_semaphore, #tpu.memory_space<semaphore_mem>>) src(%dma_wait3A_1094 : memref<32x128xf32, #tpu.memory_space<hbm>>) dst(%dma_wait3A_1092 : memref<32x128xf32, #tpu.memory_space<vmem>>)
      %dma_wait3A_1095 = arith.constant 12 : i32
      %dma_wait3A_1096 = arith.constant 0 : i32
      %dma_wait3A_1097 = arith.constant 0 : i32
      %dma_wait3A_1098 = tpu.memref_slice %arg11[%dma_wait3A_1095, %dma_wait3A_1096, %dma_wait3A_1097] : memref<16x32x128xf32, #tpu.memory_space<vmem>> -> memref<1x32x128xf32, #tpu.memory_space<vmem>>
      %dma_wait3A_1099 = tpu.memref_squeeze %dma_wait3A_1098 : memref<1x32x128xf32, #tpu.memory_space<vmem>> -> memref<32x128xf32, #tpu.memory_space<vmem>>
      %dma_wait3A_1100 = arith.constant 0 : i32
      %dma_wait3A_1101 = tpu.memref_slice %arg5[%dma_wait3A_1100, %multiple_of3A_877] : memref<32x1000000xf32, #tpu.memory_space<hbm>> -> memref<32x128xf32, #tpu.memory_space<hbm>>
      %dma_wait3A_1102 = arith.constant 0 : i32
      %dma_wait3A_1103 = arith.constant 0 : i32
      %dma_wait3A_1104 = tpu.memref_slice %arg11[%dma_wait3A_1095, %dma_wait3A_1102, %dma_wait3A_1103] : memref<16x32x128xf32, #tpu.memory_space<vmem>> -> memref<1x32x128xf32, #tpu.memory_space<vmem>>
      %dma_wait3A_1105 = tpu.memref_squeeze %dma_wait3A_1104 : memref<1x32x128xf32, #tpu.memory_space<vmem>> -> memref<32x128xf32, #tpu.memory_space<vmem>>
      %dma_wait3A_1106 = arith.constant 0 : i32
      %dma_wait3A_1107 = tpu.memref_slice %arg5[%dma_wait3A_1106, %multiple_of3A_877] : memref<32x1000000xf32, #tpu.memory_space<hbm>> -> memref<32x128xf32, #tpu.memory_space<hbm>>
      tpu.wait_dma2 semaphore(%arg15 : memref<!tpu.dma_semaphore, #tpu.memory_space<semaphore_mem>>) src(%dma_wait3A_1107 : memref<32x128xf32, #tpu.memory_space<hbm>>) dst(%dma_wait3A_1105 : memref<32x128xf32, #tpu.memory_space<vmem>>)
      %dma_wait3A_1108 = arith.constant 13 : i32
      %dma_wait3A_1109 = arith.constant 0 : i32
      %dma_wait3A_1110 = arith.constant 0 : i32
      %dma_wait3A_1111 = tpu.memref_slice %arg11[%dma_wait3A_1108, %dma_wait3A_1109, %dma_wait3A_1110] : memref<16x32x128xf32, #tpu.memory_space<vmem>> -> memref<1x32x128xf32, #tpu.memory_space<vmem>>
      %dma_wait3A_1112 = tpu.memref_squeeze %dma_wait3A_1111 : memref<1x32x128xf32, #tpu.memory_space<vmem>> -> memref<32x128xf32, #tpu.memory_space<vmem>>
      %dma_wait3A_1113 = arith.constant 0 : i32
      %dma_wait3A_1114 = tpu.memref_slice %arg5[%dma_wait3A_1113, %multiple_of3A_893] : memref<32x1000000xf32, #tpu.memory_space<hbm>> -> memref<32x128xf32, #tpu.memory_space<hbm>>
      %dma_wait3A_1115 = arith.constant 0 : i32
      %dma_wait3A_1116 = arith.constant 0 : i32
      %dma_wait3A_1117 = tpu.memref_slice %arg11[%dma_wait3A_1108, %dma_wait3A_1115, %dma_wait3A_1116] : memref<16x32x128xf32, #tpu.memory_space<vmem>> -> memref<1x32x128xf32, #tpu.memory_space<vmem>>
      %dma_wait3A_1118 = tpu.memref_squeeze %dma_wait3A_1117 : memref<1x32x128xf32, #tpu.memory_space<vmem>> -> memref<32x128xf32, #tpu.memory_space<vmem>>
      %dma_wait3A_1119 = arith.constant 0 : i32
      %dma_wait3A_1120 = tpu.memref_slice %arg5[%dma_wait3A_1119, %multiple_of3A_893] : memref<32x1000000xf32, #tpu.memory_space<hbm>> -> memref<32x128xf32, #tpu.memory_space<hbm>>
      tpu.wait_dma2 semaphore(%arg15 : memref<!tpu.dma_semaphore, #tpu.memory_space<semaphore_mem>>) src(%dma_wait3A_1120 : memref<32x128xf32, #tpu.memory_space<hbm>>) dst(%dma_wait3A_1118 : memref<32x128xf32, #tpu.memory_space<vmem>>)
      %dma_wait3A_1121 = arith.constant 14 : i32
      %dma_wait3A_1122 = arith.constant 0 : i32
      %dma_wait3A_1123 = arith.constant 0 : i32
      %dma_wait3A_1124 = tpu.memref_slice %arg11[%dma_wait3A_1121, %dma_wait3A_1122, %dma_wait3A_1123] : memref<16x32x128xf32, #tpu.memory_space<vmem>> -> memref<1x32x128xf32, #tpu.memory_space<vmem>>
      %dma_wait3A_1125 = tpu.memref_squeeze %dma_wait3A_1124 : memref<1x32x128xf32, #tpu.memory_space<vmem>> -> memref<32x128xf32, #tpu.memory_space<vmem>>
      %dma_wait3A_1126 = arith.constant 0 : i32
      %dma_wait3A_1127 = tpu.memref_slice %arg5[%dma_wait3A_1126, %multiple_of3A_909] : memref<32x1000000xf32, #tpu.memory_space<hbm>> -> memref<32x128xf32, #tpu.memory_space<hbm>>
      %dma_wait3A_1128 = arith.constant 0 : i32
      %dma_wait3A_1129 = arith.constant 0 : i32
      %dma_wait3A_1130 = tpu.memref_slice %arg11[%dma_wait3A_1121, %dma_wait3A_1128, %dma_wait3A_1129] : memref<16x32x128xf32, #tpu.memory_space<vmem>> -> memref<1x32x128xf32, #tpu.memory_space<vmem>>
      %dma_wait3A_1131 = tpu.memref_squeeze %dma_wait3A_1130 : memref<1x32x128xf32, #tpu.memory_space<vmem>> -> memref<32x128xf32, #tpu.memory_space<vmem>>
      %dma_wait3A_1132 = arith.constant 0 : i32
      %dma_wait3A_1133 = tpu.memref_slice %arg5[%dma_wait3A_1132, %multiple_of3A_909] : memref<32x1000000xf32, #tpu.memory_space<hbm>> -> memref<32x128xf32, #tpu.memory_space<hbm>>
      tpu.wait_dma2 semaphore(%arg15 : memref<!tpu.dma_semaphore, #tpu.memory_space<semaphore_mem>>) src(%dma_wait3A_1133 : memref<32x128xf32, #tpu.memory_space<hbm>>) dst(%dma_wait3A_1131 : memref<32x128xf32, #tpu.memory_space<vmem>>)
      %dma_wait3A_1134 = arith.constant 15 : i32
      %dma_wait3A_1135 = arith.constant 0 : i32
      %dma_wait3A_1136 = arith.constant 0 : i32
      %dma_wait3A_1137 = tpu.memref_slice %arg11[%dma_wait3A_1134, %dma_wait3A_1135, %dma_wait3A_1136] : memref<16x32x128xf32, #tpu.memory_space<vmem>> -> memref<1x32x128xf32, #tpu.memory_space<vmem>>
      %dma_wait3A_1138 = tpu.memref_squeeze %dma_wait3A_1137 : memref<1x32x128xf32, #tpu.memory_space<vmem>> -> memref<32x128xf32, #tpu.memory_space<vmem>>
      %dma_wait3A_1139 = arith.constant 0 : i32
      %dma_wait3A_1140 = tpu.memref_slice %arg5[%dma_wait3A_1139, %multiple_of3A_925] : memref<32x1000000xf32, #tpu.memory_space<hbm>> -> memref<32x128xf32, #tpu.memory_space<hbm>>
      %dma_wait3A_1141 = arith.constant 0 : i32
      %dma_wait3A_1142 = arith.constant 0 : i32
      %dma_wait3A_1143 = tpu.memref_slice %arg11[%dma_wait3A_1134, %dma_wait3A_1141, %dma_wait3A_1142] : memref<16x32x128xf32, #tpu.memory_space<vmem>> -> memref<1x32x128xf32, #tpu.memory_space<vmem>>
      %dma_wait3A_1144 = tpu.memref_squeeze %dma_wait3A_1143 : memref<1x32x128xf32, #tpu.memory_space<vmem>> -> memref<32x128xf32, #tpu.memory_space<vmem>>
      %dma_wait3A_1145 = arith.constant 0 : i32
      %dma_wait3A_1146 = tpu.memref_slice %arg5[%dma_wait3A_1145, %multiple_of3A_925] : memref<32x1000000xf32, #tpu.memory_space<hbm>> -> memref<32x128xf32, #tpu.memory_space<hbm>>
      tpu.wait_dma2 semaphore(%arg15 : memref<!tpu.dma_semaphore, #tpu.memory_space<semaphore_mem>>) src(%dma_wait3A_1146 : memref<32x128xf32, #tpu.memory_space<hbm>>) dst(%dma_wait3A_1144 : memref<32x128xf32, #tpu.memory_space<vmem>>)
      %broadcast_in_dim3A_1147 = arith.constant 0.000000e+00 : f32
      %broadcast_in_dim3A_1148 = vector.broadcast %broadcast_in_dim3A_1147 : f32 to vector<16xf32>
      %broadcast_in_dim3A_1149 = arith.constant 0 : i32
      %broadcast_in_dim3A_1150 = vector.broadcast %broadcast_in_dim3A_1149 : i32 to vector<16xi32>
      %gather3A_1151 = tpu.vector_load_idx %arg11[%iota3A, %broadcast_in_dim3A_1150, %and3A_125] : memref<16x32x128xf32, #tpu.memory_space<vmem>>[vector<16xi32>, vector<16xi32>, vector<16xi32>], vector<16xf32>,
      %mul3A_1152 = arith.mulf %gather3A, %gather3A_1151 : vector<16xf32>
      %add3A_1153 = arith.addf %broadcast_in_dim3A_1148, %mul3A_1152 : vector<16xf32>
      %broadcast_in_dim3A_1154 = arith.constant 1 : i32
      %broadcast_in_dim3A_1155 = vector.broadcast %broadcast_in_dim3A_1154 : i32 to vector<16xi32>
      %gather3A_1156 = tpu.vector_load_idx %arg11[%iota3A, %broadcast_in_dim3A_1155, %and3A_125] : memref<16x32x128xf32, #tpu.memory_space<vmem>>[vector<16xi32>, vector<16xi32>, vector<16xi32>], vector<16xf32>,
      %mul3A_1157 = arith.mulf %gather3A_592, %gather3A_1156 : vector<16xf32>
      %add3A_1158 = arith.addf %add3A_1153, %mul3A_1157 : vector<16xf32>
      %broadcast_in_dim3A_1159 = arith.constant 2 : i32
      %broadcast_in_dim3A_1160 = vector.broadcast %broadcast_in_dim3A_1159 : i32 to vector<16xi32>
      %gather3A_1161 = tpu.vector_load_idx %arg11[%iota3A, %broadcast_in_dim3A_1160, %and3A_125] : memref<16x32x128xf32, #tpu.memory_space<vmem>>[vector<16xi32>, vector<16xi32>, vector<16xi32>], vector<16xf32>,
      %mul3A_1162 = arith.mulf %gather3A_595, %gather3A_1161 : vector<16xf32>
      %add3A_1163 = arith.addf %add3A_1158, %mul3A_1162 : vector<16xf32>
      %broadcast_in_dim3A_1164 = arith.constant 3 : i32
      %broadcast_in_dim3A_1165 = vector.broadcast %broadcast_in_dim3A_1164 : i32 to vector<16xi32>
      %gather3A_1166 = tpu.vector_load_idx %arg11[%iota3A, %broadcast_in_dim3A_1165, %and3A_125] : memref<16x32x128xf32, #tpu.memory_space<vmem>>[vector<16xi32>, vector<16xi32>, vector<16xi32>], vector<16xf32>,
      %mul3A_1167 = arith.mulf %gather3A_598, %gather3A_1166 : vector<16xf32>
      %add3A_1168 = arith.addf %add3A_1163, %mul3A_1167 : vector<16xf32>
      %broadcast_in_dim3A_1169 = arith.constant 4 : i32
      %broadcast_in_dim3A_1170 = vector.broadcast %broadcast_in_dim3A_1169 : i32 to vector<16xi32>
      %gather3A_1171 = tpu.vector_load_idx %arg11[%iota3A, %broadcast_in_dim3A_1170, %and3A_125] : memref<16x32x128xf32, #tpu.memory_space<vmem>>[vector<16xi32>, vector<16xi32>, vector<16xi32>], vector<16xf32>,
      %mul3A_1172 = arith.mulf %gather3A_601, %gather3A_1171 : vector<16xf32>
      %add3A_1173 = arith.addf %add3A_1168, %mul3A_1172 : vector<16xf32>
      %broadcast_in_dim3A_1174 = arith.constant 5 : i32
      %broadcast_in_dim3A_1175 = vector.broadcast %broadcast_in_dim3A_1174 : i32 to vector<16xi32>
      %gather3A_1176 = tpu.vector_load_idx %arg11[%iota3A, %broadcast_in_dim3A_1175, %and3A_125] : memref<16x32x128xf32, #tpu.memory_space<vmem>>[vector<16xi32>, vector<16xi32>, vector<16xi32>], vector<16xf32>,
      %mul3A_1177 = arith.mulf %gather3A_604, %gather3A_1176 : vector<16xf32>
      %add3A_1178 = arith.addf %add3A_1173, %mul3A_1177 : vector<16xf32>
      %broadcast_in_dim3A_1179 = arith.constant 6 : i32
      %broadcast_in_dim3A_1180 = vector.broadcast %broadcast_in_dim3A_1179 : i32 to vector<16xi32>
      %gather3A_1181 = tpu.vector_load_idx %arg11[%iota3A, %broadcast_in_dim3A_1180, %and3A_125] : memref<16x32x128xf32, #tpu.memory_space<vmem>>[vector<16xi32>, vector<16xi32>, vector<16xi32>], vector<16xf32>,
      %mul3A_1182 = arith.mulf %gather3A_607, %gather3A_1181 : vector<16xf32>
      %add3A_1183 = arith.addf %add3A_1178, %mul3A_1182 : vector<16xf32>
      %broadcast_in_dim3A_1184 = arith.constant 7 : i32
      %broadcast_in_dim3A_1185 = vector.broadcast %broadcast_in_dim3A_1184 : i32 to vector<16xi32>
      %gather3A_1186 = tpu.vector_load_idx %arg11[%iota3A, %broadcast_in_dim3A_1185, %and3A_125] : memref<16x32x128xf32, #tpu.memory_space<vmem>>[vector<16xi32>, vector<16xi32>, vector<16xi32>], vector<16xf32>,
      %mul3A_1187 = arith.mulf %gather3A_610, %gather3A_1186 : vector<16xf32>
      %add3A_1188 = arith.addf %add3A_1183, %mul3A_1187 : vector<16xf32>
      %broadcast_in_dim3A_1189 = arith.constant 8 : i32
      %broadcast_in_dim3A_1190 = vector.broadcast %broadcast_in_dim3A_1189 : i32 to vector<16xi32>
      %gather3A_1191 = tpu.vector_load_idx %arg11[%iota3A, %broadcast_in_dim3A_1190, %and3A_125] : memref<16x32x128xf32, #tpu.memory_space<vmem>>[vector<16xi32>, vector<16xi32>, vector<16xi32>], vector<16xf32>,
      %mul3A_1192 = arith.mulf %gather3A_613, %gather3A_1191 : vector<16xf32>
      %add3A_1193 = arith.addf %add3A_1188, %mul3A_1192 : vector<16xf32>
      %broadcast_in_dim3A_1194 = arith.constant 9 : i32
      %broadcast_in_dim3A_1195 = vector.broadcast %broadcast_in_dim3A_1194 : i32 to vector<16xi32>
      %gather3A_1196 = tpu.vector_load_idx %arg11[%iota3A, %broadcast_in_dim3A_1195, %and3A_125] : memref<16x32x128xf32, #tpu.memory_space<vmem>>[vector<16xi32>, vector<16xi32>, vector<16xi32>], vector<16xf32>,
      %mul3A_1197 = arith.mulf %gather3A_616, %gather3A_1196 : vector<16xf32>
      %add3A_1198 = arith.addf %add3A_1193, %mul3A_1197 : vector<16xf32>
      %broadcast_in_dim3A_1199 = arith.constant 10 : i32
      %broadcast_in_dim3A_1200 = vector.broadcast %broadcast_in_dim3A_1199 : i32 to vector<16xi32>
      %gather3A_1201 = tpu.vector_load_idx %arg11[%iota3A, %broadcast_in_dim3A_1200, %and3A_125] : memref<16x32x128xf32, #tpu.memory_space<vmem>>[vector<16xi32>, vector<16xi32>, vector<16xi32>], vector<16xf32>,
      %mul3A_1202 = arith.mulf %gather3A_619, %gather3A_1201 : vector<16xf32>
      %add3A_1203 = arith.addf %add3A_1198, %mul3A_1202 : vector<16xf32>
      %broadcast_in_dim3A_1204 = arith.constant 11 : i32
      %broadcast_in_dim3A_1205 = vector.broadcast %broadcast_in_dim3A_1204 : i32 to vector<16xi32>
      %gather3A_1206 = tpu.vector_load_idx %arg11[%iota3A, %broadcast_in_dim3A_1205, %and3A_125] : memref<16x32x128xf32, #tpu.memory_space<vmem>>[vector<16xi32>, vector<16xi32>, vector<16xi32>], vector<16xf32>,
      %mul3A_1207 = arith.mulf %gather3A_622, %gather3A_1206 : vector<16xf32>
      %add3A_1208 = arith.addf %add3A_1203, %mul3A_1207 : vector<16xf32>
      %broadcast_in_dim3A_1209 = arith.constant 12 : i32
      %broadcast_in_dim3A_1210 = vector.broadcast %broadcast_in_dim3A_1209 : i32 to vector<16xi32>
      %gather3A_1211 = tpu.vector_load_idx %arg11[%iota3A, %broadcast_in_dim3A_1210, %and3A_125] : memref<16x32x128xf32, #tpu.memory_space<vmem>>[vector<16xi32>, vector<16xi32>, vector<16xi32>], vector<16xf32>,
      %mul3A_1212 = arith.mulf %gather3A_625, %gather3A_1211 : vector<16xf32>
      %add3A_1213 = arith.addf %add3A_1208, %mul3A_1212 : vector<16xf32>
      %broadcast_in_dim3A_1214 = arith.constant 13 : i32
      %broadcast_in_dim3A_1215 = vector.broadcast %broadcast_in_dim3A_1214 : i32 to vector<16xi32>
      %gather3A_1216 = tpu.vector_load_idx %arg11[%iota3A, %broadcast_in_dim3A_1215, %and3A_125] : memref<16x32x128xf32, #tpu.memory_space<vmem>>[vector<16xi32>, vector<16xi32>, vector<16xi32>], vector<16xf32>,
      %mul3A_1217 = arith.mulf %gather3A_628, %gather3A_1216 : vector<16xf32>
      %add3A_1218 = arith.addf %add3A_1213, %mul3A_1217 : vector<16xf32>
      %broadcast_in_dim3A_1219 = arith.constant 14 : i32
      %broadcast_in_dim3A_1220 = vector.broadcast %broadcast_in_dim3A_1219 : i32 to vector<16xi32>
      %gather3A_1221 = tpu.vector_load_idx %arg11[%iota3A, %broadcast_in_dim3A_1220, %and3A_125] : memref<16x32x128xf32, #tpu.memory_space<vmem>>[vector<16xi32>, vector<16xi32>, vector<16xi32>], vector<16xf32>,
      %mul3A_1222 = arith.mulf %gather3A_631, %gather3A_1221 : vector<16xf32>
      %add3A_1223 = arith.addf %add3A_1218, %mul3A_1222 : vector<16xf32>
      %broadcast_in_dim3A_1224 = arith.constant 15 : i32
      %broadcast_in_dim3A_1225 = vector.broadcast %broadcast_in_dim3A_1224 : i32 to vector<16xi32>
      %gather3A_1226 = tpu.vector_load_idx %arg11[%iota3A, %broadcast_in_dim3A_1225, %and3A_125] : memref<16x32x128xf32, #tpu.memory_space<vmem>>[vector<16xi32>, vector<16xi32>, vector<16xi32>], vector<16xf32>,
      %mul3A_1227 = arith.mulf %gather3A_634, %gather3A_1226 : vector<16xf32>
      %add3A_1228 = arith.addf %add3A_1223, %mul3A_1227 : vector<16xf32>
      %broadcast_in_dim3A_1229 = arith.constant 16 : i32
      %broadcast_in_dim3A_1230 = vector.broadcast %broadcast_in_dim3A_1229 : i32 to vector<16xi32>
      %gather3A_1231 = tpu.vector_load_idx %arg11[%iota3A, %broadcast_in_dim3A_1230, %and3A_125] : memref<16x32x128xf32, #tpu.memory_space<vmem>>[vector<16xi32>, vector<16xi32>, vector<16xi32>], vector<16xf32>,
      %mul3A_1232 = arith.mulf %gather3A_637, %gather3A_1231 : vector<16xf32>
      %add3A_1233 = arith.addf %add3A_1228, %mul3A_1232 : vector<16xf32>
      %broadcast_in_dim3A_1234 = arith.constant 17 : i32
      %broadcast_in_dim3A_1235 = vector.broadcast %broadcast_in_dim3A_1234 : i32 to vector<16xi32>
      %gather3A_1236 = tpu.vector_load_idx %arg11[%iota3A, %broadcast_in_dim3A_1235, %and3A_125] : memref<16x32x128xf32, #tpu.memory_space<vmem>>[vector<16xi32>, vector<16xi32>, vector<16xi32>], vector<16xf32>,
      %mul3A_1237 = arith.mulf %gather3A_640, %gather3A_1236 : vector<16xf32>
      %add3A_1238 = arith.addf %add3A_1233, %mul3A_1237 : vector<16xf32>
      %broadcast_in_dim3A_1239 = arith.constant 18 : i32
      %broadcast_in_dim3A_1240 = vector.broadcast %broadcast_in_dim3A_1239 : i32 to vector<16xi32>
      %gather3A_1241 = tpu.vector_load_idx %arg11[%iota3A, %broadcast_in_dim3A_1240, %and3A_125] : memref<16x32x128xf32, #tpu.memory_space<vmem>>[vector<16xi32>, vector<16xi32>, vector<16xi32>], vector<16xf32>,
      %mul3A_1242 = arith.mulf %gather3A_643, %gather3A_1241 : vector<16xf32>
      %add3A_1243 = arith.addf %add3A_1238, %mul3A_1242 : vector<16xf32>
      %broadcast_in_dim3A_1244 = arith.constant 19 : i32
      %broadcast_in_dim3A_1245 = vector.broadcast %broadcast_in_dim3A_1244 : i32 to vector<16xi32>
      %gather3A_1246 = tpu.vector_load_idx %arg11[%iota3A, %broadcast_in_dim3A_1245, %and3A_125] : memref<16x32x128xf32, #tpu.memory_space<vmem>>[vector<16xi32>, vector<16xi32>, vector<16xi32>], vector<16xf32>,
      %mul3A_1247 = arith.mulf %gather3A_646, %gather3A_1246 : vector<16xf32>
      %add3A_1248 = arith.addf %add3A_1243, %mul3A_1247 : vector<16xf32>
      %broadcast_in_dim3A_1249 = arith.constant 20 : i32
      %broadcast_in_dim3A_1250 = vector.broadcast %broadcast_in_dim3A_1249 : i32 to vector<16xi32>
      %gather3A_1251 = tpu.vector_load_idx %arg11[%iota3A, %broadcast_in_dim3A_1250, %and3A_125] : memref<16x32x128xf32, #tpu.memory_space<vmem>>[vector<16xi32>, vector<16xi32>, vector<16xi32>], vector<16xf32>,
      %mul3A_1252 = arith.mulf %gather3A_649, %gather3A_1251 : vector<16xf32>
      %add3A_1253 = arith.addf %add3A_1248, %mul3A_1252 : vector<16xf32>
      %broadcast_in_dim3A_1254 = arith.constant 21 : i32
      %broadcast_in_dim3A_1255 = vector.broadcast %broadcast_in_dim3A_1254 : i32 to vector<16xi32>
      %gather3A_1256 = tpu.vector_load_idx %arg11[%iota3A, %broadcast_in_dim3A_1255, %and3A_125] : memref<16x32x128xf32, #tpu.memory_space<vmem>>[vector<16xi32>, vector<16xi32>, vector<16xi32>], vector<16xf32>,
      %mul3A_1257 = arith.mulf %gather3A_652, %gather3A_1256 : vector<16xf32>
      %add3A_1258 = arith.addf %add3A_1253, %mul3A_1257 : vector<16xf32>
      %broadcast_in_dim3A_1259 = arith.constant 22 : i32
      %broadcast_in_dim3A_1260 = vector.broadcast %broadcast_in_dim3A_1259 : i32 to vector<16xi32>
      %gather3A_1261 = tpu.vector_load_idx %arg11[%iota3A, %broadcast_in_dim3A_1260, %and3A_125] : memref<16x32x128xf32, #tpu.memory_space<vmem>>[vector<16xi32>, vector<16xi32>, vector<16xi32>], vector<16xf32>,
      %mul3A_1262 = arith.mulf %gather3A_655, %gather3A_1261 : vector<16xf32>
      %add3A_1263 = arith.addf %add3A_1258, %mul3A_1262 : vector<16xf32>
      %broadcast_in_dim3A_1264 = arith.constant 23 : i32
      %broadcast_in_dim3A_1265 = vector.broadcast %broadcast_in_dim3A_1264 : i32 to vector<16xi32>
      %gather3A_1266 = tpu.vector_load_idx %arg11[%iota3A, %broadcast_in_dim3A_1265, %and3A_125] : memref<16x32x128xf32, #tpu.memory_space<vmem>>[vector<16xi32>, vector<16xi32>, vector<16xi32>], vector<16xf32>,
      %mul3A_1267 = arith.mulf %gather3A_658, %gather3A_1266 : vector<16xf32>
      %add3A_1268 = arith.addf %add3A_1263, %mul3A_1267 : vector<16xf32>
      %broadcast_in_dim3A_1269 = arith.constant 24 : i32
      %broadcast_in_dim3A_1270 = vector.broadcast %broadcast_in_dim3A_1269 : i32 to vector<16xi32>
      %gather3A_1271 = tpu.vector_load_idx %arg11[%iota3A, %broadcast_in_dim3A_1270, %and3A_125] : memref<16x32x128xf32, #tpu.memory_space<vmem>>[vector<16xi32>, vector<16xi32>, vector<16xi32>], vector<16xf32>,
      %mul3A_1272 = arith.mulf %gather3A_661, %gather3A_1271 : vector<16xf32>
      %add3A_1273 = arith.addf %add3A_1268, %mul3A_1272 : vector<16xf32>
      %broadcast_in_dim3A_1274 = arith.constant 25 : i32
      %broadcast_in_dim3A_1275 = vector.broadcast %broadcast_in_dim3A_1274 : i32 to vector<16xi32>
      %gather3A_1276 = tpu.vector_load_idx %arg11[%iota3A, %broadcast_in_dim3A_1275, %and3A_125] : memref<16x32x128xf32, #tpu.memory_space<vmem>>[vector<16xi32>, vector<16xi32>, vector<16xi32>], vector<16xf32>,
      %mul3A_1277 = arith.mulf %gather3A_664, %gather3A_1276 : vector<16xf32>
      %add3A_1278 = arith.addf %add3A_1273, %mul3A_1277 : vector<16xf32>
      %broadcast_in_dim3A_1279 = arith.constant 26 : i32
      %broadcast_in_dim3A_1280 = vector.broadcast %broadcast_in_dim3A_1279 : i32 to vector<16xi32>
      %gather3A_1281 = tpu.vector_load_idx %arg11[%iota3A, %broadcast_in_dim3A_1280, %and3A_125] : memref<16x32x128xf32, #tpu.memory_space<vmem>>[vector<16xi32>, vector<16xi32>, vector<16xi32>], vector<16xf32>,
      %mul3A_1282 = arith.mulf %gather3A_667, %gather3A_1281 : vector<16xf32>
      %add3A_1283 = arith.addf %add3A_1278, %mul3A_1282 : vector<16xf32>
      %broadcast_in_dim3A_1284 = arith.constant 27 : i32
      %broadcast_in_dim3A_1285 = vector.broadcast %broadcast_in_dim3A_1284 : i32 to vector<16xi32>
      %gather3A_1286 = tpu.vector_load_idx %arg11[%iota3A, %broadcast_in_dim3A_1285, %and3A_125] : memref<16x32x128xf32, #tpu.memory_space<vmem>>[vector<16xi32>, vector<16xi32>, vector<16xi32>], vector<16xf32>,
      %mul3A_1287 = arith.mulf %gather3A_670, %gather3A_1286 : vector<16xf32>
      %add3A_1288 = arith.addf %add3A_1283, %mul3A_1287 : vector<16xf32>
      %broadcast_in_dim3A_1289 = arith.constant 28 : i32
      %broadcast_in_dim3A_1290 = vector.broadcast %broadcast_in_dim3A_1289 : i32 to vector<16xi32>
      %gather3A_1291 = tpu.vector_load_idx %arg11[%iota3A, %broadcast_in_dim3A_1290, %and3A_125] : memref<16x32x128xf32, #tpu.memory_space<vmem>>[vector<16xi32>, vector<16xi32>, vector<16xi32>], vector<16xf32>,
      %mul3A_1292 = arith.mulf %gather3A_673, %gather3A_1291 : vector<16xf32>
      %add3A_1293 = arith.addf %add3A_1288, %mul3A_1292 : vector<16xf32>
      %broadcast_in_dim3A_1294 = arith.constant 29 : i32
      %broadcast_in_dim3A_1295 = vector.broadcast %broadcast_in_dim3A_1294 : i32 to vector<16xi32>
      %gather3A_1296 = tpu.vector_load_idx %arg11[%iota3A, %broadcast_in_dim3A_1295, %and3A_125] : memref<16x32x128xf32, #tpu.memory_space<vmem>>[vector<16xi32>, vector<16xi32>, vector<16xi32>], vector<16xf32>,
      %mul3A_1297 = arith.mulf %gather3A_676, %gather3A_1296 : vector<16xf32>
      %add3A_1298 = arith.addf %add3A_1293, %mul3A_1297 : vector<16xf32>
      %broadcast_in_dim3A_1299 = arith.constant 30 : i32
      %broadcast_in_dim3A_1300 = vector.broadcast %broadcast_in_dim3A_1299 : i32 to vector<16xi32>
      %gather3A_1301 = tpu.vector_load_idx %arg11[%iota3A, %broadcast_in_dim3A_1300, %and3A_125] : memref<16x32x128xf32, #tpu.memory_space<vmem>>[vector<16xi32>, vector<16xi32>, vector<16xi32>], vector<16xf32>,
      %mul3A_1302 = arith.mulf %gather3A_679, %gather3A_1301 : vector<16xf32>
      %add3A_1303 = arith.addf %add3A_1298, %mul3A_1302 : vector<16xf32>
      %broadcast_in_dim3A_1304 = arith.constant 31 : i32
      %broadcast_in_dim3A_1305 = vector.broadcast %broadcast_in_dim3A_1304 : i32 to vector<16xi32>
      %gather3A_1306 = tpu.vector_load_idx %arg11[%iota3A, %broadcast_in_dim3A_1305, %and3A_125] : memref<16x32x128xf32, #tpu.memory_space<vmem>>[vector<16xi32>, vector<16xi32>, vector<16xi32>], vector<16xf32>,
      %mul3A_1307 = arith.mulf %gather3A_682, %gather3A_1306 : vector<16xf32>
      %add3A_1308 = arith.addf %add3A_1303, %mul3A_1307 : vector<16xf32>
      %swap3A = arith.index_cast %multiple_of3A : i32 to index
      %swap3A_1309 = tpu.vector_load %arg14[%swap3A] {strides = array<i32>} : memref<512xf32, #tpu.memory_space<vmem>>, vector<16xf32>,
      tpu.vector_store %arg14[%swap3A], %add3A_1308 {strides = array<i32>} : memref<512xf32, #tpu.memory_space<vmem>>, vector<16xf32>,
    }
    %scan3A_55 = arith.constant 32 : i32
    %dma_wait3A = arith.constant 0 : i32
    %dma_wait3A_56 = tpu.memref_slice %arg12[%dma_wait3A] : memref<512xf32, #tpu.memory_space<vmem>> -> memref<128xf32, #tpu.memory_space<vmem>>
    %dma_wait3A_57 = arith.constant 0 : i32
    %dma_wait3A_58 = tpu.memref_slice %arg9[%dma_wait3A_57] : memref<512xi32, #tpu.memory_space<vmem>> -> memref<128xi32, #tpu.memory_space<vmem>>
    %dma_wait3A_59 = arith.constant 0 : i32
    %dma_wait3A_60 = tpu.memref_slice %arg6[%dma_wait3A_59] : memref<1000000xf32, #tpu.memory_space<hbm>> -> memref<1000000xf32, #tpu.memory_space<hbm>>
    tpu.wait_indirect_dma semaphore(%arg16 : memref<!tpu.dma_semaphore, #tpu.memory_space<semaphore_mem>>) src(%dma_wait3A_60 : memref<1000000xf32, #tpu.memory_space<hbm>>) dst(%dma_wait3A_56 : memref<128xf32, #tpu.memory_space<vmem>>)
    %dma_wait3A_61 = arith.constant 0 : i32
    %dma_wait3A_62 = tpu.memref_slice %arg13[%dma_wait3A_61] : memref<512xf32, #tpu.memory_space<vmem>> -> memref<128xf32, #tpu.memory_space<vmem>>
    %dma_wait3A_63 = arith.constant 0 : i32
    %dma_wait3A_64 = tpu.memref_slice %arg10[%dma_wait3A_63] : memref<512xi32, #tpu.memory_space<vmem>> -> memref<128xi32, #tpu.memory_space<vmem>>
    %dma_wait3A_65 = arith.constant 0 : i32
    %dma_wait3A_66 = tpu.memref_slice %arg7[%dma_wait3A_65] : memref<1000000xf32, #tpu.memory_space<hbm>> -> memref<1000000xf32, #tpu.memory_space<hbm>>
    tpu.wait_indirect_dma semaphore(%arg16 : memref<!tpu.dma_semaphore, #tpu.memory_space<semaphore_mem>>) src(%dma_wait3A_66 : memref<1000000xf32, #tpu.memory_space<hbm>>) dst(%dma_wait3A_62 : memref<128xf32, #tpu.memory_space<vmem>>)
    %dma_wait3A_67 = arith.constant 128 : i32
    %dma_wait3A_68 = tpu.memref_slice %arg12[%dma_wait3A_67] : memref<512xf32, #tpu.memory_space<vmem>> -> memref<128xf32, #tpu.memory_space<vmem>>
    %dma_wait3A_69 = arith.constant 128 : i32
    %dma_wait3A_70 = tpu.memref_slice %arg9[%dma_wait3A_69] : memref<512xi32, #tpu.memory_space<vmem>> -> memref<128xi32, #tpu.memory_space<vmem>>
    %dma_wait3A_71 = arith.constant 0 : i32
    %dma_wait3A_72 = tpu.memref_slice %arg6[%dma_wait3A_71] : memref<1000000xf32, #tpu.memory_space<hbm>> -> memref<1000000xf32, #tpu.memory_space<hbm>>
    tpu.wait_indirect_dma semaphore(%arg16 : memref<!tpu.dma_semaphore, #tpu.memory_space<semaphore_mem>>) src(%dma_wait3A_72 : memref<1000000xf32, #tpu.memory_space<hbm>>) dst(%dma_wait3A_68 : memref<128xf32, #tpu.memory_space<vmem>>)
    %dma_wait3A_73 = arith.constant 128 : i32
    %dma_wait3A_74 = tpu.memref_slice %arg13[%dma_wait3A_73] : memref<512xf32, #tpu.memory_space<vmem>> -> memref<128xf32, #tpu.memory_space<vmem>>
    %dma_wait3A_75 = arith.constant 128 : i32
    %dma_wait3A_76 = tpu.memref_slice %arg10[%dma_wait3A_75] : memref<512xi32, #tpu.memory_space<vmem>> -> memref<128xi32, #tpu.memory_space<vmem>>
    %dma_wait3A_77 = arith.constant 0 : i32
    %dma_wait3A_78 = tpu.memref_slice %arg7[%dma_wait3A_77] : memref<1000000xf32, #tpu.memory_space<hbm>> -> memref<1000000xf32, #tpu.memory_space<hbm>>
    tpu.wait_indirect_dma semaphore(%arg16 : memref<!tpu.dma_semaphore, #tpu.memory_space<semaphore_mem>>) src(%dma_wait3A_78 : memref<1000000xf32, #tpu.memory_space<hbm>>) dst(%dma_wait3A_74 : memref<128xf32, #tpu.memory_space<vmem>>)
    %dma_wait3A_79 = arith.constant 256 : i32
    %dma_wait3A_80 = tpu.memref_slice %arg12[%dma_wait3A_79] : memref<512xf32, #tpu.memory_space<vmem>> -> memref<128xf32, #tpu.memory_space<vmem>>
    %dma_wait3A_81 = arith.constant 256 : i32
    %dma_wait3A_82 = tpu.memref_slice %arg9[%dma_wait3A_81] : memref<512xi32, #tpu.memory_space<vmem>> -> memref<128xi32, #tpu.memory_space<vmem>>
    %dma_wait3A_83 = arith.constant 0 : i32
    %dma_wait3A_84 = tpu.memref_slice %arg6[%dma_wait3A_83] : memref<1000000xf32, #tpu.memory_space<hbm>> -> memref<1000000xf32, #tpu.memory_space<hbm>>
    tpu.wait_indirect_dma semaphore(%arg16 : memref<!tpu.dma_semaphore, #tpu.memory_space<semaphore_mem>>) src(%dma_wait3A_84 : memref<1000000xf32, #tpu.memory_space<hbm>>) dst(%dma_wait3A_80 : memref<128xf32, #tpu.memory_space<vmem>>)
    %dma_wait3A_85 = arith.constant 256 : i32
    %dma_wait3A_86 = tpu.memref_slice %arg13[%dma_wait3A_85] : memref<512xf32, #tpu.memory_space<vmem>> -> memref<128xf32, #tpu.memory_space<vmem>>
    %dma_wait3A_87 = arith.constant 256 : i32
    %dma_wait3A_88 = tpu.memref_slice %arg10[%dma_wait3A_87] : memref<512xi32, #tpu.memory_space<vmem>> -> memref<128xi32, #tpu.memory_space<vmem>>
    %dma_wait3A_89 = arith.constant 0 : i32
    %dma_wait3A_90 = tpu.memref_slice %arg7[%dma_wait3A_89] : memref<1000000xf32, #tpu.memory_space<hbm>> -> memref<1000000xf32, #tpu.memory_space<hbm>>
    tpu.wait_indirect_dma semaphore(%arg16 : memref<!tpu.dma_semaphore, #tpu.memory_space<semaphore_mem>>) src(%dma_wait3A_90 : memref<1000000xf32, #tpu.memory_space<hbm>>) dst(%dma_wait3A_86 : memref<128xf32, #tpu.memory_space<vmem>>)
    %dma_wait3A_91 = arith.constant 384 : i32
    %dma_wait3A_92 = tpu.memref_slice %arg12[%dma_wait3A_91] : memref<512xf32, #tpu.memory_space<vmem>> -> memref<128xf32, #tpu.memory_space<vmem>>
    %dma_wait3A_93 = arith.constant 384 : i32
    %dma_wait3A_94 = tpu.memref_slice %arg9[%dma_wait3A_93] : memref<512xi32, #tpu.memory_space<vmem>> -> memref<128xi32, #tpu.memory_space<vmem>>
    %dma_wait3A_95 = arith.constant 0 : i32
    %dma_wait3A_96 = tpu.memref_slice %arg6[%dma_wait3A_95] : memref<1000000xf32, #tpu.memory_space<hbm>> -> memref<1000000xf32, #tpu.memory_space<hbm>>
    tpu.wait_indirect_dma semaphore(%arg16 : memref<!tpu.dma_semaphore, #tpu.memory_space<semaphore_mem>>) src(%dma_wait3A_96 : memref<1000000xf32, #tpu.memory_space<hbm>>) dst(%dma_wait3A_92 : memref<128xf32, #tpu.memory_space<vmem>>)
    %dma_wait3A_97 = arith.constant 384 : i32
    %dma_wait3A_98 = tpu.memref_slice %arg13[%dma_wait3A_97] : memref<512xf32, #tpu.memory_space<vmem>> -> memref<128xf32, #tpu.memory_space<vmem>>
    %dma_wait3A_99 = arith.constant 384 : i32
    %dma_wait3A_100 = tpu.memref_slice %arg10[%dma_wait3A_99] : memref<512xi32, #tpu.memory_space<vmem>> -> memref<128xi32, #tpu.memory_space<vmem>>
    %dma_wait3A_101 = arith.constant 0 : i32
    %dma_wait3A_102 = tpu.memref_slice %arg7[%dma_wait3A_101] : memref<1000000xf32, #tpu.memory_space<hbm>> -> memref<1000000xf32, #tpu.memory_space<hbm>>
    tpu.wait_indirect_dma semaphore(%arg16 : memref<!tpu.dma_semaphore, #tpu.memory_space<semaphore_mem>>) src(%dma_wait3A_102 : memref<1000000xf32, #tpu.memory_space<hbm>>) dst(%dma_wait3A_98 : memref<128xf32, #tpu.memory_space<vmem>>)
    %scan3A_103 = arith.constant 0 : i32
    %scan3A_104 = arith.constant 0 : i32
    %scan3A_105 = arith.constant 32 : i32
    %scan3A_106 = arith.addi %scan3A_104, %scan3A_105 : i32
    %scan3A_107 = arith.constant 1 : i32
    scf.for %scan3A_109 = %scan3A_104 to %scan3A_106 step %scan3A_107  : i32 {
      %mul3A_110 = arith.constant 16 : i32
      %mul3A_111 = arith.muli %scan3A_109, %mul3A_110 : i32
      %multiple_of3A = tpu.assume_multiple %mul3A_111, 16 : i32
      %get3A = arith.index_cast %multiple_of3A : i32 to index
      %get3A_112 = tpu.vector_load %arg14[%get3A] {strides = array<i32>} : memref<512xf32, #tpu.memory_space<vmem>>, vector<16xf32>,
      %get3A_113 = arith.index_cast %multiple_of3A : i32 to index
      %get3A_114 = tpu.vector_load %arg12[%get3A_113] {strides = array<i32>} : memref<512xf32, #tpu.memory_space<vmem>>, vector<16xf32>,
      %add3A_115 = arith.addf %get3A_112, %get3A_114 : vector<16xf32>
      %get3A_116 = arith.index_cast %multiple_of3A : i32 to index
      %get3A_117 = tpu.vector_load %arg13[%get3A_116] {strides = array<i32>} : memref<512xf32, #tpu.memory_space<vmem>>, vector<16xf32>,
      %add3A_118 = arith.addf %add3A_115, %get3A_117 : vector<16xf32>
      %swap3A = arith.index_cast %multiple_of3A : i32 to index
      %swap3A_119 = tpu.vector_load %arg14[%swap3A] {strides = array<i32>} : memref<512xf32, #tpu.memory_space<vmem>>, vector<16xf32>,
      tpu.vector_store %arg14[%swap3A], %add3A_118 {strides = array<i32>} : memref<512xf32, #tpu.memory_space<vmem>>, vector<16xf32>,
    }
    %scan3A_108 = arith.constant 32 : i32
    "tpu.region"() ({
      %run_scoped3A = tpu.sem_alloc : memref<!tpu.dma_semaphore, #tpu.memory_space<semaphore_mem>>
      %dma_start3A_109 = tpu.memref_slice %arg8[%mul3A_2] : memref<16384xf32, #tpu.memory_space<hbm>> -> memref<512xf32, #tpu.memory_space<hbm>>
      %dma_start3A_110 = tpu.memref_slice %arg8[%mul3A_2] : memref<16384xf32, #tpu.memory_space<hbm>> -> memref<512xf32, #tpu.memory_space<hbm>>
      tpu.enqueue_dma source(%arg14 : memref<512xf32, #tpu.memory_space<vmem>>) target(%dma_start3A_110 : memref<512xf32, #tpu.memory_space<hbm>>) target_semaphore(%run_scoped3A : memref<!tpu.dma_semaphore, #tpu.memory_space<semaphore_mem>>)
      %dma_wait3A_111 = tpu.memref_slice %arg8[%mul3A_2] : memref<16384xf32, #tpu.memory_space<hbm>> -> memref<512xf32, #tpu.memory_space<hbm>>
      %dma_wait3A_112 = tpu.memref_slice %arg8[%mul3A_2] : memref<16384xf32, #tpu.memory_space<hbm>> -> memref<512xf32, #tpu.memory_space<hbm>>
      tpu.wait_dma2 semaphore(%run_scoped3A : memref<!tpu.dma_semaphore, #tpu.memory_space<semaphore_mem>>) src(%arg14 : memref<512xf32, #tpu.memory_space<vmem>>) dst(%dma_wait3A_112 : memref<512xf32, #tpu.memory_space<hbm>>)
      tpu.yield
    }) : () -> ()
    return
  }
}

</mosaic_0001>

<sc_bundles>
// kernel: kernel.3.cloned.1.call-start
scs
__scs_entry_jumppad:
0x0: {  	(pc) =	sbr.rel $0x88, $3  }
0x1: {  	(tag) =	ssettag $0x0;
	lr =	simm.s32 $0x1  }
0x2: {  	[smem:$0x3F9B] =	sst lr;
	_ =	strace $0xD0000000  }
0x3: {  	_ = 	snop  }
0x4: {  	_ = 	snop  }
0x5: {  	_ = 	snop  }
0x6: {  	_ = 	snop  }
0x7: {  	_ = 	snop  }
__scs_overlays_trampoline_lowered:
0x8: {  	[smem:$0x3FAA] =	sst s0  }
0x9: {  	[smem:$0x3FAB] =	sst s1  }
0xa: {  	[smem:$0x3FAC] =	sst s2  }
0xb: {  	[smem:$0x3FAD] =	sst s3  }
0xc: {  	[smem:$0x3FAE] =	sst s4  }
0xd: {  	[smem:$0x3FAF] =	sst s5  }
0xe: {  	[smem:$0x3FB0] =	sst s6  }
0xf: {  	[smem:$0x3FB1] =	sst s7  }
0x10: {  	[smem:$0x3FB2] =	sst s8  }
0x11: {  	[smem:$0x3FB3] =	sst s9;
	s0 =	simm.s32 @!p0 $0x0  }
0x12: {  	s1 =	sld [smem:$0x3F99];
	s0 =	simm.s32 @p0 $0x1  }
0x13: {  	[smem:$0x3FB4] =	sst s0;
	s0 =	simm.s32 @!p1 $0x0  }
0x14: {  	s2 =	sld [smem:$0x3F98];
	s0 =	simm.s32 @p1 $0x1  }
0x15: {  	[smem:$0x3FB5] =	sst s0;
	s0 =	simm.s32 @!p2 $0x0  }
0x16: {  	s3 =	sld [smem:$0x3FDB];
	s0 =	simm.s32 @p2 $0x1  }
0x17: {  	s4 =	simm.s32 $0x1BF5;
	[smem:$0x3FB7] =	sst s0  }
0x18: {  	s0 =	sld [smem:$0x3F9A];
	_ =	swait.ge [sflag:s4], $0x0  }
0x19: {  	s7 =	sld [smem:$0x3F9B]  }
0x1a: {  	s8 =	sadd.s32 $0xFFFFE003, lr  }
0x1b: {  	s9 =	sadd.s32 $0xFFFFFEF7, lr;
	s5 =	simm.s32 $0xFFFFFFFF;
	p2 =	slt.u32 s8, $0xFFFFF086  }
0x1c: {  	p1 =	slt.u32 s9, $0xF7A;
	s5 =	simm.s32 @!p2 $0x0  }
0x1d: {  	s5 =	simm.s32 @p1 $0x1;
	p0 =	seq.s32 s7, s2  }
0x1e: {  	s7 =	smul.u32 @!p0 $0xF7A, s2;
	p2 =	seq.s32 @!p0 s5, $0x0  }
0x1f: {  	s9 =	smul.u32 $0xF7A, s1;
	s8 =	simm.s32 @!p0 $0x1BF5;
	p2 =	por !p2, p0  }
0x20: {  	[sflag:s8] =	ssyncset.s32 @!p0 $0xFFFFF086;
	s6 =	sadd.s32 @!p0 s3, s7;
	s7 =	simm.s32 @!p0 $0x108  }
0x21: {  	s3 =	sadd.s32 s3, s9;
	s6 =	sadd.s32 @!p0 $0x88, s6;
	s7 =	simm.s32 @p2 $0x1082  }
0x22: {  	[simem:s7], [sflag:s8] =	dma.local @!p0 [hbm:s6], $0xF7A  }
0x23: {  	s9 =	sor.u32 $0xD0000000, s2;
	s6 =	simm.s32 $0x108;
	_ =	swait.ge @!p0 [sflag:s8], $0x0  }
0x24: {  	s3 =	sadd.s32 $0x88, s3;
	s6 =	simm.s32 @!p1 $0x1082;
	[sflag:s4] =	ssyncset.s32 $0xFFFFF086  }
0x25: {  	[simem:s6], [sflag:s4] =	dma.local [hbm:s3], $0xF7A  }
0x26: {  	[smem:$0x3F9B] =	sst s1;
	(tag) =	ssettag s2;
	_ =	strace s9  }
0x27: {  	s1 =	sld [smem:$0x3FAB]  }
0x28: {  	s2 =	sld [smem:$0x3FAC]  }
0x29: {  	s4 =	sld [smem:$0x3FAE]  }
0x2a: {  	p0 =	seq.s32 s5, $0x0;
	s5 =	sld [smem:$0x3FAF]  }
0x2b: {  	s6 =	sld [smem:$0x3FB0]  }
0x2c: {  	s7 =	sld [smem:$0x3FB1]  }
0x2d: {  	s3 =	simm.s32 $0x108;
	s8 =	sld [smem:$0x3FB2]  }
0x2e: {  	s3 =	simm.s32 @!p0 $0x1082;
	s9 =	sld [smem:$0x3FB3]  }
0x2f: {  	lr =	sadd.s32 s0, s3;
	s0 =	sld [smem:$0x3FAA]  }
0x30: {  	s3 =	sld [smem:$0x3FAD]  }
0x31: {  	[smem:$0x3FB6] =	sst s10  }
0x32: {  	s10 =	sld [smem:$0x3FB4];
	_ =	sdelay $0x3  }
0x33: {  	p0 =	seq.s32 s10, $0x1;
	s10 =	sld [smem:$0x3FB6];
	_ =	sdelay $0x3  }
0x34: {  	[smem:$0x3FB6] =	sst s10  }
0x35: {  	s10 =	sld [smem:$0x3FB5];
	_ =	sdelay $0x3  }
0x36: {  	p1 =	seq.s32 s10, $0x1;
	s10 =	sld [smem:$0x3FB6];
	_ =	sdelay $0x3  }
0x37: {  	[smem:$0x3FB6] =	sst s10  }
0x38: {  	s10 =	sld [smem:$0x3FB7]  }
0x39: {  	_ = 	snop;
	(pc) =	sbr.ind lr, $3  }
0x3a: {  	_ = 	snop  }
0x3b: {  	_ = 	snop  }
0x3c: {  	p2 =	seq.s32 s10, $0x1;
	s10 =	sld [smem:$0x3FB6]  }
0x3d: {  	_ =	shalt  }
0x3e: {  	_ =	shalt  }
0x3f: {  	_ =	shalt  }
0x40: {  	_ =	shalt  }
0x41: {  	_ =	shalt  }
0x42: {  	_ =	shalt  }
0x43: {  	_ =	shalt  }
0x44: {  	_ =	shalt  }
0x45: {  	_ =	shalt  }
0x46: {  	_ =	shalt  }
0x47: {  	_ =	shalt  }
0x48: {  	_ =	shalt  }
0x49: {  	_ =	shalt  }
0x4a: {  	_ =	shalt  }
0x4b: {  	_ =	shalt  }
0x4c: {  	_ =	shalt  }
0x4d: {  	_ =	shalt  }
0x4e: {  	_ =	shalt  }
0x4f: {  	_ =	shalt  }
0x50: {  	_ =	shalt  }
0x51: {  	_ =	shalt  }
0x52: {  	_ =	shalt  }
0x53: {  	_ =	shalt  }
0x54: {  	_ =	shalt  }
0x55: {  	_ =	shalt  }
0x56: {  	_ =	shalt  }
0x57: {  	_ =	shalt  }
0x58: {  	_ =	shalt  }
0x59: {  	_ =	shalt  }
0x5a: {  	_ =	shalt  }
0x5b: {  	_ =	shalt  }
0x5c: {  	_ =	shalt  }
0x5d: {  	_ =	shalt  }
0x5e: {  	_ =	shalt  }
0x5f: {  	_ =	shalt  }
0x60: {  	_ =	shalt  }
0x61: {  	_ =	shalt  }
0x62: {  	_ =	shalt  }
0x63: {  	_ =	shalt  }
0x64: {  	_ =	shalt  }
0x65: {  	_ =	shalt  }
0x66: {  	_ =	shalt  }
0x67: {  	_ =	shalt  }
0x68: {  	_ =	shalt  }
0x69: {  	_ =	shalt  }
0x6a: {  	_ =	shalt  }
0x6b: {  	_ =	shalt  }
0x6c: {  	_ =	shalt  }
0x6d: {  	_ =	shalt  }
0x6e: {  	_ =	shalt  }
0x6f: {  	_ =	shalt  }
0x70: {  	_ =	shalt  }
0x71: {  	_ =	shalt  }
0x72: {  	_ =	shalt  }
0x73: {  	_ =	shalt  }
0x74: {  	_ =	shalt  }
0x75: {  	_ =	shalt  }
0x76: {  	_ =	shalt  }
0x77: {  	_ =	shalt  }
0x78: {  	_ =	shalt  }
0x79: {  	_ =	shalt  }
0x7a: {  	_ =	shalt  }
0x7b: {  	_ =	shalt  }
0x7c: {  	_ =	shalt  }
0x7d: {  	_ =	shalt  }
0x7e: {  	_ =	shalt  }
0x7f: {  	_ =	shalt  }
0x80: {  	_ =	shalt  }
0x81: {  	_ =	shalt  }
0x82: {  	_ =	shalt  }
0x83: {  	_ =	shalt  }
0x84: {  	_ =	shalt  }
0x85: {  	_ =	shalt  }
0x86: {  	_ =	shalt  }
0x87: {  	_ =	shalt  }
.Lfunc_end0:
.L_simem_size_0:
called_computation_lowered:
.L_overlay_start_0:
0x88: {  	s2 =	sld [smem:$0x3FD9]  }
0x89: {  	s3 =	sld [smem:$0x3FFE];
	_ =	sdelay $0x1  }
0x8a: {  	s1 =	srdreg.scid  }
0x8b: {  	s0 =	sand.u32 $0x1, s1  }
0x8c: {  	s17 =	sshll.u32 s0, $0xA;
	s2 =	sadd.s32 s3, s2  }
0x8d: {  	s2 =	sadd.s32 s2, s17  }
0x8e: {  	[smem:$0x3FC2] =	sst s2  }
0x8f: {  	_ = 	snop  }
0x90: {  	s2 =	sld [smem:$0x3FC9]  }
0x91: {  	s18 =	sld [smem:$0x3FC8]  }
0x92: {  	s4 =	sld [smem:$0x3FC7]  }
0x93: {  	s5 =	sld [smem:$0x3FC6]  }
0x94: {  	s6 =	sld [smem:$0x3FD0];
	(tm) =	ssettm $0x1  }
0x95: {  	s7 =	sld [smem:$0x3FFB];
	_ =	sdelay $0x3  }
0x96: {  	_ =	strace s7  }
0x97: {  	s7 =	sld [smem:$0x3FFC];
	_ =	sdelay $0x3  }
0x98: {  	_ =	strace s7  }
0x99: {  	s7 =	sld [smem:$0x3FFD];
	_ =	sdelay $0x3  }
0x9a: {  	_ =	strace s7  }
0x9b: {  	_ =	strace $0x8FFFFFFF  }
0x9c: {  	s19 =	sld [smem:$0x3FDB];
	_ =	sdelay $0x1  }
0x9d: {  	s8 =	simm.s32 $_scs_section_size  }
0x9e: {  	s9 =	simm.s32 $_size__tile_overlayer_lowered;
	s10 =	simm.s32 $_tile_overlayer_lowered  }
0x9f: {  	s22 =	simm.s32 $0x1BFF;
	s21 =	sshll.u32 s10, $0x1;
	s7 =	sadd.s32 s8, s19  }
0xa0: {  	s11 =	simm.s32 $0x0;
	s20 =	sshll.u32 s9, $0x1;
	s9 =	sadd.s32 s21, s7  }
0xa1: {  	[timem:s11], [sflag:s22] =	dma.local [hbm:s9], s20  }
0xa2: {  	_ =	swait.ge [sflag:s22], s20  }
0xa3: {  	s8 =	ssub.s32 $0x0, s20;
	[sflag:s22] =	ssyncset.done $0x0  }
0xa4: {  	[sflag:s22] =	ssyncadd.s32 s8;
	_ =	sdelay $0x1  }
0xa5: {  	s23 =	simm.s32 $0x1B8B  }
0xa6: {  	_ =	swait.ge [sflag:s23], $0x1  }
0xa7: {  	[sflag:s23] =	ssyncset.done $0x0  }
0xa8: {  	s25 =	simm.s32 $0x1B8E;
	s24 =	sld [smem:$0x3FFE];
	[sflag:s23] =	ssyncadd.s32 $0xFFFFFFFF  }
0xa9: {  	s26 =	simm.s32 $execute0_lowered;
	[smem:$0x3FD2] =	sst s25  }
0xaa: {  	s9 =	sshll.u32 s26, $0x1;
	_ =	strace $0x80000046;
	[dreg:$0x1] =	wrdreg $0xFFFFFFFF  }
0xab: {  	s28 =	simm.s32 $_size_execute0_lowered;
	s7 =	sadd.s32 s7, s9;
	[dreg:$0x0] =	wrdreg $0x0  }
0xac: {  	s9 =	sshll.u32 s28, $0x1;
	[dreg:$0x2] =	wrdreg s7  }
0xad: {  	[dreg:$0x3] =	wrdreg s9  }
0xae: {  	[dreg:$0x4] =	wrdreg $0xC0  }
0xaf: {  	_ =	task [dreg:s11], $0x5FFFF  }
0xb0: {  	[dreg:$0x1] =	wrdreg $0xFFFFFFFF  }
0xb1: {  	[dreg:$0x0] =	wrdreg $0x60  }
0xb2: {  	[dreg:$0x2] =	wrdreg s2  }
0xb3: {  	[dreg:$0x3] =	wrdreg s18  }
0xb4: {  	[dreg:$0x4] =	wrdreg s4  }
0xb5: {  	[dreg:$0x5] =	wrdreg s5  }
0xb6: {  	[dreg:$0x6] =	wrdreg s24  }
0xb7: {  	[dreg:$0x7] =	wrdreg s6  }
0xb8: {  	[dreg:$0x8] =	wrdreg $0x9  }
0xb9: {  	_ =	task.clear_ibuf [dreg:s11], $0x9FFFF;
	_ =	strace $0x90000046  }
0xba: {  	s29 =	simm.s32 $0x9;
	_ =	strace $0x80000048  }
0xbb: {  	_ =	swait.ge [sflag:s29], $0x1  }
0xbc: {  	[sflag:s29] =	ssyncadd.s32 $0xFFFFFFFF  }
0xbd: {  	_ =	strace $0x90000048  }
0xbe: {  	_ =	sfence  }
0xbf: {  	s30 =	sld [smem:$0x0];
	_ =	sdelay $0x2  }
0xc0: {  	s31 =	sshll.u32 s1, $0xD;
	s1 =	sshrl.u32 s1, $0x2  }
0xc1: {  	s3 =	sand.u32 $0x4000, s31;
	s1 =	sadd.s32 s1, s30  }
0xc2: {  	s0 =	sor.u32 s3, s0;
	s1 =	sshll.u32 s1, $0x11  }
0xc3: {  	s0 =	sor.u32 s1, s0  }
0xc4: {  	s0 =	sadd.s32 $0x8F2B, s0  }
0xc5: {  	[sflag:s0] =	ssyncadd.remote.s32 $0x1  }
0xc6: {  	_ =	sfence.sel $0xFFFF  }
0xc7: {  	[dreg:$0x0] =	wrdreg $0xFFFFFFFF;
	(pc) =	sbr.abs _section_cstart, $3  }
0xc8: {  	[dreg:$0x1] =	wrdreg $0xFFFFFFFF  }
0xc9: {  	_ =	task.clear_ibuf [dreg:s11], $0x2FFFF;
	_ =	strace $0x9FFFFFFF  }
0xca: {  	(tm) =	ssettm $0x7FFFFFFF  }
0xcb: {  	_ =	shalt  }
tec
execute0_lowered:
.L_overlay_start_1:
0x0: {  	(tag) =	ssettag $0x1  }
0x1: {  	s0 =	rddreg [dreg:$0x0]  }
0x2: {  	s2 =	rddreg [dreg:$0x1]  }
0x3: {  	s1 =	rddreg [dreg:$0x2]  }
0x4: {  	s26 =	rddreg [dreg:$0x3]  }
0x5: {  	s7 =	rddreg [dreg:$0x5];
	s3 =	simm.s32 $0x0  }
0x6: {  	s4 =	srdreg.scid;
	s6 =	stileid.u32;
	v0 =	vlaneseq.u32;
	s11 =	simm.s32 $0x80  }
0x7: {  	s24 =	simm.s32 $0x7A1400;
	s28 =	simm.s32 $0x1400;
	s29 =	simm.s32 $0x2400;
	v4 =	vmul.u32 $0x1000, v0  }
0x8: {  	s30 =	simm.s32 $0x3400;
	s31 =	simm.s32 $0x4400;
	s12 =	simm.s32 $0x7400  }
0x9: {  	s13 =	simm.s32 $0x8400;
	s14 =	simm.s32 $0x9400;
	s15 =	simm.s32 $0xA400;
	v5 =	vor.u32 $0x80, v4  }
0xa: {  	s16 =	simm.s32 $0xB400;
	s17 =	simm.s32 $0xC400;
	[dreg:$0x7] =	wrdreg s1;
	v6 =	vor.u32 $0x100, v4;
	v30 =	vor.u32 $0x180, v4;
	v3 =	vor.u32 $0x200, v4  }
0xb: {  	s18 =	simm.s32 $0xD400;
	s19 =	simm.s32 $0xE400;
	[dreg:$0x8] =	wrdreg s26;
	v8 =	vor.u32 $0x280, v4;
	v9 =	vor.u32 $0x300, v4;
	v10 =	vor.u32 $0x380, v4  }
0xc: {  	s20 =	simm.s32 $0xF400;
	s21 =	simm.s32 $0x1;
	s1 =	rddreg [dreg:$0x4];
	v11 =	vor.u32 $0x400, v4;
	v12 =	vor.u32 $0x480, v4;
	v13 =	vor.u32 $0x500, v4  }
0xd: {  	s22 =	simm.s32 $0x2;
	s25 =	simm.s32 $0x0;
	[smem:$0x7FF] =	sst s3;
	v14 =	vor.u32 $0x580, v4;
	v15 =	vor.u32 $0x600, v4;
	v16 =	vor.u32 $0x680, v4  }
0xe: {  	s4 =	sand.u32 $0x1, s4;
	s6 =	sshll.u32 s6, $0x7;
	s26 =	simm.s32 $0x400;
	v17 =	vor.u32 $0x700, v4;
	v18 =	vor.u32 $0x780, v4;
	v19 =	vor.u32 $0x800, v4  }
0xf: {  	_ =	strace $0x80000047;
	s5 =	ssub.s32 $0x2, s4;
	s8 =	sshll.u32 s4, $0x6;
	v20 =	vor.u32 $0x880, v4;
	v21 =	vor.u32 $0x900, v4;
	v22 =	vor.u32 $0x980, v4  }
0x10: {  	s4 =	sadd.s32 $0x1EA00, s1;
	s9 =	sshrl.u32 s5, $0x1;
	s8 =	sor.u32 s8, s6;
	v23 =	vor.u32 $0xA00, v4;
	v24 =	vor.u32 $0xA80, v4;
	v25 =	vor.u32 $0xB00, v4  }
0x11: {  	v26 =	vor.u32 $0xB80, v4;
	v27 =	vor.u32 $0xC00, v4;
	v28 =	vor.u32 $0xC80, v4;
	s9 =	ssub.s32 s5, s9;
	s0 =	sadd.s32 s0, s8;
	s6 =	sadd.s32 s2, s8  }
0x12: {  	v29 =	vor.u32 $0xD00, v4;
	v7 =	vor.u32 $0xD80, v4;
	v44 =	vor.u32 $0xE00, v4;
	s7 =	sadd.s32 s7, s8;
	s2 =	simm.s32 $0x6400;
	[dreg:$0x9] =	wrdreg s0  }
0x13: {  	v40 =	vor.u32 $0xE80, v4;
	v42 =	vor.u32 $0xF00, v4;
	v41 =	vor.u32 $0xF80, v4;
	s8 =	smax.u32 s9, $0x1;
	s9 =	simm.s32 $0x3;
	s0 =	simm.s32 $0x5400  }
.LBB2_1:
0x14: {  	s5 =	rddreg [dreg:$0x9]  }
0x15: {  	[tilespmem:s3], [sflag:$0x3] =	stream.linear.gather [hbm4b:s5+s3], $0x200, $0x38;
	[tilespmem:$0x10A00] =	vst v63  }
0x16: {  	_ =	swait.ge [sflag:s9], $0x200  }
0x17: {  	[sflag:s9] =	ssyncset.done $0x0  }
0x18: {  	s5 =	simm.s32 $0x200;
	[sflag:s9] =	ssyncadd.s32 $0xFFFFFE00  }
0x19: {  	[tilespmem:s5], [sflag:$0x3] =	stream.linear.gather [hbm4b:s6+s3], $0x200, $0x38;
	[tilespmem:$0x10A00] =	vst v63  }
0x1a: {  	_ =	swait.ge [sflag:s9], $0x200  }
0x1b: {  	[sflag:s9] =	ssyncset.done $0x0  }
0x1c: {  	s10 =	simm.s32 $0x10400;
	[sflag:s9] =	ssyncadd.s32 $0xFFFFFE00  }
0x1d: {  	[tilespmem:s10], [sflag:$0x2] =	stream.indirect.gather [hbm4b:s1+s11], $0x1, s3, s11, $0xb8;
	[tilespmem:$0x10A00] =	vst v63  }
0x1e: {  	s23 =	simm.s32 $0x10600  }
0x1f: {  	[tilespmem:s23], [sflag:$0x2] =	stream.indirect.gather [hbm4b:s4+s11], $0x1, s5, s11, $0xb8;
	[tilespmem:$0x10A00] =	vst v63  }
0x20: {  	s23 =	simm.s32 $0x10480  }
0x21: {  	[tilespmem:s23], [sflag:$0x2] =	stream.indirect.gather [hbm4b:s1+s11], $0x1, s11, s11, $0xb8;
	[tilespmem:$0x10A00] =	vst v63  }
0x22: {  	s10 =	simm.s32 $0x280;
	s23 =	simm.s32 $0x10680  }
0x23: {  	[tilespmem:s23], [sflag:$0x2] =	stream.indirect.gather [hbm4b:s4+s11], $0x1, s10, s11, $0xb8;
	[tilespmem:$0x10A00] =	vst v63  }
0x24: {  	s10 =	simm.s32 $0x10500;
	s23 =	simm.s32 $0x100  }
0x25: {  	[tilespmem:s10], [sflag:$0x2] =	stream.indirect.gather [hbm4b:s1+s11], $0x1, s23, s11, $0xb8;
	[tilespmem:$0x10A00] =	vst v63  }
0x26: {  	s10 =	simm.s32 $0x300;
	s23 =	simm.s32 $0x10700  }
0x27: {  	[tilespmem:s23], [sflag:$0x2] =	stream.indirect.gather [hbm4b:s4+s11], $0x1, s10, s11, $0xb8;
	[tilespmem:$0x10A00] =	vst v63  }
0x28: {  	s10 =	simm.s32 $0x180;
	s23 =	simm.s32 $0x10580  }
0x29: {  	[tilespmem:s23], [sflag:$0x2] =	stream.indirect.gather [hbm4b:s1+s11], $0x1, s10, s11, $0xb8;
	[tilespmem:$0x10A00] =	vst v63  }
0x2a: {  	s10 =	simm.s32 $0x380;
	s23 =	simm.s32 $0x10780  }
0x2b: {  	[tilespmem:s23], [sflag:$0x2] =	stream.indirect.gather [hbm4b:s4+s11], $0x1, s10, s11, $0xb8;
	[tilespmem:$0x10A00] =	vst v63  }
0x2c: {  	s23 =	simm.s32 $0x0  }
.LBB2_2:
0x2d: {  	s10 =	sshra.s32 s23, $0x2  }
0x2e: {  	v1 =	vld [tilespmem:s10+$0x0];
	_ =	sdelay $0x4  }
0x2f: {  	s5 =	rddreg [dreg:$0x7];
	v32 =	vand.u32 $0xFFFFFF80, v1  }
0x30: {  	v33 =	vadd.s32 s5, v32  }
0x31: {  	(v2sf) =	vpush v33, $0x0;
	_ =	sdelay $0x1  }
0x32: {  	(v2sf) =	vpush v33, $0x1;
	_ =	sdelay $0x1  }
0x33: {  	(v2sf) =	vpush v33, $0x2;
	_ =	sdelay $0x1  }
0x34: {  	(v2sf) =	vpush v33, $0x3;
	_ =	sdelay $0x1  }
0x35: {  	(v2sf) =	vpush v33, $0x4;
	_ =	sdelay $0x1  }
0x36: {  	(v2sf) =	vpush v33, $0x5;
	_ =	sdelay $0x1  }
0x37: {  	(v2sf) =	vpush v33, $0x6;
	_ =	sdelay $0x1  }
0x38: {  	(v2sf) =	vpush v33, $0x7  }
0x39: {  	s5 =	spop (v2sf)  }
0x3a: {  	v32 =	vld [tilespmem:s10+$0x200];
	(v2sf) =	vpush v33, $0x8;
	[tilespmem:s26], [sflag:$0x1] =	stream.strided.gather [hbm4b:s5+s26], $0x1000, s24, s26, $0x38  }
0x3b: {  	s5 =	spop (v2sf)  }
0x3c: {  	(v2sf) =	vpush v33, $0x9;
	[tilespmem:s28], [sflag:$0x1] =	stream.strided.gather [hbm4b:s5+s26], $0x1000, s24, s26, $0x38;
	[tilespmem:$0x10A00] =	vst v63  }
0x3d: {  	s5 =	spop (v2sf)  }
0x3e: {  	(v2sf) =	vpush v33, $0xA;
	[tilespmem:s29], [sflag:$0x1] =	stream.strided.gather [hbm4b:s5+s26], $0x1000, s24, s26, $0x38;
	[tilespmem:$0x10A00] =	vst v63  }
0x3f: {  	s5 =	spop (v2sf)  }
0x40: {  	(v2sf) =	vpush v33, $0xB;
	[tilespmem:s30], [sflag:$0x1] =	stream.strided.gather [hbm4b:s5+s26], $0x1000, s24, s26, $0x38;
	[tilespmem:$0x10A00] =	vst v63  }
0x41: {  	s5 =	spop (v2sf)  }
0x42: {  	(v2sf) =	vpush v33, $0xC;
	[tilespmem:s31], [sflag:$0x1] =	stream.strided.gather [hbm4b:s5+s26], $0x1000, s24, s26, $0x38;
	[tilespmem:$0x10A00] =	vst v63  }
0x43: {  	s5 =	spop (v2sf)  }
0x44: {  	(v2sf) =	vpush v33, $0xD;
	[tilespmem:s0], [sflag:$0x1] =	stream.strided.gather [hbm4b:s5+s26], $0x1000, s24, s26, $0x38;
	[tilespmem:$0x10A00] =	vst v63  }
0x45: {  	s5 =	spop (v2sf)  }
0x46: {  	(v2sf) =	vpush v33, $0xE;
	[tilespmem:s2], [sflag:$0x1] =	stream.strided.gather [hbm4b:s5+s26], $0x1000, s24, s26, $0x38;
	[tilespmem:$0x10A00] =	vst v63  }
0x47: {  	s5 =	spop (v2sf)  }
0x48: {  	(v2sf) =	vpush v33, $0xF;
	[tilespmem:s12], [sflag:$0x1] =	stream.strided.gather [hbm4b:s5+s26], $0x1000, s24, s26, $0x38;
	[tilespmem:$0x10A00] =	vst v63  }
0x49: {  	s5 =	spop (v2sf)  }
0x4a: {  	[tilespmem:s13], [sflag:$0x1] =	stream.strided.gather [hbm4b:s5+s26], $0x1000, s24, s26, $0x38;
	[tilespmem:$0x10A00] =	vst v63  }
0x4b: {  	s5 =	spop (v2sf)  }
0x4c: {  	[tilespmem:s14], [sflag:$0x1] =	stream.strided.gather [hbm4b:s5+s26], $0x1000, s24, s26, $0x38;
	[tilespmem:$0x10A00] =	vst v63  }
0x4d: {  	s5 =	spop (v2sf)  }
0x4e: {  	[tilespmem:s15], [sflag:$0x1] =	stream.strided.gather [hbm4b:s5+s26], $0x1000, s24, s26, $0x38;
	[tilespmem:$0x10A00] =	vst v63  }
0x4f: {  	s5 =	spop (v2sf)  }
0x50: {  	[tilespmem:s16], [sflag:$0x1] =	stream.strided.gather [hbm4b:s5+s26], $0x1000, s24, s26, $0x38;
	[tilespmem:$0x10A00] =	vst v63  }
0x51: {  	s5 =	spop (v2sf)  }
0x52: {  	[tilespmem:s17], [sflag:$0x1] =	stream.strided.gather [hbm4b:s5+s26], $0x1000, s24, s26, $0x38;
	[tilespmem:$0x10A00] =	vst v63  }
0x53: {  	s5 =	spop (v2sf)  }
0x54: {  	[tilespmem:s18], [sflag:$0x1] =	stream.strided.gather [hbm4b:s5+s26], $0x1000, s24, s26, $0x38;
	[tilespmem:$0x10A00] =	vst v63  }
0x55: {  	s5 =	spop (v2sf)  }
0x56: {  	[tilespmem:s19], [sflag:$0x1] =	stream.strided.gather [hbm4b:s5+s26], $0x1000, s24, s26, $0x38;
	[tilespmem:$0x10A00] =	vst v63  }
0x57: {  	s5 =	spop (v2sf)  }
0x58: {  	[tilespmem:s20], [sflag:$0x1] =	stream.strided.gather [hbm4b:s5+s26], $0x1000, s24, s26, $0x38;
	[tilespmem:$0x10A00] =	vst v63  }
0x59: {  	_ =	swait.ge [sflag:s21], $0x1000  }
0x5a: {  	[sflag:s21] =	ssyncset.done $0x0  }
0x5b: {  	[sflag:s21] =	ssyncadd.s32 $0xFFFFF000  }
0x5c: {  	_ =	swait.ge [sflag:s21], $0x1000  }
0x5d: {  	[sflag:s21] =	ssyncset.done $0x0  }
0x5e: {  	[sflag:s21] =	ssyncadd.s32 $0xFFFFF000  }
0x5f: {  	_ =	swait.ge [sflag:s21], $0x1000  }
0x60: {  	[sflag:s21] =	ssyncset.done $0x0  }
0x61: {  	[sflag:s21] =	ssyncadd.s32 $0xFFFFF000  }
0x62: {  	_ =	swait.ge [sflag:s21], $0x1000  }
0x63: {  	[sflag:s21] =	ssyncset.done $0x0  }
0x64: {  	[sflag:s21] =	ssyncadd.s32 $0xFFFFF000  }
0x65: {  	_ =	swait.ge [sflag:s21], $0x1000  }
0x66: {  	[sflag:s21] =	ssyncset.done $0x0  }
0x67: {  	[sflag:s21] =	ssyncadd.s32 $0xFFFFF000  }
0x68: {  	_ =	swait.ge [sflag:s21], $0x1000  }
0x69: {  	[sflag:s21] =	ssyncset.done $0x0  }
0x6a: {  	[sflag:s21] =	ssyncadd.s32 $0xFFFFF000  }
0x6b: {  	_ =	swait.ge [sflag:s21], $0x1000  }
0x6c: {  	[sflag:s21] =	ssyncset.done $0x0  }
0x6d: {  	[sflag:s21] =	ssyncadd.s32 $0xFFFFF000  }
0x6e: {  	_ =	swait.ge [sflag:s21], $0x1000  }
0x6f: {  	[sflag:s21] =	ssyncset.done $0x0  }
0x70: {  	[sflag:s21] =	ssyncadd.s32 $0xFFFFF000  }
0x71: {  	_ =	swait.ge [sflag:s21], $0x1000  }
0x72: {  	[sflag:s21] =	ssyncset.done $0x0  }
0x73: {  	[sflag:s21] =	ssyncadd.s32 $0xFFFFF000  }
0x74: {  	_ =	swait.ge [sflag:s21], $0x1000  }
0x75: {  	[sflag:s21] =	ssyncset.done $0x0  }
0x76: {  	[sflag:s21] =	ssyncadd.s32 $0xFFFFF000  }
0x77: {  	_ =	swait.ge [sflag:s21], $0x1000  }
0x78: {  	[sflag:s21] =	ssyncset.done $0x0  }
0x79: {  	[sflag:s21] =	ssyncadd.s32 $0xFFFFF000  }
0x7a: {  	_ =	swait.ge [sflag:s21], $0x1000  }
0x7b: {  	[sflag:s21] =	ssyncset.done $0x0  }
0x7c: {  	[sflag:s21] =	ssyncadd.s32 $0xFFFFF000  }
0x7d: {  	_ =	swait.ge [sflag:s21], $0x1000  }
0x7e: {  	[sflag:s21] =	ssyncset.done $0x0  }
0x7f: {  	[sflag:s21] =	ssyncadd.s32 $0xFFFFF000  }
0x80: {  	_ =	swait.ge [sflag:s21], $0x1000  }
0x81: {  	[sflag:s21] =	ssyncset.done $0x0  }
0x82: {  	[sflag:s21] =	ssyncadd.s32 $0xFFFFF000  }
0x83: {  	v33 =	vand.u32 $0x7F, v1;
	_ =	swait.ge [sflag:s21], $0x1000  }
0x84: {  	v34 =	vor.u32 v5, v33;
	[sflag:s21] =	ssyncset.done $0x0  }
0x85: {  	v35 =	vor.u32 v6, v33;
	[sflag:s21] =	ssyncadd.s32 $0xFFFFF000  }
0x86: {  	v55 =	vor.u32 v9, v33;
	_ =	swait.ge [sflag:s21], $0x1000  }
0x87: {  	v46 =	vor.u32 v12, v33;
	[sflag:s21] =	ssyncset.done $0x0  }
0x88: {  	v36 =	vor.u32 v30, v33;
	[sflag:s21] =	ssyncadd.s32 $0xFFFFF000  }
0x89: {  	v37 =	vor.u32 v3, v33;
	v63 =	vld.idx.msk [tilespmem:v34+s26+$0x0], $0xffff  }
0x8a: {  	v45 =	vor.u32 v11, v33;
	v62 =	vld.idx.msk [tilespmem:v35+s26+$0x0], $0xffff  }
0x8b: {  	v48 =	vor.u32 v14, v33;
	v58 =	vld.idx.msk [tilespmem:v55+s26+$0x0], $0xffff  }
0x8c: {  	v55 =	vld.idx.msk [tilespmem:v46+s26+$0x0], $0xffff;
	v46 =	vor.u32 v19, v33  }
0x8d: {  	v61 =	vld.idx.msk [tilespmem:v36+s26+$0x0], $0xffff;
	v36 =	vor.u32 v21, v33  }
0x8e: {  	v60 =	vld.idx.msk [tilespmem:v37+s26+$0x0], $0xffff;
	v34 =	vor.u32 v24, v33  }
0x8f: {  	v43 =	vor.u32 v10, v33;
	v56 =	vld.idx.msk [tilespmem:v45+s26+$0x0], $0xffff  }
0x90: {  	v49 =	vor.u32 v15, v33;
	v53 =	vld.idx.msk [tilespmem:v48+s26+$0x0], $0xffff  }
0x91: {  	v45 =	vor.u32 v18, v33;
	v48 =	vld.idx.msk [tilespmem:v46+s26+$0x0], $0xffff  }
0x92: {  	v37 =	vor.u32 v22, v33;
	v46 =	vld.idx.msk [tilespmem:v36+s26+$0x0], $0xffff  }
0x93: {  	v36 =	vor.u32 v26, v33;
	v2 =	vld.idx.msk [tilespmem:v34+s26+$0x0], $0xffff  }
0x94: {  	v38 =	vor.u32 v8, v33;
	v57 =	vld.idx.msk [tilespmem:v43+s26+$0x0], $0xffff  }
0x95: {  	v47 =	vor.u32 v13, v33;
	v52 =	vld.idx.msk [tilespmem:v49+s26+$0x0], $0xffff  }
0x96: {  	v39 =	vand.u32 $0xFFFFFF80, v32;
	v50 =	vor.u32 v16, v33;
	s5 =	rddreg [dreg:$0x8];
	v49 =	vld.idx.msk [tilespmem:v45+s26+$0x0], $0xffff  }
0x97: {  	v0 =	vadd.s32 s5, v39;
	v43 =	vor.u32 v17, v33;
	v45 =	vld.idx.msk [tilespmem:v37+s26+$0x0], $0xffff  }
0x98: {  	(v2sf) =	vpush v0, $0x0;
	v37 =	vor.u32 v27, v33;
	[tilespmem:$0x1FFA0] =	vst v2;
	v2 =	vld.idx.msk [tilespmem:v36+s26+$0x0], $0xffff  }
0x99: {  	v59 =	vld.idx.msk [tilespmem:v38+s26+$0x0], $0xffff;
	v38 =	vor.u32 v28, v33  }
0x9a: {  	v1 =	vor.u32 v4, v33;
	v54 =	vld.idx.msk [tilespmem:v47+s26+$0x0], $0xffff;
	(v2sf) =	vpush v0, $0x1  }
0x9b: {  	v51 =	vld.idx.msk [tilespmem:v50+s26+$0x0], $0xffff;
	v35 =	vor.u32 v25, v33  }
0x9c: {  	(v2sf) =	vpush v0, $0x2;
	v50 =	vld.idx.msk [tilespmem:v43+s26+$0x0], $0xffff;
	v34 =	vor.u32 v29, v33  }
0x9d: {  	v47 =	vor.u32 v20, v33;
	[tilespmem:$0x1FFB0] =	vst v2;
	v2 =	vld.idx.msk [tilespmem:v37+s26+$0x0], $0xffff  }
0x9e: {  	(v2sf) =	vpush v0, $0x3;
	v43 =	vor.u32 v23, v33;
	v37 =	vld.idx.msk [tilespmem:v38+s26+$0x0], $0xffff  }
0x9f: {  	v1 =	vld.idx.msk [tilespmem:v1+s26+$0x0], $0xffff;
	v36 =	vor.u32 v44, v33  }
0xa0: {  	v39 =	vmov v41;
	(v2sf) =	vpush v0, $0x4;
	v41 =	vld.idx.msk [tilespmem:v35+s26+$0x0], $0xffff;
	v35 =	vor.u32 v7, v33  }
0xa1: {  	v38 =	vmovc v28;
	v28 =	vmov v19;
	v19 =	vmov v10;
	v10 =	vld.idx.msk [tilespmem:v34+s26+$0x0], $0xffff;
	v34 =	vor.u32 v39, v33  }
0xa2: {  	v47 =	vld.idx.msk [tilespmem:v47+s26+$0x0], $0xffff;
	(v2sf) =	vpush v0, $0x5;
	[tilespmem:$0x1FFC0] =	vst v2;
	v2 =	vor.u32 v40, v33  }
0xa3: {  	v43 =	vld.idx.msk [tilespmem:v43+s26+$0x0], $0xffff;
	[tilespmem:$0x1FFD0] =	vst v37;
	v37 =	vmovc v25;
	v25 =	vmov v16;
	v16 =	vmov v3;
	v3 =	vor.u32 v42, v33  }
0xa4: {  	(v2sf) =	vpush v0, $0x6;
	v36 =	vld.idx.msk [tilespmem:v36+s26+$0x0], $0xffff  }
0xa5: {  	v33 =	vld.idx.msk [tilespmem:v35+s26+$0x0], $0xffff  }
0xa6: {  	(v2sf) =	vpush v0, $0x7;
	v34 =	vld.idx.msk [tilespmem:v34+s26+$0x0], $0xffff  }
0xa7: {  	s5 =	spop (v2sf);
	v35 =	vld.idx.msk [tilespmem:v2+s26+$0x0], $0xffff  }
0xa8: {  	(v2sf) =	vpush v0, $0x8;
	v2 =	vld.idx.msk [tilespmem:v3+s26+$0x0], $0xffff;
	[tilespmem:s26], [sflag:$0x1] =	stream.strided.gather [hbm4b:s5+s26], $0x1000, s24, s26, $0x38  }
0xa9: {  	s5 =	spop (v2sf)  }
0xaa: {  	(v2sf) =	vpush v0, $0x9;
	[tilespmem:s28], [sflag:$0x1] =	stream.strided.gather [hbm4b:s5+s26], $0x1000, s24, s26, $0x38;
	[tilespmem:$0x10A00] =	vst v63  }
0xab: {  	s5 =	spop (v2sf)  }
0xac: {  	(v2sf) =	vpush v0, $0xA;
	[tilespmem:s29], [sflag:$0x1] =	stream.strided.gather [hbm4b:s5+s26], $0x1000, s24, s26, $0x38;
	[tilespmem:$0x10A00] =	vst v63  }
0xad: {  	s5 =	spop (v2sf)  }
0xae: {  	(v2sf) =	vpush v0, $0xB;
	[tilespmem:s30], [sflag:$0x1] =	stream.strided.gather [hbm4b:s5+s26], $0x1000, s24, s26, $0x38;
	[tilespmem:$0x10A00] =	vst v63  }
0xaf: {  	s5 =	spop (v2sf)  }
0xb0: {  	(v2sf) =	vpush v0, $0xC;
	[tilespmem:s31], [sflag:$0x1] =	stream.strided.gather [hbm4b:s5+s26], $0x1000, s24, s26, $0x38;
	[tilespmem:$0x10A00] =	vst v63  }
0xb1: {  	s5 =	spop (v2sf)  }
0xb2: {  	(v2sf) =	vpush v0, $0xD;
	[tilespmem:s0], [sflag:$0x1] =	stream.strided.gather [hbm4b:s5+s26], $0x1000, s24, s26, $0x38;
	[tilespmem:$0x10A00] =	vst v63  }
0xb3: {  	s5 =	spop (v2sf)  }
0xb4: {  	(v2sf) =	vpush v0, $0xE;
	[tilespmem:s2], [sflag:$0x1] =	stream.strided.gather [hbm4b:s5+s26], $0x1000, s24, s26, $0x38;
	[tilespmem:$0x10A00] =	vst v63  }
0xb5: {  	s5 =	spop (v2sf)  }
0xb6: {  	(v2sf) =	vpush v0, $0xF;
	[tilespmem:s12], [sflag:$0x1] =	stream.strided.gather [hbm4b:s5+s26], $0x1000, s24, s26, $0x38;
	[tilespmem:$0x10A00] =	vst v63  }
0xb7: {  	s5 =	spop (v2sf)  }
0xb8: {  	[tilespmem:s13], [sflag:$0x1] =	stream.strided.gather [hbm4b:s5+s26], $0x1000, s24, s26, $0x38;
	[tilespmem:$0x10A00] =	vst v63  }
0xb9: {  	s5 =	spop (v2sf)  }
0xba: {  	[tilespmem:s14], [sflag:$0x1] =	stream.strided.gather [hbm4b:s5+s26], $0x1000, s24, s26, $0x38;
	[tilespmem:$0x10A00] =	vst v63  }
0xbb: {  	s5 =	spop (v2sf)  }
0xbc: {  	[tilespmem:s15], [sflag:$0x1] =	stream.strided.gather [hbm4b:s5+s26], $0x1000, s24, s26, $0x38;
	[tilespmem:$0x10A00] =	vst v63  }
0xbd: {  	s5 =	spop (v2sf)  }
0xbe: {  	[tilespmem:s16], [sflag:$0x1] =	stream.strided.gather [hbm4b:s5+s26], $0x1000, s24, s26, $0x38;
	[tilespmem:$0x10A00] =	vst v63  }
0xbf: {  	s5 =	spop (v2sf)  }
0xc0: {  	[tilespmem:s17], [sflag:$0x1] =	stream.strided.gather [hbm4b:s5+s26], $0x1000, s24, s26, $0x38;
	[tilespmem:$0x10A00] =	vst v63  }
0xc1: {  	s5 =	spop (v2sf)  }
0xc2: {  	[tilespmem:s18], [sflag:$0x1] =	stream.strided.gather [hbm4b:s5+s26], $0x1000, s24, s26, $0x38;
	[tilespmem:$0x10A00] =	vst v63  }
0xc3: {  	[tilespmem:$0x1FFE0] =	vst v10;
	s5 =	spop (v2sf)  }
0xc4: {  	[tilespmem:s19], [sflag:$0x1] =	stream.strided.gather [hbm4b:s5+s26], $0x1000, s24, s26, $0x38;
	[tilespmem:$0x10A00] =	vst v63  }
0xc5: {  	[tilespmem:$0x1FFF0] =	vst v2;
	s5 =	spop (v2sf)  }
0xc6: {  	[tilespmem:s20], [sflag:$0x1] =	stream.strided.gather [hbm4b:s5+s26], $0x1000, s24, s26, $0x38;
	[tilespmem:$0x10A00] =	vst v63  }
0xc7: {  	_ =	swait.ge [sflag:s21], $0x1000  }
0xc8: {  	[sflag:s21] =	ssyncset.done $0x0  }
0xc9: {  	[sflag:s21] =	ssyncadd.s32 $0xFFFFF000  }
0xca: {  	_ =	swait.ge [sflag:s21], $0x1000  }
0xcb: {  	[sflag:s21] =	ssyncset.done $0x0  }
0xcc: {  	[sflag:s21] =	ssyncadd.s32 $0xFFFFF000  }
0xcd: {  	_ =	swait.ge [sflag:s21], $0x1000  }
0xce: {  	[sflag:s21] =	ssyncset.done $0x0  }
0xcf: {  	[sflag:s21] =	ssyncadd.s32 $0xFFFFF000  }
0xd0: {  	_ =	swait.ge [sflag:s21], $0x1000  }
0xd1: {  	[sflag:s21] =	ssyncset.done $0x0  }
0xd2: {  	[sflag:s21] =	ssyncadd.s32 $0xFFFFF000  }
0xd3: {  	_ =	swait.ge [sflag:s21], $0x1000  }
0xd4: {  	[sflag:s21] =	ssyncset.done $0x0  }
0xd5: {  	[sflag:s21] =	ssyncadd.s32 $0xFFFFF000  }
0xd6: {  	_ =	swait.ge [sflag:s21], $0x1000  }
0xd7: {  	[sflag:s21] =	ssyncset.done $0x0  }
0xd8: {  	[sflag:s21] =	ssyncadd.s32 $0xFFFFF000  }
0xd9: {  	_ =	swait.ge [sflag:s21], $0x1000  }
0xda: {  	[sflag:s21] =	ssyncset.done $0x0  }
0xdb: {  	[sflag:s21] =	ssyncadd.s32 $0xFFFFF000  }
0xdc: {  	_ =	swait.ge [sflag:s21], $0x1000  }
0xdd: {  	[sflag:s21] =	ssyncset.done $0x0  }
0xde: {  	[sflag:s21] =	ssyncadd.s32 $0xFFFFF000  }
0xdf: {  	_ =	swait.ge [sflag:s21], $0x1000  }
0xe0: {  	[sflag:s21] =	ssyncset.done $0x0  }
0xe1: {  	[sflag:s21] =	ssyncadd.s32 $0xFFFFF000  }
0xe2: {  	_ =	swait.ge [sflag:s21], $0x1000  }
0xe3: {  	[sflag:s21] =	ssyncset.done $0x0  }
0xe4: {  	[sflag:s21] =	ssyncadd.s32 $0xFFFFF000  }
0xe5: {  	_ =	swait.ge [sflag:s21], $0x1000  }
0xe6: {  	[sflag:s21] =	ssyncset.done $0x0  }
0xe7: {  	[sflag:s21] =	ssyncadd.s32 $0xFFFFF000  }
0xe8: {  	_ =	swait.ge [sflag:s21], $0x1000  }
0xe9: {  	[sflag:s21] =	ssyncset.done $0x0  }
0xea: {  	[sflag:s21] =	ssyncadd.s32 $0xFFFFF000  }
0xeb: {  	_ =	swait.ge [sflag:s21], $0x1000  }
0xec: {  	[sflag:s21] =	ssyncset.done $0x0  }
0xed: {  	[sflag:s21] =	ssyncadd.s32 $0xFFFFF000  }
0xee: {  	_ =	swait.ge [sflag:s21], $0x1000  }
0xef: {  	[sflag:s21] =	ssyncset.done $0x0  }
0xf0: {  	[sflag:s21] =	ssyncadd.s32 $0xFFFFF000  }
0xf1: {  	v0 =	vand.u32 $0x7F, v32;
	_ =	swait.ge [sflag:s21], $0x1000  }
0xf2: {  	v2 =	vor.u32 v4, v0;
	[sflag:s21] =	ssyncset.done $0x0  }
0xf3: {  	[sflag:s21] =	ssyncadd.s32 $0xFFFFF000  }
0xf4: {  	v3 =	vor.u32 v5, v0;
	_ =	swait.ge [sflag:s21], $0x1000  }
0xf5: {  	[sflag:s21] =	ssyncset.done $0x0  }
0xf6: {  	v32 =	vor.u32 v6, v0;
	[sflag:s21] =	ssyncadd.s32 $0xFFFFF000  }
0xf7: {  	v2 =	vld.idx.msk [tilespmem:v2+s26+$0x0], $0xffff  }
0xf8: {  	v10 =	vmov v6;
	v6 =	vmov v4;
	v4 =	vor.u32 v30, v0  }
0xf9: {  	v3 =	vld.idx.msk [tilespmem:v3+s26+$0x0], $0xffff  }
0xfa: {  	v31 =	vmovc v22;
	v22 =	vmov v13;
	v13 =	vmov v5;
	v5 =	vor.u32 v16, v0  }
0xfb: {  	v32 =	vld.idx.msk [tilespmem:v32+s26+$0x0], $0xffff  }
0xfc: {  	v1 =	vmul.f32 v2, v1;
	v2 =	vor.u32 v8, v0  }
0xfd: {  	v4 =	vld.idx.msk [tilespmem:v4+s26+$0x0], $0xffff  }
0xfe: {  	v3 =	vmul.f32 v3, v63;
	v63 =	vor.u32 v9, v0;
	v1 =	vadd.f32 $0.0e+00, v1  }
0xff: {  	v5 =	vld.idx.msk [tilespmem:v5+s26+$0x0], $0xffff  }
0x100: {  	v1 =	vadd.f32 v3, v1;
	v3 =	vmul.f32 v32, v62;
	v32 =	vor.u32 v19, v0  }
0x101: {  	v2 =	vld.idx.msk [tilespmem:v2+s26+$0x0], $0xffff  }
0x102: {  	v1 =	vadd.f32 v3, v1;
	v3 =	vmul.f32 v4, v61;
	v4 =	vor.u32 v11, v0  }
0x103: {  	v61 =	vld.idx.msk [tilespmem:v63+s26+$0x0], $0xffff  }
0x104: {  	v1 =	vadd.f32 v3, v1;
	v3 =	vmul.f32 v5, v60;
	v5 =	vor.u32 v12, v0  }
0x105: {  	v32 =	vld.idx.msk [tilespmem:v32+s26+$0x0], $0xffff  }
0x106: {  	v1 =	vadd.f32 v3, v1;
	v2 =	vmul.f32 v2, v59;
	v3 =	vor.u32 v22, v0  }
0x107: {  	v4 =	vld.idx.msk [tilespmem:v4+s26+$0x0], $0xffff  }
0x108: {  	v60 =	vor.u32 v14, v0;
	v1 =	vadd.f32 v2, v1;
	v2 =	vmul.f32 v61, v58  }
0x109: {  	v5 =	vld.idx.msk [tilespmem:v5+s26+$0x0], $0xffff  }
0x10a: {  	v61 =	vor.u32 v15, v0;
	v1 =	vadd.f32 v2, v1;
	v2 =	vmul.f32 v32, v57  }
0x10b: {  	v3 =	vld.idx.msk [tilespmem:v3+s26+$0x0], $0xffff  }
0x10c: {  	v1 =	vadd.f32 v2, v1;
	v2 =	vmul.f32 v4, v56;
	v4 =	vor.u32 v25, v0  }
0x10d: {  	v62 =	vld.idx.msk [tilespmem:v60+s26+$0x0], $0xffff  }
0x10e: {  	v1 =	vadd.f32 v2, v1;
	v2 =	vmul.f32 v5, v55;
	v5 =	vor.u32 v17, v0  }
0x10f: {  	v32 =	vld.idx.msk [tilespmem:v61+s26+$0x0], $0xffff  }
0x110: {  	v1 =	vadd.f32 v2, v1;
	v2 =	vmul.f32 v3, v54;
	v3 =	vor.u32 v18, v0  }
0x111: {  	v4 =	vld.idx.msk [tilespmem:v4+s26+$0x0], $0xffff  }
0x112: {  	v63 =	vor.u32 v28, v0;
	v1 =	vadd.f32 v2, v1;
	v2 =	vmul.f32 v62, v53  }
0x113: {  	v5 =	vld.idx.msk [tilespmem:v5+s26+$0x0], $0xffff  }
0x114: {  	v56 =	vor.u32 v20, v0;
	v1 =	vadd.f32 v2, v1;
	v2 =	vmul.f32 v32, v52  }
0x115: {  	v3 =	vld.idx.msk [tilespmem:v3+s26+$0x0], $0xffff  }
0x116: {  	v1 =	vadd.f32 v2, v1;
	v2 =	vmul.f32 v4, v51;
	v4 =	vor.u32 v21, v0  }
0x117: {  	v57 =	vld.idx.msk [tilespmem:v63+s26+$0x0], $0xffff  }
0x118: {  	v1 =	vadd.f32 v2, v1;
	v2 =	vmul.f32 v5, v50;
	v5 =	vor.u32 v31, v0  }
0x119: {  	v32 =	vld.idx.msk [tilespmem:v56+s26+$0x0], $0xffff  }
0x11a: {  	v1 =	vadd.f32 v2, v1;
	v2 =	vmul.f32 v3, v49;
	v3 =	vor.u32 v23, v0  }
0x11b: {  	v4 =	vld.idx.msk [tilespmem:v4+s26+$0x0], $0xffff  }
0x11c: {  	v1 =	vadd.f32 v2, v1;
	v2 =	vmul.f32 v57, v48  }
0x11d: {  	v5 =	vld.idx.msk [tilespmem:v5+s26+$0x0], $0xffff  }
0x11e: {  	v1 =	vadd.f32 v2, v1;
	v2 =	vmul.f32 v32, v47  }
0x11f: {  	v3 =	vld.idx.msk [tilespmem:v3+s26+$0x0], $0xffff  }
0x120: {  	v58 =	vor.u32 v24, v0;
	v1 =	vadd.f32 v2, v1;
	v2 =	vmul.f32 v4, v46;
	_ =	sdelay $0x1  }
0x121: {  	v1 =	vadd.f32 v2, v1;
	v2 =	vmul.f32 v5, v45  }
0x122: {  	v59 =	vor.u32 v37, v0  }
0x123: {  	v1 =	vadd.f32 v2, v1;
	v2 =	vmul.f32 v3, v43  }
0x124: {  	v60 =	vld.idx.msk [tilespmem:v58+s26+$0x0], $0xffff  }
0x125: {  	v1 =	vadd.f32 v2, v1;
	v2 =	vld [tilespmem:$0x1FFA0];
	_ =	sdelay $0x1  }
0x126: {  	v32 =	vld.idx.msk [tilespmem:v59+s26+$0x0], $0xffff  }
0x127: {  	v4 =	vor.u32 v26, v0;
	_ =	sdelay $0x1  }
0x128: {  	v2 =	vmul.f32 v60, v2;
	_ =	sdelay $0x1  }
0x129: {  	v1 =	vadd.f32 v2, v1;
	v2 =	vmul.f32 v32, v41  }
0x12a: {  	v4 =	vld.idx.msk [tilespmem:v4+s26+$0x0], $0xffff  }
0x12b: {  	v1 =	vadd.f32 v2, v1;
	v2 =	vld [tilespmem:$0x1FFB0]  }
0x12c: {  	v5 =	vor.u32 v27, v0;
	_ =	sdelay $0x3  }
0x12d: {  	v2 =	vmul.f32 v4, v2  }
0x12e: {  	v5 =	vld.idx.msk [tilespmem:v5+s26+$0x0], $0xffff  }
0x12f: {  	v1 =	vadd.f32 v2, v1;
	v2 =	vld [tilespmem:$0x1FFC0]  }
0x130: {  	v3 =	vor.u32 v38, v0;
	_ =	sdelay $0x3  }
0x131: {  	v2 =	vmul.f32 v5, v2  }
0x132: {  	v3 =	vld.idx.msk [tilespmem:v3+s26+$0x0], $0xffff  }
0x133: {  	v1 =	vadd.f32 v2, v1;
	v2 =	vld [tilespmem:$0x1FFD0]  }
0x134: {  	v61 =	vor.u32 v29, v0;
	_ =	sdelay $0x2  }
0x135: {  	v62 =	vor.u32 v7, v0  }
0x136: {  	v2 =	vmul.f32 v3, v2  }
0x137: {  	v63 =	vld.idx.msk [tilespmem:v61+s26+$0x0], $0xffff;
	v4 =	vor.u32 v44, v0  }
0x138: {  	v1 =	vadd.f32 v2, v1;
	v2 =	vld [tilespmem:$0x1FFE0]  }
0x139: {  	v5 =	vor.u32 v40, v0  }
0x13a: {  	v32 =	vld.idx.msk [tilespmem:v62+s26+$0x0], $0xffff;
	_ =	sdelay $0x1  }
0x13b: {  	v4 =	vld.idx.msk [tilespmem:v4+s26+$0x0], $0xffff  }
0x13c: {  	v2 =	vmul.f32 v63, v2  }
0x13d: {  	v5 =	vld.idx.msk [tilespmem:v5+s26+$0x0], $0xffff  }
0x13e: {  	v3 =	vor.u32 v42, v0;
	v1 =	vadd.f32 v2, v1;
	v2 =	vmul.f32 v32, v33;
	_ =	sdelay $0x1  }
0x13f: {  	v1 =	vadd.f32 v2, v1;
	v2 =	vmul.f32 v4, v36  }
0x140: {  	v0 =	vor.u32 v39, v0  }
0x141: {  	v1 =	vadd.f32 v2, v1;
	v2 =	vmul.f32 v5, v35  }
0x142: {  	v3 =	vld.idx.msk [tilespmem:v3+s26+$0x0], $0xffff  }
0x143: {  	v1 =	vadd.f32 v2, v1;
	v2 =	vld [tilespmem:$0x1FFF0];
	_ =	sdelay $0x1  }
0x144: {  	v0 =	vld.idx.msk [tilespmem:v0+s26+$0x0], $0xffff;
	_ =	sdelay $0x2  }
0x145: {  	v2 =	vmul.f32 v3, v2  }
0x146: {  	p0 =	sne.s32 s23, $0x7C0  }
.Ltmp0:
0x147: {  	v0 =	vmul.f32 v0, v34;
	v1 =	vadd.f32 v2, v1;
	(pc) =	sbr.rel @p0 .LBB2_2-.Ltmp0, $4  }
0x148: {  	_ = 	snop  }
0x149: {  	v41 =	vmov v39;
	v4 =	vmov v6;
	v0 =	vadd.f32 v0, v1  }
0x14a: {  	v6 =	vmovc v10;
	v10 =	vmovc v19;
	v19 =	vmov v28;
	v28 =	vmov v38;
	v5 =	vmov v13  }
0x14b: {  	s23 =	sadd.s32 $0x40, s23;
	v13 =	vmovc v22;
	v22 =	vmovc v31;
	v3 =	vmov v16;
	v16 =	vmov v25;
	v25 =	vmov v37;
	[tilespmem:s10+$0x10800] =	vst v0  }
0x14c: {  	_ =	swait.ge [sflag:s22], $0x80  }
0x14d: {  	[sflag:s22] =	ssyncset.done $0x0  }
0x14e: {  	[sflag:s22] =	ssyncadd.s32 $0xFFFFFF80  }
0x14f: {  	_ =	swait.ge [sflag:s22], $0x80  }
0x150: {  	[sflag:s22] =	ssyncset.done $0x0  }
0x151: {  	[sflag:s22] =	ssyncadd.s32 $0xFFFFFF80  }
0x152: {  	_ =	swait.ge [sflag:s22], $0x80  }
0x153: {  	[sflag:s22] =	ssyncset.done $0x0  }
0x154: {  	[sflag:s22] =	ssyncadd.s32 $0xFFFFFF80  }
0x155: {  	_ =	swait.ge [sflag:s22], $0x80  }
0x156: {  	[sflag:s22] =	ssyncset.done $0x0  }
0x157: {  	[sflag:s22] =	ssyncadd.s32 $0xFFFFFF80  }
0x158: {  	_ =	swait.ge [sflag:s22], $0x80  }
0x159: {  	[sflag:s22] =	ssyncset.done $0x0  }
0x15a: {  	[sflag:s22] =	ssyncadd.s32 $0xFFFFFF80  }
0x15b: {  	_ =	swait.ge [sflag:s22], $0x80  }
0x15c: {  	[sflag:s22] =	ssyncset.done $0x0  }
0x15d: {  	[sflag:s22] =	ssyncadd.s32 $0xFFFFFF80  }
0x15e: {  	_ =	swait.ge [sflag:s22], $0x80  }
0x15f: {  	[sflag:s22] =	ssyncset.done $0x0  }
0x160: {  	[sflag:s22] =	ssyncadd.s32 $0xFFFFFF80  }
0x161: {  	_ =	swait.ge [sflag:s22], $0x80  }
0x162: {  	[sflag:s22] =	ssyncset.done $0x0  }
0x163: {  	s10 =	simm.s32 $0x0;
	[sflag:s22] =	ssyncadd.s32 $0xFFFFFF80  }
0x164: {  	s23 =	simm.s32 $0x40;
	v1 =	vld [tilespmem:s10+$0x10400]  }
.LBB2_4:
0x165: {  	p0 =	sne.s32 s23, $0x7C0;
	v0 =	vld [tilespmem:s10+$0x10800];
	_ =	sdelay $0x1  }
0x166: {  	v2 =	vld [tilespmem:s10+$0x10600];
	_ =	sdelay $0x2  }
.Ltmp1:
0x167: {  	v0 =	vadd.f32 v1, v0;
	(pc) =	sbr.rel @p0 .LBB2_4-.Ltmp1, $4  }
0x168: {  	_ = 	snop  }
0x169: {  	v0 =	vadd.f32 v2, v0  }
0x16a: {  	s5 =	sshra.s32 s23, $0x2  }
0x16b: {  	s23 =	sadd.s32 $0x40, s23;
	v1 =	vld [tilespmem:s5+$0x10400];
	[tilespmem:s10+$0x10800] =	vst v0;
	s10 =	smov.u32 s5  }
0x16c: {  	v0 =	vld [tilespmem:s10+$0x10800];
	_ =	sdelay $0x1  }
0x16d: {  	v2 =	vld [tilespmem:s10+$0x10600];
	_ =	sdelay $0x2  }
0x16e: {  	v0 =	vadd.f32 v1, v0;
	_ =	sdelay $0x1  }
0x16f: {  	s25 =	sadd.s32 $0x1, s25;
	v0 =	vadd.f32 v2, v0  }
0x170: {  	p0 =	sne.s32 s25, s8  }
.Ltmp2:
0x171: {  	s5 =	simm.s32 $0x10800;
	[tilespmem:s10+$0x10800] =	vst v0;
	(pc) =	sbr.rel @p0 .LBB2_1-.Ltmp2, $4  }
0x172: {  	[hbm4b:s7+s3] =	stream.linear.scatter [tilespmem:s5], [sflag:$0x3], $0x200, $0x38;
	[tilespmem:$0x10A00] =	vst v63  }
0x173: {  	_ =	swait.ge [sflag:s9], $0x200  }
0x174: {  	[sflag:s9] =	ssyncset.done $0x0  }
0x175: {  	[sflag:s9] =	ssyncadd.s32 $0xFFFFFE00  }
0x176: {  	_ =	sfence.sel $0x180000  }
0x177: {  	[bflag:$0x0] =	sbarrier.arrive $0xFFFF  }
0x178: {  	_ =	strace $0x90000047  }
0x179: {  	s0 =	stileid.u32;
	[bflag:$0x2] =	sbarrier.arrive $0xFFFF  }
0x17a: {  	p0 =	sne.s32 s0, $0x0;
	s0 =	rddreg [dreg:$0x6]  }
0x17b: {  	s0 =	sadd.s32 @!p0 $0x100000, s0  }
0x17c: {  	[sflag:s0] =	ssyncadd.tile.s32 @!p0 $0x1;
	_ =	shalt  }
.Lfunc_end2:
_tile_overlayer_lowered:
.L_overlay_start_2:
0x17d: {  	(tag) =	ssettag $0x2  }
0x17e: {  	s0 =	rddreg [dreg:$0x0];
	s2 =	stileid.u32  }
0x17f: {  	s1 =	rddreg [dreg:$0x1];
	p0 =	sne.s32 s2, $0x0  }
0x180: {  	s3 =	rddreg [dreg:$0x2];
	[bflag:$0x3] =	sbarrier.arrive $0xFFFF;
	s2 =	simm.s32 @!p0 $0x1C03  }
0x181: {  	[timem:s3], [sflag:s2] =	dma.local @!p0 [hbm:s0], s1  }
0x182: {  	s0 =	simm.s32 @!p0 $0x3  }
0x183: {  	_ =	swait.ge @!p0 [sflag:s0], s1  }
0x184: {  	s1 =	ssub.s32 @!p0 $0x0, s1;
	[sflag:s0] =	ssyncset.done @!p0 $0x0  }
0x185: {  	[sflag:s0] =	ssyncadd.s32 @!p0 s1  }
0x186: {  	[bflag:$0x3] =	sbarrier.arrive $0xFFFF  }
0x187: {  	_ =	shalt  }

</sc_bundles>
